<compile_context>
chip_gen: v7x
topology: tpu7x:2x2x1
jax: 0.10.2.dev20260603
libtpu: 0.0.44.dev20260713+nightly
codegen_flags: <defaults>
</compile_context>

<pallas_src>
import jax
import jax.numpy as jnp
from jax import lax
from jax.experimental import pallas as pl
from jax.experimental.pallas import tpu as pltpu
from jax.experimental.pallas import tpu_sc as plsc

_L = 16
_NW = 32
_WCH = 8

_SORT8 = [(0, 1), (2, 3), (4, 5), (6, 7),
          (0, 2), (1, 3), (4, 6), (5, 7),
          (1, 2), (5, 6), (0, 4), (3, 7),
          (1, 5), (2, 6),
          (1, 4), (3, 6),
          (2, 4), (3, 5),
          (3, 4)]

_BITONIC8 = [(0, 4), (1, 5), (2, 6), (3, 7),
             (0, 2), (1, 3), (4, 6), (5, 7),
             (0, 1), (2, 3), (4, 5), (6, 7)]


def _sort8(v):
    v = list(v)
    for a, b in _SORT8:
        hi = jnp.maximum(v[a], v[b])
        lo = jnp.minimum(v[a], v[b])
        v[a] = hi
        v[b] = lo
    return v


def _merge8(a, b):
    m = [jnp.maximum(a[j], b[7 - j]) for j in range(8)]
    for p, q in _BITONIC8:
        hi = jnp.maximum(m[p], m[q])
        lo = jnp.minimum(m[p], m[q])
        m[p] = hi
        m[q] = lo
    return m


def _merge8_top(a, b):
    return [jnp.maximum(a[j], b[7 - j]) for j in range(8)]


def _xmerge(a, b):
    return jnp.sort(jnp.maximum(a, jnp.flip(b)))


def _make_sc_call(B, C, D, H, W):
    NT = B * H
    NTW = NT // _NW
    NCH = W // _WCH
    NQ = NTW * NCH
    NG = C // _L
    CD = C * D
    assert NT % _NW == 0 and W % _WCH == 0 and C % _L == 0 and D == 16

    def body(x_hbm, tk_hbm, mn_hbm, buf, stg_tk, stg_mn, sem):
        nc = plsc.get_sparse_core_info().num_cores
        wid = lax.axis_index("s") * nc + lax.axis_index("c")

        def chunk_src(q):
            tid = wid + 32 * (q // NCH)
            c = q % NCH
            b = tid // H
            h = tid % H
            ws = pl.multiple_of(c * _WCH, _WCH)
            return x_hbm.at[b, :, h, pl.ds(ws, _WCH), :], b, h, c

        src0, _, _, _ = chunk_src(0)
        pltpu.make_async_copy(src0, buf.at[0], sem).start()

        def q_body(q, carry):
            restk, resmn = carry
            par = lax.rem(q, 2)
            src, b, h, c = chunk_src(q)
            pltpu.make_async_copy(src, buf.at[par], sem).wait()

            @pl.when(q < NQ - 1)
            def _():
                srcn, _, _, _ = chunk_src(q + 1)
                pltpu.make_async_copy(srcn, buf.at[1 - par], sem).start()

            iota = lax.broadcasted_iota(jnp.int32, (_L,), 0)

            def bcast_sum(vv):
                cs = plsc.cumsum(vv)
                head = jnp.where(iota == 0, jnp.flip(cs), 0.0)
                return plsc.cumsum(head)

            def one_px(pp):
                groups = []
                tot = jnp.zeros((_L,), jnp.float32)
                for g in range(NG):
                    v = [buf[par, d, pp, pl.ds(g * _L, _L)]
                         for d in range(D)]
                    s01 = (v[0] + v[1]) + (v[2] + v[3])
                    s23 = (v[4] + v[5]) + (v[6] + v[7])
                    s45 = (v[8] + v[9]) + (v[10] + v[11])
                    s67 = (v[12] + v[13]) + (v[14] + v[15])
                    tot = tot + ((s01 + s23) + (s45 + s67))
                    groups.append(_merge8(_sort8(v[0:8]), _sort8(v[8:16])))
                m01 = _merge8(groups[0], groups[1])
                m23 = _merge8(groups[2], groups[3])
                mall = _merge8_top(m01, m23)
                ss = [jnp.sort(mall[j]) for j in range(8)]
                r = _xmerge(_xmerge(_xmerge(ss[0], ss[1]),
                                    _xmerge(ss[2], ss[3])),
                            _xmerge(_xmerge(ss[4], ss[5]),
                                    _xmerge(ss[6], ss[7])))
                tk_b = bcast_sum(jnp.where(iota >= 8, r, 0.0))
                mn_b = bcast_sum(tot) * (1.0 / CD)
                return tk_b, mn_b

            def px_body(pe, cr2):
                restk, resmn = cr2
                for u in range(2):
                    pp = 2 * pe + u
                    tk_b, mn_b = one_px(pp)
                    slot = lax.rem(_WCH * c + pp, _L)
                    restk = jnp.where(iota == slot, tk_b, restk)
                    resmn = jnp.where(iota == slot, mn_b, resmn)
                return (restk, resmn)

            restk, resmn = lax.fori_loop(0, _WCH // 2, px_body,
                                         (restk, resmn))

            @pl.when((lax.rem(c, 2) == 1) | (c == NCH - 1))
            def _():
                off = (c // 2) * _L
                stg_tk[0, pl.ds(off, _L)] = restk
                stg_mn[0, pl.ds(off, _L)] = resmn

            @pl.when(c == NCH - 1)
            def _():
                pltpu.sync_copy(stg_tk, tk_hbm.at[b, h])
                pltpu.sync_copy(stg_mn, mn_hbm.at[b, h])

            return (restk, resmn)

        z = jnp.zeros((_L,), jnp.float32)
        lax.fori_loop(0, NQ, q_body, (z, z))

    mesh = plsc.VectorSubcoreMesh(core_axis_name="c", subcore_axis_name="s")
    return pl.kernel(
        body,
        out_type=[jax.ShapeDtypeStruct((B, H, 8, 64), jnp.float32),
                  jax.ShapeDtypeStruct((B, H, 8, 64), jnp.float32)],
        mesh=mesh,
        compiler_params=pltpu.CompilerParams(needs_layout_passes=False),
        scratch_types=[pltpu.VMEM((2, D, _WCH, C), jnp.float32),
                       pltpu.VMEM((8, 64), jnp.float32),
                       pltpu.VMEM((8, 64), jnp.float32),
                       pltpu.SemaphoreType.DMA],
    )


def kernel(x):
    b, c, d, h, w = x.shape
    xt = jnp.transpose(x, (0, 2, 3, 4, 1))
    tk, mn = _make_sc_call(b, c, d, h, w)(xt)
    tk = tk[:, :, 0, :w].reshape(b, 1, 1, h, w)
    mn = mn[:, :, 0, :w].reshape(b, 1, 1, h, w)
    return (tk, mn)

# --- scband reference (transcript-rebuilt; emitter-appended) ---
"""Pipeline reference for scband-cdreducer-88862873354870 (READ-ONLY COPY).

The authoritative reference and input builder live on the scoring server;
editing this copy changes nothing except your own understanding.
"""

import jax, jax.numpy as jnp
import numpy as np

K = 8

def setup_inputs(seed: int = 0) -> dict:
    key = jax.random.key(seed)
    x = jax.random.normal(key, (4, 64, 16, 56, 56), dtype=jnp.float32)
    return {"x": x}

def reference(x):
    b, c, d, h, w = x.shape
    # x.view(b, c*d, h, w)
    x_flat = x.reshape(b, c * d, h, w)
    # torch.topk along dim=1 -> move channel axis last for lax.top_k
    xt = jnp.transpose(x_flat, (0, 2, 3, 1))  # [b, h, w, c*d]
    topk_vals, _ = jax.lax.top_k(xt, K)        # [b, h, w, K]
    topk_sum = jnp.sum(topk_vals, axis=-1)     # [b, h, w]
    # sum(dim=1, keepdim=True).unsqueeze(1) -> [b, 1, 1, h, w]
    topk_mean = topk_sum[:, None, None, :, :]
    # torch.mean over dims (1, 2) keepdim -> [b, 1, 1, h, w]
    mean_CD = jnp.mean(x, axis=(1, 2), keepdims=True)
    return (topk_mean, mean_CD)

if __name__ == "__main__":
    import jax
    _d = setup_inputs()
    print(jax.jit(kernel)(*tuple(_d.values())))

</pallas_src>

<mosaic_0001>
#map = affine_map<(d0, d1) -> (0, 0, 0, 0, 0)>
#map1 = affine_map<(d0, d1) -> (0, 0, 0, 0)>
module attributes {stable_mosaic.version = 14 : i64} {
  func.func @body(%arg0: i32, %arg1: i32, %arg2: memref<4x16x56x56x64xf32, #tpu.memory_space<hbm>>, %arg3: memref<4x56x8x64xf32, #tpu.memory_space<hbm>>, %arg4: memref<4x56x8x64xf32, #tpu.memory_space<hbm>>, %arg5: memref<2x16x8x64xf32, #tpu.memory_space<vmem>>, %arg6: memref<8x64xf32, #tpu.memory_space<vmem>>, %arg7: memref<8x64xf32, #tpu.memory_space<vmem>>, %arg8: memref<!tpu.dma_semaphore, #tpu.memory_space<semaphore_mem>>) attributes {dimension_semantics = [#tpu.dimension_semantics<core_parallel>, #tpu.dimension_semantics<subcore_parallel>], iteration_bounds = array<i64: 2, 16>, scalar_prefetch = 0 : i64, scratch_operands = 4 : i64, tpu.core_type = #tpu.core_type<sc_vector_subcore>, window_params = [{transform_indices = #map}, {transform_indices = #map1}, {transform_indices = #map1}]} {
    %mul3A = arith.constant 2 : i32
    %mul3A_0 = arith.muli %arg1, %mul3A : i32
    %add3A = arith.addi %mul3A_0, %arg0 : i32
    %add3A_1 = arith.constant 0 : i32
    %add3A_2 = arith.addi %add3A, %add3A_1 : i32
    %jit3A = arith.constant 56 : i32
    %div3A = arith.divsi %add3A_2, %jit3A : i32
    %sign3A = arith.constant 0 : i32
    %sign3A_3 = arith.cmpi sgt, %add3A_2, %sign3A : i32
    %sign3A_4 = arith.extui %sign3A_3 : i1 to i32
    %sign3A_5 = arith.constant 0 : i32
    %sign3A_6 = arith.cmpi slt, %add3A_2, %sign3A_5 : i32
    %sign3A_7 = arith.extui %sign3A_6 : i1 to i32
    %sign3A_8 = arith.subi %sign3A_4, %sign3A_7 : i32
    %sign3A_9 = arith.constant 0 : i32
    %sign3A_10 = arith.cmpi sgt, %jit3A, %sign3A_9 : i32
    %sign3A_11 = arith.extui %sign3A_10 : i1 to i32
    %sign3A_12 = arith.constant 0 : i32
    %sign3A_13 = arith.cmpi slt, %jit3A, %sign3A_12 : i32
    %sign3A_14 = arith.extui %sign3A_13 : i1 to i32
    %sign3A_15 = arith.subi %sign3A_11, %sign3A_14 : i32
    %ne3A = arith.cmpi ne, %sign3A_8, %sign3A_15 : i32
    %rem3A = arith.remsi %add3A_2, %jit3A : i32
    %ne3A_16 = arith.constant 0 : i32
    %ne3A_17 = arith.cmpi ne, %rem3A, %ne3A_16 : i32
    %and3A = arith.andi %ne3A, %ne3A_17 : i1
    %sub3A = arith.constant 1 : i32
    %sub3A_18 = arith.subi %div3A, %sub3A : i32
    %select_n3A = arith.select %and3A, %sub3A_18, %div3A : i32
    %jit3A_19 = arith.constant 56 : i32
    %eq3A = arith.constant 0 : i32
    %eq3A_20 = arith.cmpi eq, %jit3A_19, %eq3A : i32
    %jit3A_21 = arith.constant 1 : i32
    %select_n3A_22 = arith.select %eq3A_20, %jit3A_21, %jit3A_19 : i32
    %rem3A_23 = arith.remsi %add3A_2, %select_n3A_22 : i32
    %ne3A_24 = arith.constant 0 : i32
    %ne3A_25 = arith.cmpi ne, %rem3A_23, %ne3A_24 : i32
    %lt3A = arith.constant 0 : i32
    %lt3A_26 = arith.cmpi slt, %rem3A_23, %lt3A : i32
    %lt3A_27 = arith.constant 0 : i32
    %lt3A_28 = arith.cmpi slt, %select_n3A_22, %lt3A_27 : i32
    %ne3A_29 = arith.xori %lt3A_26, %lt3A_28 : i1
    %and3A_30 = arith.andi %ne3A_29, %ne3A_25 : i1
    %add3A_31 = arith.addi %rem3A_23, %select_n3A_22 : i32
    %select_n3A_32 = arith.select %and3A_30, %add3A_31, %rem3A_23 : i32
    %multiple_of3A = arith.constant 0 : i32
    %multiple_of3A_33 = tpu.assume_multiple %multiple_of3A, 8 : i32
    %dma_start3A = arith.constant 0 : i32
    %dma_start3A_34 = arith.constant 0 : i32
    %dma_start3A_35 = arith.constant 0 : i32
    %dma_start3A_36 = arith.constant 0 : i32
    %dma_start3A_37 = tpu.memref_slice %arg5[%dma_start3A, %dma_start3A_34, %dma_start3A_35, %dma_start3A_36] : memref<2x16x8x64xf32, #tpu.memory_space<vmem>> -> memref<1x16x8x64xf32, #tpu.memory_space<vmem>>
    %dma_start3A_38 = tpu.memref_squeeze %dma_start3A_37 : memref<1x16x8x64xf32, #tpu.memory_space<vmem>> -> memref<16x8x64xf32, #tpu.memory_space<vmem>>
    %dma_start3A_39 = arith.constant 0 : i32
    %dma_start3A_40 = arith.constant 0 : i32
    %dma_start3A_41 = tpu.memref_slice %arg2[%select_n3A, %dma_start3A_39, %select_n3A_32, %multiple_of3A_33, %dma_start3A_40] : memref<4x16x56x56x64xf32, #tpu.memory_space<hbm>> -> memref<1x16x1x8x64xf32, #tpu.memory_space<hbm>>
    %dma_start3A_42 = tpu.memref_squeeze %dma_start3A_41 : memref<1x16x1x8x64xf32, #tpu.memory_space<hbm>> -> memref<16x8x64xf32, #tpu.memory_space<hbm>>
    %dma_start3A_43 = arith.constant 0 : i32
    %dma_start3A_44 = arith.constant 0 : i32
    %dma_start3A_45 = arith.constant 0 : i32
    %dma_start3A_46 = tpu.memref_slice %arg5[%dma_start3A, %dma_start3A_43, %dma_start3A_44, %dma_start3A_45] : memref<2x16x8x64xf32, #tpu.memory_space<vmem>> -> memref<1x16x8x64xf32, #tpu.memory_space<vmem>>
    %dma_start3A_47 = tpu.memref_squeeze %dma_start3A_46 : memref<1x16x8x64xf32, #tpu.memory_space<vmem>> -> memref<16x8x64xf32, #tpu.memory_space<vmem>>
    %dma_start3A_48 = arith.constant 0 : i32
    %dma_start3A_49 = arith.constant 0 : i32
    %dma_start3A_50 = tpu.memref_slice %arg2[%select_n3A, %dma_start3A_48, %select_n3A_32, %multiple_of3A_33, %dma_start3A_49] : memref<4x16x56x56x64xf32, #tpu.memory_space<hbm>> -> memref<1x16x1x8x64xf32, #tpu.memory_space<hbm>>
    %dma_start3A_51 = tpu.memref_squeeze %dma_start3A_50 : memref<1x16x1x8x64xf32, #tpu.memory_space<hbm>> -> memref<16x8x64xf32, #tpu.memory_space<hbm>>
    tpu.enqueue_dma source(%dma_start3A_51 : memref<16x8x64xf32, #tpu.memory_space<hbm>>) target(%dma_start3A_47 : memref<16x8x64xf32, #tpu.memory_space<vmem>>) target_semaphore(%arg8 : memref<!tpu.dma_semaphore, #tpu.memory_space<semaphore_mem>>)
    %broadcast_in_dim3A = arith.constant 0.000000e+00 : f32
    %broadcast_in_dim3A_52 = vector.broadcast %broadcast_in_dim3A : f32 to vector<16xf32>
    %scan3A = arith.constant 0 : i32
    %scan3A_53 = arith.constant 49 : i32
    %scan3A_54 = arith.addi %scan3A, %scan3A_53 : i32
    %scan3A_55 = arith.constant 1 : i32
    %scan3A_56:2 = scf.for %scan3A_58 = %scan3A to %scan3A_54 step %scan3A_55 iter_args(%scan3A_59 = %broadcast_in_dim3A_52, %scan3A_60 = %broadcast_in_dim3A_52) -> (vector<16xf32>, vector<16xf32>)  : i32 {
      %rem3A_61 = arith.constant 2 : i32
      %rem3A_62 = arith.remsi %scan3A_58, %rem3A_61 : i32
      %jit3A_63 = arith.constant 7 : i32
      %div3A_64 = arith.divsi %scan3A_58, %jit3A_63 : i32
      %sign3A_65 = arith.constant 0 : i32
      %sign3A_66 = arith.cmpi sgt, %scan3A_58, %sign3A_65 : i32
      %sign3A_67 = arith.extui %sign3A_66 : i1 to i32
      %sign3A_68 = arith.constant 0 : i32
      %sign3A_69 = arith.cmpi slt, %scan3A_58, %sign3A_68 : i32
      %sign3A_70 = arith.extui %sign3A_69 : i1 to i32
      %sign3A_71 = arith.subi %sign3A_67, %sign3A_70 : i32
      %sign3A_72 = arith.constant 0 : i32
      %sign3A_73 = arith.cmpi sgt, %jit3A_63, %sign3A_72 : i32
      %sign3A_74 = arith.extui %sign3A_73 : i1 to i32
      %sign3A_75 = arith.constant 0 : i32
      %sign3A_76 = arith.cmpi slt, %jit3A_63, %sign3A_75 : i32
      %sign3A_77 = arith.extui %sign3A_76 : i1 to i32
      %sign3A_78 = arith.subi %sign3A_74, %sign3A_77 : i32
      %ne3A_79 = arith.cmpi ne, %sign3A_71, %sign3A_78 : i32
      %rem3A_80 = arith.remsi %scan3A_58, %jit3A_63 : i32
      %ne3A_81 = arith.constant 0 : i32
      %ne3A_82 = arith.cmpi ne, %rem3A_80, %ne3A_81 : i32
      %and3A_83 = arith.andi %ne3A_79, %ne3A_82 : i1
      %sub3A_84 = arith.constant 1 : i32
      %sub3A_85 = arith.subi %div3A_64, %sub3A_84 : i32
      %select_n3A_86 = arith.select %and3A_83, %sub3A_85, %div3A_64 : i32
      %mul3A_87 = arith.constant 32 : i32
      %mul3A_88 = arith.muli %mul3A_87, %select_n3A_86 : i32
      %add3A_89 = arith.addi %add3A, %mul3A_88 : i32
      %jit3A_90 = arith.constant 7 : i32
      %eq3A_91 = arith.constant 0 : i32
      %eq3A_92 = arith.cmpi eq, %jit3A_90, %eq3A_91 : i32
      %jit3A_93 = arith.constant 1 : i32
      %select_n3A_94 = arith.select %eq3A_92, %jit3A_93, %jit3A_90 : i32
      %rem3A_95 = arith.remsi %scan3A_58, %select_n3A_94 : i32
      %ne3A_96 = arith.constant 0 : i32
      %ne3A_97 = arith.cmpi ne, %rem3A_95, %ne3A_96 : i32
      %lt3A_98 = arith.constant 0 : i32
      %lt3A_99 = arith.cmpi slt, %rem3A_95, %lt3A_98 : i32
      %lt3A_100 = arith.constant 0 : i32
      %lt3A_101 = arith.cmpi slt, %select_n3A_94, %lt3A_100 : i32
      %ne3A_102 = arith.xori %lt3A_99, %lt3A_101 : i1
      %and3A_103 = arith.andi %ne3A_102, %ne3A_97 : i1
      %add3A_104 = arith.addi %rem3A_95, %select_n3A_94 : i32
      %select_n3A_105 = arith.select %and3A_103, %add3A_104, %rem3A_95 : i32
      %jit3A_106 = arith.constant 56 : i32
      %div3A_107 = arith.divsi %add3A_89, %jit3A_106 : i32
      %sign3A_108 = arith.constant 0 : i32
      %sign3A_109 = arith.cmpi sgt, %add3A_89, %sign3A_108 : i32
      %sign3A_110 = arith.extui %sign3A_109 : i1 to i32
      %sign3A_111 = arith.constant 0 : i32
      %sign3A_112 = arith.cmpi slt, %add3A_89, %sign3A_111 : i32
      %sign3A_113 = arith.extui %sign3A_112 : i1 to i32
      %sign3A_114 = arith.subi %sign3A_110, %sign3A_113 : i32
      %sign3A_115 = arith.constant 0 : i32
      %sign3A_116 = arith.cmpi sgt, %jit3A_106, %sign3A_115 : i32
      %sign3A_117 = arith.extui %sign3A_116 : i1 to i32
      %sign3A_118 = arith.constant 0 : i32
      %sign3A_119 = arith.cmpi slt, %jit3A_106, %sign3A_118 : i32
      %sign3A_120 = arith.extui %sign3A_119 : i1 to i32
      %sign3A_121 = arith.subi %sign3A_117, %sign3A_120 : i32
      %ne3A_122 = arith.cmpi ne, %sign3A_114, %sign3A_121 : i32
      %rem3A_123 = arith.remsi %add3A_89, %jit3A_106 : i32
      %ne3A_124 = arith.constant 0 : i32
      %ne3A_125 = arith.cmpi ne, %rem3A_123, %ne3A_124 : i32
      %and3A_126 = arith.andi %ne3A_122, %ne3A_125 : i1
      %sub3A_127 = arith.constant 1 : i32
      %sub3A_128 = arith.subi %div3A_107, %sub3A_127 : i32
      %select_n3A_129 = arith.select %and3A_126, %sub3A_128, %div3A_107 : i32
      %jit3A_130 = arith.constant 56 : i32
      %eq3A_131 = arith.constant 0 : i32
      %eq3A_132 = arith.cmpi eq, %jit3A_130, %eq3A_131 : i32
      %jit3A_133 = arith.constant 1 : i32
      %select_n3A_134 = arith.select %eq3A_132, %jit3A_133, %jit3A_130 : i32
      %rem3A_135 = arith.remsi %add3A_89, %select_n3A_134 : i32
      %ne3A_136 = arith.constant 0 : i32
      %ne3A_137 = arith.cmpi ne, %rem3A_135, %ne3A_136 : i32
      %lt3A_138 = arith.constant 0 : i32
      %lt3A_139 = arith.cmpi slt, %rem3A_135, %lt3A_138 : i32
      %lt3A_140 = arith.constant 0 : i32
      %lt3A_141 = arith.cmpi slt, %select_n3A_134, %lt3A_140 : i32
      %ne3A_142 = arith.xori %lt3A_139, %lt3A_141 : i1
      %and3A_143 = arith.andi %ne3A_142, %ne3A_137 : i1
      %add3A_144 = arith.addi %rem3A_135, %select_n3A_134 : i32
      %select_n3A_145 = arith.select %and3A_143, %add3A_144, %rem3A_135 : i32
      %mul3A_146 = arith.constant 8 : i32
      %mul3A_147 = arith.muli %select_n3A_105, %mul3A_146 : i32
      %multiple_of3A_148 = tpu.assume_multiple %mul3A_147, 8 : i32
      %dma_wait3A = arith.constant 0 : i32
      %dma_wait3A_149 = arith.constant 0 : i32
      %dma_wait3A_150 = arith.constant 0 : i32
      %dma_wait3A_151 = tpu.memref_slice %arg5[%rem3A_62, %dma_wait3A, %dma_wait3A_149, %dma_wait3A_150] : memref<2x16x8x64xf32, #tpu.memory_space<vmem>> -> memref<1x16x8x64xf32, #tpu.memory_space<vmem>>
      %dma_wait3A_152 = tpu.memref_squeeze %dma_wait3A_151 : memref<1x16x8x64xf32, #tpu.memory_space<vmem>> -> memref<16x8x64xf32, #tpu.memory_space<vmem>>
      %dma_wait3A_153 = arith.constant 0 : i32
      %dma_wait3A_154 = arith.constant 0 : i32
      %dma_wait3A_155 = tpu.memref_slice %arg2[%select_n3A_129, %dma_wait3A_153, %select_n3A_145, %multiple_of3A_148, %dma_wait3A_154] : memref<4x16x56x56x64xf32, #tpu.memory_space<hbm>> -> memref<1x16x1x8x64xf32, #tpu.memory_space<hbm>>
      %dma_wait3A_156 = tpu.memref_squeeze %dma_wait3A_155 : memref<1x16x1x8x64xf32, #tpu.memory_space<hbm>> -> memref<16x8x64xf32, #tpu.memory_space<hbm>>
      %dma_wait3A_157 = arith.constant 0 : i32
      %dma_wait3A_158 = arith.constant 0 : i32
      %dma_wait3A_159 = arith.constant 0 : i32
      %dma_wait3A_160 = tpu.memref_slice %arg5[%rem3A_62, %dma_wait3A_157, %dma_wait3A_158, %dma_wait3A_159] : memref<2x16x8x64xf32, #tpu.memory_space<vmem>> -> memref<1x16x8x64xf32, #tpu.memory_space<vmem>>
      %dma_wait3A_161 = tpu.memref_squeeze %dma_wait3A_160 : memref<1x16x8x64xf32, #tpu.memory_space<vmem>> -> memref<16x8x64xf32, #tpu.memory_space<vmem>>
      %dma_wait3A_162 = arith.constant 0 : i32
      %dma_wait3A_163 = arith.constant 0 : i32
      %dma_wait3A_164 = tpu.memref_slice %arg2[%select_n3A_129, %dma_wait3A_162, %select_n3A_145, %multiple_of3A_148, %dma_wait3A_163] : memref<4x16x56x56x64xf32, #tpu.memory_space<hbm>> -> memref<1x16x1x8x64xf32, #tpu.memory_space<hbm>>
      %dma_wait3A_165 = tpu.memref_squeeze %dma_wait3A_164 : memref<1x16x1x8x64xf32, #tpu.memory_space<hbm>> -> memref<16x8x64xf32, #tpu.memory_space<hbm>>
      tpu.wait_dma2 semaphore(%arg8 : memref<!tpu.dma_semaphore, #tpu.memory_space<semaphore_mem>>) src(%dma_wait3A_165 : memref<16x8x64xf32, #tpu.memory_space<hbm>>) dst(%dma_wait3A_161 : memref<16x8x64xf32, #tpu.memory_space<vmem>>)
      %lt3A_166 = arith.constant 48 : i32
      %lt3A_167 = arith.cmpi slt, %scan3A_58, %lt3A_166 : i32
      %convert_element_type3A = arith.extui %lt3A_167 : i1 to i32
      %cond3A = arith.constant 0 : i32
      %cond3A_168 = arith.cmpi ne, %convert_element_type3A, %cond3A : i32
      scf.if %cond3A_168 {
        %add3A_189 = arith.constant 1 : i32
        %add3A_190 = arith.addi %scan3A_58, %add3A_189 : i32
        %jit3A_191 = arith.constant 7 : i32
        %div3A_192 = arith.divsi %add3A_190, %jit3A_191 : i32
        %sign3A_193 = arith.constant 0 : i32
        %sign3A_194 = arith.cmpi sgt, %add3A_190, %sign3A_193 : i32
        %sign3A_195 = arith.extui %sign3A_194 : i1 to i32
        %sign3A_196 = arith.constant 0 : i32
        %sign3A_197 = arith.cmpi slt, %add3A_190, %sign3A_196 : i32
        %sign3A_198 = arith.extui %sign3A_197 : i1 to i32
        %sign3A_199 = arith.subi %sign3A_195, %sign3A_198 : i32
        %sign3A_200 = arith.constant 0 : i32
        %sign3A_201 = arith.cmpi sgt, %jit3A_191, %sign3A_200 : i32
        %sign3A_202 = arith.extui %sign3A_201 : i1 to i32
        %sign3A_203 = arith.constant 0 : i32
        %sign3A_204 = arith.cmpi slt, %jit3A_191, %sign3A_203 : i32
        %sign3A_205 = arith.extui %sign3A_204 : i1 to i32
        %sign3A_206 = arith.subi %sign3A_202, %sign3A_205 : i32
        %ne3A_207 = arith.cmpi ne, %sign3A_199, %sign3A_206 : i32
        %rem3A_208 = arith.remsi %add3A_190, %jit3A_191 : i32
        %ne3A_209 = arith.constant 0 : i32
        %ne3A_210 = arith.cmpi ne, %rem3A_208, %ne3A_209 : i32
        %and3A_211 = arith.andi %ne3A_207, %ne3A_210 : i1
        %sub3A_212 = arith.constant 1 : i32
        %sub3A_213 = arith.subi %div3A_192, %sub3A_212 : i32
        %select_n3A_214 = arith.select %and3A_211, %sub3A_213, %div3A_192 : i32
        %mul3A_215 = arith.constant 32 : i32
        %mul3A_216 = arith.muli %mul3A_215, %select_n3A_214 : i32
        %add3A_217 = arith.addi %add3A, %mul3A_216 : i32
        %jit3A_218 = arith.constant 7 : i32
        %eq3A_219 = arith.constant 0 : i32
        %eq3A_220 = arith.cmpi eq, %jit3A_218, %eq3A_219 : i32
        %jit3A_221 = arith.constant 1 : i32
        %select_n3A_222 = arith.select %eq3A_220, %jit3A_221, %jit3A_218 : i32
        %rem3A_223 = arith.remsi %add3A_190, %select_n3A_222 : i32
        %ne3A_224 = arith.constant 0 : i32
        %ne3A_225 = arith.cmpi ne, %rem3A_223, %ne3A_224 : i32
        %lt3A_226 = arith.constant 0 : i32
        %lt3A_227 = arith.cmpi slt, %rem3A_223, %lt3A_226 : i32
        %lt3A_228 = arith.constant 0 : i32
        %lt3A_229 = arith.cmpi slt, %select_n3A_222, %lt3A_228 : i32
        %ne3A_230 = arith.xori %lt3A_227, %lt3A_229 : i1
        %and3A_231 = arith.andi %ne3A_230, %ne3A_225 : i1
        %add3A_232 = arith.addi %rem3A_223, %select_n3A_222 : i32
        %select_n3A_233 = arith.select %and3A_231, %add3A_232, %rem3A_223 : i32
        %jit3A_234 = arith.constant 56 : i32
        %div3A_235 = arith.divsi %add3A_217, %jit3A_234 : i32
        %sign3A_236 = arith.constant 0 : i32
        %sign3A_237 = arith.cmpi sgt, %add3A_217, %sign3A_236 : i32
        %sign3A_238 = arith.extui %sign3A_237 : i1 to i32
        %sign3A_239 = arith.constant 0 : i32
        %sign3A_240 = arith.cmpi slt, %add3A_217, %sign3A_239 : i32
        %sign3A_241 = arith.extui %sign3A_240 : i1 to i32
        %sign3A_242 = arith.subi %sign3A_238, %sign3A_241 : i32
        %sign3A_243 = arith.constant 0 : i32
        %sign3A_244 = arith.cmpi sgt, %jit3A_234, %sign3A_243 : i32
        %sign3A_245 = arith.extui %sign3A_244 : i1 to i32
        %sign3A_246 = arith.constant 0 : i32
        %sign3A_247 = arith.cmpi slt, %jit3A_234, %sign3A_246 : i32
        %sign3A_248 = arith.extui %sign3A_247 : i1 to i32
        %sign3A_249 = arith.subi %sign3A_245, %sign3A_248 : i32
        %ne3A_250 = arith.cmpi ne, %sign3A_242, %sign3A_249 : i32
        %rem3A_251 = arith.remsi %add3A_217, %jit3A_234 : i32
        %ne3A_252 = arith.constant 0 : i32
        %ne3A_253 = arith.cmpi ne, %rem3A_251, %ne3A_252 : i32
        %and3A_254 = arith.andi %ne3A_250, %ne3A_253 : i1
        %sub3A_255 = arith.constant 1 : i32
        %sub3A_256 = arith.subi %div3A_235, %sub3A_255 : i32
        %select_n3A_257 = arith.select %and3A_254, %sub3A_256, %div3A_235 : i32
        %jit3A_258 = arith.constant 56 : i32
        %eq3A_259 = arith.constant 0 : i32
        %eq3A_260 = arith.cmpi eq, %jit3A_258, %eq3A_259 : i32
        %jit3A_261 = arith.constant 1 : i32
        %select_n3A_262 = arith.select %eq3A_260, %jit3A_261, %jit3A_258 : i32
        %rem3A_263 = arith.remsi %add3A_217, %select_n3A_262 : i32
        %ne3A_264 = arith.constant 0 : i32
        %ne3A_265 = arith.cmpi ne, %rem3A_263, %ne3A_264 : i32
        %lt3A_266 = arith.constant 0 : i32
        %lt3A_267 = arith.cmpi slt, %rem3A_263, %lt3A_266 : i32
        %lt3A_268 = arith.constant 0 : i32
        %lt3A_269 = arith.cmpi slt, %select_n3A_262, %lt3A_268 : i32
        %ne3A_270 = arith.xori %lt3A_267, %lt3A_269 : i1
        %and3A_271 = arith.andi %ne3A_270, %ne3A_265 : i1
        %add3A_272 = arith.addi %rem3A_263, %select_n3A_262 : i32
        %select_n3A_273 = arith.select %and3A_271, %add3A_272, %rem3A_263 : i32
        %mul3A_274 = arith.constant 8 : i32
        %mul3A_275 = arith.muli %select_n3A_233, %mul3A_274 : i32
        %multiple_of3A_276 = tpu.assume_multiple %mul3A_275, 8 : i32
        %sub3A_277 = arith.constant 1 : i32
        %sub3A_278 = arith.subi %sub3A_277, %rem3A_62 : i32
        %dma_start3A_279 = arith.constant 0 : i32
        %dma_start3A_280 = arith.constant 0 : i32
        %dma_start3A_281 = arith.constant 0 : i32
        %dma_start3A_282 = tpu.memref_slice %arg5[%sub3A_278, %dma_start3A_279, %dma_start3A_280, %dma_start3A_281] : memref<2x16x8x64xf32, #tpu.memory_space<vmem>> -> memref<1x16x8x64xf32, #tpu.memory_space<vmem>>
        %dma_start3A_283 = tpu.memref_squeeze %dma_start3A_282 : memref<1x16x8x64xf32, #tpu.memory_space<vmem>> -> memref<16x8x64xf32, #tpu.memory_space<vmem>>
        %dma_start3A_284 = arith.constant 0 : i32
        %dma_start3A_285 = arith.constant 0 : i32
        %dma_start3A_286 = tpu.memref_slice %arg2[%select_n3A_257, %dma_start3A_284, %select_n3A_273, %multiple_of3A_276, %dma_start3A_285] : memref<4x16x56x56x64xf32, #tpu.memory_space<hbm>> -> memref<1x16x1x8x64xf32, #tpu.memory_space<hbm>>
        %dma_start3A_287 = tpu.memref_squeeze %dma_start3A_286 : memref<1x16x1x8x64xf32, #tpu.memory_space<hbm>> -> memref<16x8x64xf32, #tpu.memory_space<hbm>>
        %dma_start3A_288 = arith.constant 0 : i32
        %dma_start3A_289 = arith.constant 0 : i32
        %dma_start3A_290 = arith.constant 0 : i32
        %dma_start3A_291 = tpu.memref_slice %arg5[%sub3A_278, %dma_start3A_288, %dma_start3A_289, %dma_start3A_290] : memref<2x16x8x64xf32, #tpu.memory_space<vmem>> -> memref<1x16x8x64xf32, #tpu.memory_space<vmem>>
        %dma_start3A_292 = tpu.memref_squeeze %dma_start3A_291 : memref<1x16x8x64xf32, #tpu.memory_space<vmem>> -> memref<16x8x64xf32, #tpu.memory_space<vmem>>
        %dma_start3A_293 = arith.constant 0 : i32
        %dma_start3A_294 = arith.constant 0 : i32
        %dma_start3A_295 = tpu.memref_slice %arg2[%select_n3A_257, %dma_start3A_293, %select_n3A_273, %multiple_of3A_276, %dma_start3A_294] : memref<4x16x56x56x64xf32, #tpu.memory_space<hbm>> -> memref<1x16x1x8x64xf32, #tpu.memory_space<hbm>>
        %dma_start3A_296 = tpu.memref_squeeze %dma_start3A_295 : memref<1x16x1x8x64xf32, #tpu.memory_space<hbm>> -> memref<16x8x64xf32, #tpu.memory_space<hbm>>
        tpu.enqueue_dma source(%dma_start3A_296 : memref<16x8x64xf32, #tpu.memory_space<hbm>>) target(%dma_start3A_292 : memref<16x8x64xf32, #tpu.memory_space<vmem>>) target_semaphore(%arg8 : memref<!tpu.dma_semaphore, #tpu.memory_space<semaphore_mem>>)
      } else {
      }
      %iota3A = tpu.iota {dimensions = array<i32: 0>} : vector<16xi32>
      %scan3A_169 = arith.constant 0 : i32
      %scan3A_170 = arith.constant 4 : i32
      %scan3A_171 = arith.addi %scan3A_169, %scan3A_170 : i32
      %scan3A_172 = arith.constant 1 : i32
      %scan3A_173:2 = scf.for %scan3A_189 = %scan3A_169 to %scan3A_171 step %scan3A_172 iter_args(%scan3A_190 = %scan3A_59, %scan3A_191 = %scan3A_60) -> (vector<16xf32>, vector<16xf32>)  : i32 {
        %mul3A_192 = arith.constant 2 : i32
        %mul3A_193 = arith.muli %mul3A_192, %scan3A_189 : i32
        %add3A_194 = arith.constant 0 : i32
        %add3A_195 = arith.addi %mul3A_193, %add3A_194 : i32
        %broadcast_in_dim3A_196 = arith.constant 0.000000e+00 : f32
        %broadcast_in_dim3A_197 = vector.broadcast %broadcast_in_dim3A_196 : f32 to vector<16xf32>
        %get3A = arith.constant 0 : i32
        %get3A_198 = arith.index_cast %rem3A_62 : i32 to index
        %get3A_199 = arith.index_cast %get3A : i32 to index
        %get3A_200 = arith.index_cast %add3A_195 : i32 to index
        %get3A_201 = arith.constant 0 : index
        %get3A_202 = tpu.vector_load %arg5[%get3A_198, %get3A_199, %get3A_200, %get3A_201] {strides = array<i32>} : memref<2x16x8x64xf32, #tpu.memory_space<vmem>>, vector<16xf32>,
        %get3A_203 = arith.constant 1 : i32
        %get3A_204 = arith.index_cast %rem3A_62 : i32 to index
        %get3A_205 = arith.index_cast %get3A_203 : i32 to index
        %get3A_206 = arith.index_cast %add3A_195 : i32 to index
        %get3A_207 = arith.constant 0 : index
        %get3A_208 = tpu.vector_load %arg5[%get3A_204, %get3A_205, %get3A_206, %get3A_207] {strides = array<i32>} : memref<2x16x8x64xf32, #tpu.memory_space<vmem>>, vector<16xf32>,
        %get3A_209 = arith.constant 2 : i32
        %get3A_210 = arith.index_cast %rem3A_62 : i32 to index
        %get3A_211 = arith.index_cast %get3A_209 : i32 to index
        %get3A_212 = arith.index_cast %add3A_195 : i32 to index
        %get3A_213 = arith.constant 0 : index
        %get3A_214 = tpu.vector_load %arg5[%get3A_210, %get3A_211, %get3A_212, %get3A_213] {strides = array<i32>} : memref<2x16x8x64xf32, #tpu.memory_space<vmem>>, vector<16xf32>,
        %get3A_215 = arith.constant 3 : i32
        %get3A_216 = arith.index_cast %rem3A_62 : i32 to index
        %get3A_217 = arith.index_cast %get3A_215 : i32 to index
        %get3A_218 = arith.index_cast %add3A_195 : i32 to index
        %get3A_219 = arith.constant 0 : index
        %get3A_220 = tpu.vector_load %arg5[%get3A_216, %get3A_217, %get3A_218, %get3A_219] {strides = array<i32>} : memref<2x16x8x64xf32, #tpu.memory_space<vmem>>, vector<16xf32>,
        %get3A_221 = arith.constant 4 : i32
        %get3A_222 = arith.index_cast %rem3A_62 : i32 to index
        %get3A_223 = arith.index_cast %get3A_221 : i32 to index
        %get3A_224 = arith.index_cast %add3A_195 : i32 to index
        %get3A_225 = arith.constant 0 : index
        %get3A_226 = tpu.vector_load %arg5[%get3A_222, %get3A_223, %get3A_224, %get3A_225] {strides = array<i32>} : memref<2x16x8x64xf32, #tpu.memory_space<vmem>>, vector<16xf32>,
        %get3A_227 = arith.constant 5 : i32
        %get3A_228 = arith.index_cast %rem3A_62 : i32 to index
        %get3A_229 = arith.index_cast %get3A_227 : i32 to index
        %get3A_230 = arith.index_cast %add3A_195 : i32 to index
        %get3A_231 = arith.constant 0 : index
        %get3A_232 = tpu.vector_load %arg5[%get3A_228, %get3A_229, %get3A_230, %get3A_231] {strides = array<i32>} : memref<2x16x8x64xf32, #tpu.memory_space<vmem>>, vector<16xf32>,
        %get3A_233 = arith.constant 6 : i32
        %get3A_234 = arith.index_cast %rem3A_62 : i32 to index
        %get3A_235 = arith.index_cast %get3A_233 : i32 to index
        %get3A_236 = arith.index_cast %add3A_195 : i32 to index
        %get3A_237 = arith.constant 0 : index
        %get3A_238 = tpu.vector_load %arg5[%get3A_234, %get3A_235, %get3A_236, %get3A_237] {strides = array<i32>} : memref<2x16x8x64xf32, #tpu.memory_space<vmem>>, vector<16xf32>,
        %get3A_239 = arith.constant 7 : i32
        %get3A_240 = arith.index_cast %rem3A_62 : i32 to index
        %get3A_241 = arith.index_cast %get3A_239 : i32 to index
        %get3A_242 = arith.index_cast %add3A_195 : i32 to index
        %get3A_243 = arith.constant 0 : index
        %get3A_244 = tpu.vector_load %arg5[%get3A_240, %get3A_241, %get3A_242, %get3A_243] {strides = array<i32>} : memref<2x16x8x64xf32, #tpu.memory_space<vmem>>, vector<16xf32>,
        %get3A_245 = arith.constant 8 : i32
        %get3A_246 = arith.index_cast %rem3A_62 : i32 to index
        %get3A_247 = arith.index_cast %get3A_245 : i32 to index
        %get3A_248 = arith.index_cast %add3A_195 : i32 to index
        %get3A_249 = arith.constant 0 : index
        %get3A_250 = tpu.vector_load %arg5[%get3A_246, %get3A_247, %get3A_248, %get3A_249] {strides = array<i32>} : memref<2x16x8x64xf32, #tpu.memory_space<vmem>>, vector<16xf32>,
        %get3A_251 = arith.constant 9 : i32
        %get3A_252 = arith.index_cast %rem3A_62 : i32 to index
        %get3A_253 = arith.index_cast %get3A_251 : i32 to index
        %get3A_254 = arith.index_cast %add3A_195 : i32 to index
        %get3A_255 = arith.constant 0 : index
        %get3A_256 = tpu.vector_load %arg5[%get3A_252, %get3A_253, %get3A_254, %get3A_255] {strides = array<i32>} : memref<2x16x8x64xf32, #tpu.memory_space<vmem>>, vector<16xf32>,
        %get3A_257 = arith.constant 10 : i32
        %get3A_258 = arith.index_cast %rem3A_62 : i32 to index
        %get3A_259 = arith.index_cast %get3A_257 : i32 to index
        %get3A_260 = arith.index_cast %add3A_195 : i32 to index
        %get3A_261 = arith.constant 0 : index
        %get3A_262 = tpu.vector_load %arg5[%get3A_258, %get3A_259, %get3A_260, %get3A_261] {strides = array<i32>} : memref<2x16x8x64xf32, #tpu.memory_space<vmem>>, vector<16xf32>,
        %get3A_263 = arith.constant 11 : i32
        %get3A_264 = arith.index_cast %rem3A_62 : i32 to index
        %get3A_265 = arith.index_cast %get3A_263 : i32 to index
        %get3A_266 = arith.index_cast %add3A_195 : i32 to index
        %get3A_267 = arith.constant 0 : index
        %get3A_268 = tpu.vector_load %arg5[%get3A_264, %get3A_265, %get3A_266, %get3A_267] {strides = array<i32>} : memref<2x16x8x64xf32, #tpu.memory_space<vmem>>, vector<16xf32>,
        %get3A_269 = arith.constant 12 : i32
        %get3A_270 = arith.index_cast %rem3A_62 : i32 to index
        %get3A_271 = arith.index_cast %get3A_269 : i32 to index
        %get3A_272 = arith.index_cast %add3A_195 : i32 to index
        %get3A_273 = arith.constant 0 : index
        %get3A_274 = tpu.vector_load %arg5[%get3A_270, %get3A_271, %get3A_272, %get3A_273] {strides = array<i32>} : memref<2x16x8x64xf32, #tpu.memory_space<vmem>>, vector<16xf32>,
        %get3A_275 = arith.constant 13 : i32
        %get3A_276 = arith.index_cast %rem3A_62 : i32 to index
        %get3A_277 = arith.index_cast %get3A_275 : i32 to index
        %get3A_278 = arith.index_cast %add3A_195 : i32 to index
        %get3A_279 = arith.constant 0 : index
        %get3A_280 = tpu.vector_load %arg5[%get3A_276, %get3A_277, %get3A_278, %get3A_279] {strides = array<i32>} : memref<2x16x8x64xf32, #tpu.memory_space<vmem>>, vector<16xf32>,
        %get3A_281 = arith.constant 14 : i32
        %get3A_282 = arith.index_cast %rem3A_62 : i32 to index
        %get3A_283 = arith.index_cast %get3A_281 : i32 to index
        %get3A_284 = arith.index_cast %add3A_195 : i32 to index
        %get3A_285 = arith.constant 0 : index
        %get3A_286 = tpu.vector_load %arg5[%get3A_282, %get3A_283, %get3A_284, %get3A_285] {strides = array<i32>} : memref<2x16x8x64xf32, #tpu.memory_space<vmem>>, vector<16xf32>,
        %get3A_287 = arith.constant 15 : i32
        %get3A_288 = arith.index_cast %rem3A_62 : i32 to index
        %get3A_289 = arith.index_cast %get3A_287 : i32 to index
        %get3A_290 = arith.index_cast %add3A_195 : i32 to index
        %get3A_291 = arith.constant 0 : index
        %get3A_292 = tpu.vector_load %arg5[%get3A_288, %get3A_289, %get3A_290, %get3A_291] {strides = array<i32>} : memref<2x16x8x64xf32, #tpu.memory_space<vmem>>, vector<16xf32>,
        %add3A_293 = arith.addf %get3A_202, %get3A_208 : vector<16xf32>
        %add3A_294 = arith.addf %get3A_214, %get3A_220 : vector<16xf32>
        %add3A_295 = arith.addf %add3A_293, %add3A_294 : vector<16xf32>
        %add3A_296 = arith.addf %get3A_226, %get3A_232 : vector<16xf32>
        %add3A_297 = arith.addf %get3A_238, %get3A_244 : vector<16xf32>
        %add3A_298 = arith.addf %add3A_296, %add3A_297 : vector<16xf32>
        %add3A_299 = arith.addf %get3A_250, %get3A_256 : vector<16xf32>
        %add3A_300 = arith.addf %get3A_262, %get3A_268 : vector<16xf32>
        %add3A_301 = arith.addf %add3A_299, %add3A_300 : vector<16xf32>
        %add3A_302 = arith.addf %get3A_274, %get3A_280 : vector<16xf32>
        %add3A_303 = arith.addf %get3A_286, %get3A_292 : vector<16xf32>
        %add3A_304 = arith.addf %add3A_302, %add3A_303 : vector<16xf32>
        %add3A_305 = arith.addf %add3A_295, %add3A_298 : vector<16xf32>
        %add3A_306 = arith.addf %add3A_301, %add3A_304 : vector<16xf32>
        %add3A_307 = arith.addf %add3A_305, %add3A_306 : vector<16xf32>
        %add3A_308 = arith.addf %broadcast_in_dim3A_197, %add3A_307 : vector<16xf32>
        %max3A = arith.maximumf %get3A_202, %get3A_208 : vector<16xf32>
        %min3A = arith.minimumf %get3A_202, %get3A_208 : vector<16xf32>
        %max3A_309 = arith.maximumf %get3A_214, %get3A_220 : vector<16xf32>
        %min3A_310 = arith.minimumf %get3A_214, %get3A_220 : vector<16xf32>
        %max3A_311 = arith.maximumf %get3A_226, %get3A_232 : vector<16xf32>
        %min3A_312 = arith.minimumf %get3A_226, %get3A_232 : vector<16xf32>
        %max3A_313 = arith.maximumf %get3A_238, %get3A_244 : vector<16xf32>
        %min3A_314 = arith.minimumf %get3A_238, %get3A_244 : vector<16xf32>
        %max3A_315 = arith.maximumf %max3A, %max3A_309 : vector<16xf32>
        %min3A_316 = arith.minimumf %max3A, %max3A_309 : vector<16xf32>
        %max3A_317 = arith.maximumf %min3A, %min3A_310 : vector<16xf32>
        %min3A_318 = arith.minimumf %min3A, %min3A_310 : vector<16xf32>
        %max3A_319 = arith.maximumf %max3A_311, %max3A_313 : vector<16xf32>
        %min3A_320 = arith.minimumf %max3A_311, %max3A_313 : vector<16xf32>
        %max3A_321 = arith.maximumf %min3A_312, %min3A_314 : vector<16xf32>
        %min3A_322 = arith.minimumf %min3A_312, %min3A_314 : vector<16xf32>
        %max3A_323 = arith.maximumf %max3A_317, %min3A_316 : vector<16xf32>
        %min3A_324 = arith.minimumf %max3A_317, %min3A_316 : vector<16xf32>
        %max3A_325 = arith.maximumf %max3A_321, %min3A_320 : vector<16xf32>
        %min3A_326 = arith.minimumf %max3A_321, %min3A_320 : vector<16xf32>
        %max3A_327 = arith.maximumf %max3A_315, %max3A_319 : vector<16xf32>
        %min3A_328 = arith.minimumf %max3A_315, %max3A_319 : vector<16xf32>
        %max3A_329 = arith.maximumf %min3A_318, %min3A_322 : vector<16xf32>
        %min3A_330 = arith.minimumf %min3A_318, %min3A_322 : vector<16xf32>
        %max3A_331 = arith.maximumf %max3A_323, %max3A_325 : vector<16xf32>
        %min3A_332 = arith.minimumf %max3A_323, %max3A_325 : vector<16xf32>
        %max3A_333 = arith.maximumf %min3A_324, %min3A_326 : vector<16xf32>
        %min3A_334 = arith.minimumf %min3A_324, %min3A_326 : vector<16xf32>
        %max3A_335 = arith.maximumf %max3A_331, %min3A_328 : vector<16xf32>
        %min3A_336 = arith.minimumf %max3A_331, %min3A_328 : vector<16xf32>
        %max3A_337 = arith.maximumf %max3A_329, %min3A_334 : vector<16xf32>
        %min3A_338 = arith.minimumf %max3A_329, %min3A_334 : vector<16xf32>
        %max3A_339 = arith.maximumf %max3A_333, %min3A_336 : vector<16xf32>
        %min3A_340 = arith.minimumf %max3A_333, %min3A_336 : vector<16xf32>
        %max3A_341 = arith.maximumf %max3A_337, %min3A_332 : vector<16xf32>
        %min3A_342 = arith.minimumf %max3A_337, %min3A_332 : vector<16xf32>
        %max3A_343 = arith.maximumf %max3A_341, %min3A_340 : vector<16xf32>
        %min3A_344 = arith.minimumf %max3A_341, %min3A_340 : vector<16xf32>
        %max3A_345 = arith.maximumf %get3A_250, %get3A_256 : vector<16xf32>
        %min3A_346 = arith.minimumf %get3A_250, %get3A_256 : vector<16xf32>
        %max3A_347 = arith.maximumf %get3A_262, %get3A_268 : vector<16xf32>
        %min3A_348 = arith.minimumf %get3A_262, %get3A_268 : vector<16xf32>
        %max3A_349 = arith.maximumf %get3A_274, %get3A_280 : vector<16xf32>
        %min3A_350 = arith.minimumf %get3A_274, %get3A_280 : vector<16xf32>
        %max3A_351 = arith.maximumf %get3A_286, %get3A_292 : vector<16xf32>
        %min3A_352 = arith.minimumf %get3A_286, %get3A_292 : vector<16xf32>
        %max3A_353 = arith.maximumf %max3A_345, %max3A_347 : vector<16xf32>
        %min3A_354 = arith.minimumf %max3A_345, %max3A_347 : vector<16xf32>
        %max3A_355 = arith.maximumf %min3A_346, %min3A_348 : vector<16xf32>
        %min3A_356 = arith.minimumf %min3A_346, %min3A_348 : vector<16xf32>
        %max3A_357 = arith.maximumf %max3A_349, %max3A_351 : vector<16xf32>
        %min3A_358 = arith.minimumf %max3A_349, %max3A_351 : vector<16xf32>
        %max3A_359 = arith.maximumf %min3A_350, %min3A_352 : vector<16xf32>
        %min3A_360 = arith.minimumf %min3A_350, %min3A_352 : vector<16xf32>
        %max3A_361 = arith.maximumf %max3A_355, %min3A_354 : vector<16xf32>
        %min3A_362 = arith.minimumf %max3A_355, %min3A_354 : vector<16xf32>
        %max3A_363 = arith.maximumf %max3A_359, %min3A_358 : vector<16xf32>
        %min3A_364 = arith.minimumf %max3A_359, %min3A_358 : vector<16xf32>
        %max3A_365 = arith.maximumf %max3A_353, %max3A_357 : vector<16xf32>
        %min3A_366 = arith.minimumf %max3A_353, %max3A_357 : vector<16xf32>
        %max3A_367 = arith.maximumf %min3A_356, %min3A_360 : vector<16xf32>
        %min3A_368 = arith.minimumf %min3A_356, %min3A_360 : vector<16xf32>
        %max3A_369 = arith.maximumf %max3A_361, %max3A_363 : vector<16xf32>
        %min3A_370 = arith.minimumf %max3A_361, %max3A_363 : vector<16xf32>
        %max3A_371 = arith.maximumf %min3A_362, %min3A_364 : vector<16xf32>
        %min3A_372 = arith.minimumf %min3A_362, %min3A_364 : vector<16xf32>
        %max3A_373 = arith.maximumf %max3A_369, %min3A_366 : vector<16xf32>
        %min3A_374 = arith.minimumf %max3A_369, %min3A_366 : vector<16xf32>
        %max3A_375 = arith.maximumf %max3A_367, %min3A_372 : vector<16xf32>
        %min3A_376 = arith.minimumf %max3A_367, %min3A_372 : vector<16xf32>
        %max3A_377 = arith.maximumf %max3A_371, %min3A_374 : vector<16xf32>
        %min3A_378 = arith.minimumf %max3A_371, %min3A_374 : vector<16xf32>
        %max3A_379 = arith.maximumf %max3A_375, %min3A_370 : vector<16xf32>
        %min3A_380 = arith.minimumf %max3A_375, %min3A_370 : vector<16xf32>
        %max3A_381 = arith.maximumf %max3A_379, %min3A_378 : vector<16xf32>
        %min3A_382 = arith.minimumf %max3A_379, %min3A_378 : vector<16xf32>
        %max3A_383 = arith.maximumf %max3A_327, %min3A_368 : vector<16xf32>
        %max3A_384 = arith.maximumf %max3A_335, %min3A_376 : vector<16xf32>
        %max3A_385 = arith.maximumf %max3A_339, %min3A_380 : vector<16xf32>
        %max3A_386 = arith.maximumf %max3A_343, %min3A_382 : vector<16xf32>
        %max3A_387 = arith.maximumf %min3A_344, %max3A_381 : vector<16xf32>
        %max3A_388 = arith.maximumf %min3A_342, %max3A_377 : vector<16xf32>
        %max3A_389 = arith.maximumf %min3A_338, %max3A_373 : vector<16xf32>
        %max3A_390 = arith.maximumf %min3A_330, %max3A_365 : vector<16xf32>
        %max3A_391 = arith.maximumf %max3A_383, %max3A_387 : vector<16xf32>
        %min3A_392 = arith.minimumf %max3A_383, %max3A_387 : vector<16xf32>
        %max3A_393 = arith.maximumf %max3A_384, %max3A_388 : vector<16xf32>
        %min3A_394 = arith.minimumf %max3A_384, %max3A_388 : vector<16xf32>
        %max3A_395 = arith.maximumf %max3A_385, %max3A_389 : vector<16xf32>
        %min3A_396 = arith.minimumf %max3A_385, %max3A_389 : vector<16xf32>
        %max3A_397 = arith.maximumf %max3A_386, %max3A_390 : vector<16xf32>
        %min3A_398 = arith.minimumf %max3A_386, %max3A_390 : vector<16xf32>
        %max3A_399 = arith.maximumf %max3A_391, %max3A_395 : vector<16xf32>
        %min3A_400 = arith.minimumf %max3A_391, %max3A_395 : vector<16xf32>
        %max3A_401 = arith.maximumf %max3A_393, %max3A_397 : vector<16xf32>
        %min3A_402 = arith.minimumf %max3A_393, %max3A_397 : vector<16xf32>
        %max3A_403 = arith.maximumf %min3A_392, %min3A_396 : vector<16xf32>
        %min3A_404 = arith.minimumf %min3A_392, %min3A_396 : vector<16xf32>
        %max3A_405 = arith.maximumf %min3A_394, %min3A_398 : vector<16xf32>
        %min3A_406 = arith.minimumf %min3A_394, %min3A_398 : vector<16xf32>
        %max3A_407 = arith.maximumf %max3A_399, %max3A_401 : vector<16xf32>
        %min3A_408 = arith.minimumf %max3A_399, %max3A_401 : vector<16xf32>
        %max3A_409 = arith.maximumf %min3A_400, %min3A_402 : vector<16xf32>
        %min3A_410 = arith.minimumf %min3A_400, %min3A_402 : vector<16xf32>
        %max3A_411 = arith.maximumf %max3A_403, %max3A_405 : vector<16xf32>
        %min3A_412 = arith.minimumf %max3A_403, %max3A_405 : vector<16xf32>
        %max3A_413 = arith.maximumf %min3A_404, %min3A_406 : vector<16xf32>
        %min3A_414 = arith.minimumf %min3A_404, %min3A_406 : vector<16xf32>
        %get3A_415 = arith.constant 0 : i32
        %get3A_416 = arith.index_cast %rem3A_62 : i32 to index
        %get3A_417 = arith.index_cast %get3A_415 : i32 to index
        %get3A_418 = arith.index_cast %add3A_195 : i32 to index
        %get3A_419 = arith.constant 16 : index
        %get3A_420 = tpu.vector_load %arg5[%get3A_416, %get3A_417, %get3A_418, %get3A_419] {strides = array<i32>} : memref<2x16x8x64xf32, #tpu.memory_space<vmem>>, vector<16xf32>,
        %get3A_421 = arith.constant 1 : i32
        %get3A_422 = arith.index_cast %rem3A_62 : i32 to index
        %get3A_423 = arith.index_cast %get3A_421 : i32 to index
        %get3A_424 = arith.index_cast %add3A_195 : i32 to index
        %get3A_425 = arith.constant 16 : index
        %get3A_426 = tpu.vector_load %arg5[%get3A_422, %get3A_423, %get3A_424, %get3A_425] {strides = array<i32>} : memref<2x16x8x64xf32, #tpu.memory_space<vmem>>, vector<16xf32>,
        %get3A_427 = arith.constant 2 : i32
        %get3A_428 = arith.index_cast %rem3A_62 : i32 to index
        %get3A_429 = arith.index_cast %get3A_427 : i32 to index
        %get3A_430 = arith.index_cast %add3A_195 : i32 to index
        %get3A_431 = arith.constant 16 : index
        %get3A_432 = tpu.vector_load %arg5[%get3A_428, %get3A_429, %get3A_430, %get3A_431] {strides = array<i32>} : memref<2x16x8x64xf32, #tpu.memory_space<vmem>>, vector<16xf32>,
        %get3A_433 = arith.constant 3 : i32
        %get3A_434 = arith.index_cast %rem3A_62 : i32 to index
        %get3A_435 = arith.index_cast %get3A_433 : i32 to index
        %get3A_436 = arith.index_cast %add3A_195 : i32 to index
        %get3A_437 = arith.constant 16 : index
        %get3A_438 = tpu.vector_load %arg5[%get3A_434, %get3A_435, %get3A_436, %get3A_437] {strides = array<i32>} : memref<2x16x8x64xf32, #tpu.memory_space<vmem>>, vector<16xf32>,
        %get3A_439 = arith.constant 4 : i32
        %get3A_440 = arith.index_cast %rem3A_62 : i32 to index
        %get3A_441 = arith.index_cast %get3A_439 : i32 to index
        %get3A_442 = arith.index_cast %add3A_195 : i32 to index
        %get3A_443 = arith.constant 16 : index
        %get3A_444 = tpu.vector_load %arg5[%get3A_440, %get3A_441, %get3A_442, %get3A_443] {strides = array<i32>} : memref<2x16x8x64xf32, #tpu.memory_space<vmem>>, vector<16xf32>,
        %get3A_445 = arith.constant 5 : i32
        %get3A_446 = arith.index_cast %rem3A_62 : i32 to index
        %get3A_447 = arith.index_cast %get3A_445 : i32 to index
        %get3A_448 = arith.index_cast %add3A_195 : i32 to index
        %get3A_449 = arith.constant 16 : index
        %get3A_450 = tpu.vector_load %arg5[%get3A_446, %get3A_447, %get3A_448, %get3A_449] {strides = array<i32>} : memref<2x16x8x64xf32, #tpu.memory_space<vmem>>, vector<16xf32>,
        %get3A_451 = arith.constant 6 : i32
        %get3A_452 = arith.index_cast %rem3A_62 : i32 to index
        %get3A_453 = arith.index_cast %get3A_451 : i32 to index
        %get3A_454 = arith.index_cast %add3A_195 : i32 to index
        %get3A_455 = arith.constant 16 : index
        %get3A_456 = tpu.vector_load %arg5[%get3A_452, %get3A_453, %get3A_454, %get3A_455] {strides = array<i32>} : memref<2x16x8x64xf32, #tpu.memory_space<vmem>>, vector<16xf32>,
        %get3A_457 = arith.constant 7 : i32
        %get3A_458 = arith.index_cast %rem3A_62 : i32 to index
        %get3A_459 = arith.index_cast %get3A_457 : i32 to index
        %get3A_460 = arith.index_cast %add3A_195 : i32 to index
        %get3A_461 = arith.constant 16 : index
        %get3A_462 = tpu.vector_load %arg5[%get3A_458, %get3A_459, %get3A_460, %get3A_461] {strides = array<i32>} : memref<2x16x8x64xf32, #tpu.memory_space<vmem>>, vector<16xf32>,
        %get3A_463 = arith.constant 8 : i32
        %get3A_464 = arith.index_cast %rem3A_62 : i32 to index
        %get3A_465 = arith.index_cast %get3A_463 : i32 to index
        %get3A_466 = arith.index_cast %add3A_195 : i32 to index
        %get3A_467 = arith.constant 16 : index
        %get3A_468 = tpu.vector_load %arg5[%get3A_464, %get3A_465, %get3A_466, %get3A_467] {strides = array<i32>} : memref<2x16x8x64xf32, #tpu.memory_space<vmem>>, vector<16xf32>,
        %get3A_469 = arith.constant 9 : i32
        %get3A_470 = arith.index_cast %rem3A_62 : i32 to index
        %get3A_471 = arith.index_cast %get3A_469 : i32 to index
        %get3A_472 = arith.index_cast %add3A_195 : i32 to index
        %get3A_473 = arith.constant 16 : index
        %get3A_474 = tpu.vector_load %arg5[%get3A_470, %get3A_471, %get3A_472, %get3A_473] {strides = array<i32>} : memref<2x16x8x64xf32, #tpu.memory_space<vmem>>, vector<16xf32>,
        %get3A_475 = arith.constant 10 : i32
        %get3A_476 = arith.index_cast %rem3A_62 : i32 to index
        %get3A_477 = arith.index_cast %get3A_475 : i32 to index
        %get3A_478 = arith.index_cast %add3A_195 : i32 to index
        %get3A_479 = arith.constant 16 : index
        %get3A_480 = tpu.vector_load %arg5[%get3A_476, %get3A_477, %get3A_478, %get3A_479] {strides = array<i32>} : memref<2x16x8x64xf32, #tpu.memory_space<vmem>>, vector<16xf32>,
        %get3A_481 = arith.constant 11 : i32
        %get3A_482 = arith.index_cast %rem3A_62 : i32 to index
        %get3A_483 = arith.index_cast %get3A_481 : i32 to index
        %get3A_484 = arith.index_cast %add3A_195 : i32 to index
        %get3A_485 = arith.constant 16 : index
        %get3A_486 = tpu.vector_load %arg5[%get3A_482, %get3A_483, %get3A_484, %get3A_485] {strides = array<i32>} : memref<2x16x8x64xf32, #tpu.memory_space<vmem>>, vector<16xf32>,
        %get3A_487 = arith.constant 12 : i32
        %get3A_488 = arith.index_cast %rem3A_62 : i32 to index
        %get3A_489 = arith.index_cast %get3A_487 : i32 to index
        %get3A_490 = arith.index_cast %add3A_195 : i32 to index
        %get3A_491 = arith.constant 16 : index
        %get3A_492 = tpu.vector_load %arg5[%get3A_488, %get3A_489, %get3A_490, %get3A_491] {strides = array<i32>} : memref<2x16x8x64xf32, #tpu.memory_space<vmem>>, vector<16xf32>,
        %get3A_493 = arith.constant 13 : i32
        %get3A_494 = arith.index_cast %rem3A_62 : i32 to index
        %get3A_495 = arith.index_cast %get3A_493 : i32 to index
        %get3A_496 = arith.index_cast %add3A_195 : i32 to index
        %get3A_497 = arith.constant 16 : index
        %get3A_498 = tpu.vector_load %arg5[%get3A_494, %get3A_495, %get3A_496, %get3A_497] {strides = array<i32>} : memref<2x16x8x64xf32, #tpu.memory_space<vmem>>, vector<16xf32>,
        %get3A_499 = arith.constant 14 : i32
        %get3A_500 = arith.index_cast %rem3A_62 : i32 to index
        %get3A_501 = arith.index_cast %get3A_499 : i32 to index
        %get3A_502 = arith.index_cast %add3A_195 : i32 to index
        %get3A_503 = arith.constant 16 : index
        %get3A_504 = tpu.vector_load %arg5[%get3A_500, %get3A_501, %get3A_502, %get3A_503] {strides = array<i32>} : memref<2x16x8x64xf32, #tpu.memory_space<vmem>>, vector<16xf32>,
        %get3A_505 = arith.constant 15 : i32
        %get3A_506 = arith.index_cast %rem3A_62 : i32 to index
        %get3A_507 = arith.index_cast %get3A_505 : i32 to index
        %get3A_508 = arith.index_cast %add3A_195 : i32 to index
        %get3A_509 = arith.constant 16 : index
        %get3A_510 = tpu.vector_load %arg5[%get3A_506, %get3A_507, %get3A_508, %get3A_509] {strides = array<i32>} : memref<2x16x8x64xf32, #tpu.memory_space<vmem>>, vector<16xf32>,
        %add3A_511 = arith.addf %get3A_420, %get3A_426 : vector<16xf32>
        %add3A_512 = arith.addf %get3A_432, %get3A_438 : vector<16xf32>
        %add3A_513 = arith.addf %add3A_511, %add3A_512 : vector<16xf32>
        %add3A_514 = arith.addf %get3A_444, %get3A_450 : vector<16xf32>
        %add3A_515 = arith.addf %get3A_456, %get3A_462 : vector<16xf32>
        %add3A_516 = arith.addf %add3A_514, %add3A_515 : vector<16xf32>
        %add3A_517 = arith.addf %get3A_468, %get3A_474 : vector<16xf32>
        %add3A_518 = arith.addf %get3A_480, %get3A_486 : vector<16xf32>
        %add3A_519 = arith.addf %add3A_517, %add3A_518 : vector<16xf32>
        %add3A_520 = arith.addf %get3A_492, %get3A_498 : vector<16xf32>
        %add3A_521 = arith.addf %get3A_504, %get3A_510 : vector<16xf32>
        %add3A_522 = arith.addf %add3A_520, %add3A_521 : vector<16xf32>
        %add3A_523 = arith.addf %add3A_513, %add3A_516 : vector<16xf32>
        %add3A_524 = arith.addf %add3A_519, %add3A_522 : vector<16xf32>
        %add3A_525 = arith.addf %add3A_523, %add3A_524 : vector<16xf32>
        %add3A_526 = arith.addf %add3A_308, %add3A_525 : vector<16xf32>
        %max3A_527 = arith.maximumf %get3A_420, %get3A_426 : vector<16xf32>
        %min3A_528 = arith.minimumf %get3A_420, %get3A_426 : vector<16xf32>
        %max3A_529 = arith.maximumf %get3A_432, %get3A_438 : vector<16xf32>
        %min3A_530 = arith.minimumf %get3A_432, %get3A_438 : vector<16xf32>
        %max3A_531 = arith.maximumf %get3A_444, %get3A_450 : vector<16xf32>
        %min3A_532 = arith.minimumf %get3A_444, %get3A_450 : vector<16xf32>
        %max3A_533 = arith.maximumf %get3A_456, %get3A_462 : vector<16xf32>
        %min3A_534 = arith.minimumf %get3A_456, %get3A_462 : vector<16xf32>
        %max3A_535 = arith.maximumf %max3A_527, %max3A_529 : vector<16xf32>
        %min3A_536 = arith.minimumf %max3A_527, %max3A_529 : vector<16xf32>
        %max3A_537 = arith.maximumf %min3A_528, %min3A_530 : vector<16xf32>
        %min3A_538 = arith.minimumf %min3A_528, %min3A_530 : vector<16xf32>
        %max3A_539 = arith.maximumf %max3A_531, %max3A_533 : vector<16xf32>
        %min3A_540 = arith.minimumf %max3A_531, %max3A_533 : vector<16xf32>
        %max3A_541 = arith.maximumf %min3A_532, %min3A_534 : vector<16xf32>
        %min3A_542 = arith.minimumf %min3A_532, %min3A_534 : vector<16xf32>
        %max3A_543 = arith.maximumf %max3A_537, %min3A_536 : vector<16xf32>
        %min3A_544 = arith.minimumf %max3A_537, %min3A_536 : vector<16xf32>
        %max3A_545 = arith.maximumf %max3A_541, %min3A_540 : vector<16xf32>
        %min3A_546 = arith.minimumf %max3A_541, %min3A_540 : vector<16xf32>
        %max3A_547 = arith.maximumf %max3A_535, %max3A_539 : vector<16xf32>
        %min3A_548 = arith.minimumf %max3A_535, %max3A_539 : vector<16xf32>
        %max3A_549 = arith.maximumf %min3A_538, %min3A_542 : vector<16xf32>
        %min3A_550 = arith.minimumf %min3A_538, %min3A_542 : vector<16xf32>
        %max3A_551 = arith.maximumf %max3A_543, %max3A_545 : vector<16xf32>
        %min3A_552 = arith.minimumf %max3A_543, %max3A_545 : vector<16xf32>
        %max3A_553 = arith.maximumf %min3A_544, %min3A_546 : vector<16xf32>
        %min3A_554 = arith.minimumf %min3A_544, %min3A_546 : vector<16xf32>
        %max3A_555 = arith.maximumf %max3A_551, %min3A_548 : vector<16xf32>
        %min3A_556 = arith.minimumf %max3A_551, %min3A_548 : vector<16xf32>
        %max3A_557 = arith.maximumf %max3A_549, %min3A_554 : vector<16xf32>
        %min3A_558 = arith.minimumf %max3A_549, %min3A_554 : vector<16xf32>
        %max3A_559 = arith.maximumf %max3A_553, %min3A_556 : vector<16xf32>
        %min3A_560 = arith.minimumf %max3A_553, %min3A_556 : vector<16xf32>
        %max3A_561 = arith.maximumf %max3A_557, %min3A_552 : vector<16xf32>
        %min3A_562 = arith.minimumf %max3A_557, %min3A_552 : vector<16xf32>
        %max3A_563 = arith.maximumf %max3A_561, %min3A_560 : vector<16xf32>
        %min3A_564 = arith.minimumf %max3A_561, %min3A_560 : vector<16xf32>
        %max3A_565 = arith.maximumf %get3A_468, %get3A_474 : vector<16xf32>
        %min3A_566 = arith.minimumf %get3A_468, %get3A_474 : vector<16xf32>
        %max3A_567 = arith.maximumf %get3A_480, %get3A_486 : vector<16xf32>
        %min3A_568 = arith.minimumf %get3A_480, %get3A_486 : vector<16xf32>
        %max3A_569 = arith.maximumf %get3A_492, %get3A_498 : vector<16xf32>
        %min3A_570 = arith.minimumf %get3A_492, %get3A_498 : vector<16xf32>
        %max3A_571 = arith.maximumf %get3A_504, %get3A_510 : vector<16xf32>
        %min3A_572 = arith.minimumf %get3A_504, %get3A_510 : vector<16xf32>
        %max3A_573 = arith.maximumf %max3A_565, %max3A_567 : vector<16xf32>
        %min3A_574 = arith.minimumf %max3A_565, %max3A_567 : vector<16xf32>
        %max3A_575 = arith.maximumf %min3A_566, %min3A_568 : vector<16xf32>
        %min3A_576 = arith.minimumf %min3A_566, %min3A_568 : vector<16xf32>
        %max3A_577 = arith.maximumf %max3A_569, %max3A_571 : vector<16xf32>
        %min3A_578 = arith.minimumf %max3A_569, %max3A_571 : vector<16xf32>
        %max3A_579 = arith.maximumf %min3A_570, %min3A_572 : vector<16xf32>
        %min3A_580 = arith.minimumf %min3A_570, %min3A_572 : vector<16xf32>
        %max3A_581 = arith.maximumf %max3A_575, %min3A_574 : vector<16xf32>
        %min3A_582 = arith.minimumf %max3A_575, %min3A_574 : vector<16xf32>
        %max3A_583 = arith.maximumf %max3A_579, %min3A_578 : vector<16xf32>
        %min3A_584 = arith.minimumf %max3A_579, %min3A_578 : vector<16xf32>
        %max3A_585 = arith.maximumf %max3A_573, %max3A_577 : vector<16xf32>
        %min3A_586 = arith.minimumf %max3A_573, %max3A_577 : vector<16xf32>
        %max3A_587 = arith.maximumf %min3A_576, %min3A_580 : vector<16xf32>
        %min3A_588 = arith.minimumf %min3A_576, %min3A_580 : vector<16xf32>
        %max3A_589 = arith.maximumf %max3A_581, %max3A_583 : vector<16xf32>
        %min3A_590 = arith.minimumf %max3A_581, %max3A_583 : vector<16xf32>
        %max3A_591 = arith.maximumf %min3A_582, %min3A_584 : vector<16xf32>
        %min3A_592 = arith.minimumf %min3A_582, %min3A_584 : vector<16xf32>
        %max3A_593 = arith.maximumf %max3A_589, %min3A_586 : vector<16xf32>
        %min3A_594 = arith.minimumf %max3A_589, %min3A_586 : vector<16xf32>
        %max3A_595 = arith.maximumf %max3A_587, %min3A_592 : vector<16xf32>
        %min3A_596 = arith.minimumf %max3A_587, %min3A_592 : vector<16xf32>
        %max3A_597 = arith.maximumf %max3A_591, %min3A_594 : vector<16xf32>
        %min3A_598 = arith.minimumf %max3A_591, %min3A_594 : vector<16xf32>
        %max3A_599 = arith.maximumf %max3A_595, %min3A_590 : vector<16xf32>
        %min3A_600 = arith.minimumf %max3A_595, %min3A_590 : vector<16xf32>
        %max3A_601 = arith.maximumf %max3A_599, %min3A_598 : vector<16xf32>
        %min3A_602 = arith.minimumf %max3A_599, %min3A_598 : vector<16xf32>
        %max3A_603 = arith.maximumf %max3A_547, %min3A_588 : vector<16xf32>
        %max3A_604 = arith.maximumf %max3A_555, %min3A_596 : vector<16xf32>
        %max3A_605 = arith.maximumf %max3A_559, %min3A_600 : vector<16xf32>
        %max3A_606 = arith.maximumf %max3A_563, %min3A_602 : vector<16xf32>
        %max3A_607 = arith.maximumf %min3A_564, %max3A_601 : vector<16xf32>
        %max3A_608 = arith.maximumf %min3A_562, %max3A_597 : vector<16xf32>
        %max3A_609 = arith.maximumf %min3A_558, %max3A_593 : vector<16xf32>
        %max3A_610 = arith.maximumf %min3A_550, %max3A_585 : vector<16xf32>
        %max3A_611 = arith.maximumf %max3A_603, %max3A_607 : vector<16xf32>
        %min3A_612 = arith.minimumf %max3A_603, %max3A_607 : vector<16xf32>
        %max3A_613 = arith.maximumf %max3A_604, %max3A_608 : vector<16xf32>
        %min3A_614 = arith.minimumf %max3A_604, %max3A_608 : vector<16xf32>
        %max3A_615 = arith.maximumf %max3A_605, %max3A_609 : vector<16xf32>
        %min3A_616 = arith.minimumf %max3A_605, %max3A_609 : vector<16xf32>
        %max3A_617 = arith.maximumf %max3A_606, %max3A_610 : vector<16xf32>
        %min3A_618 = arith.minimumf %max3A_606, %max3A_610 : vector<16xf32>
        %max3A_619 = arith.maximumf %max3A_611, %max3A_615 : vector<16xf32>
        %min3A_620 = arith.minimumf %max3A_611, %max3A_615 : vector<16xf32>
        %max3A_621 = arith.maximumf %max3A_613, %max3A_617 : vector<16xf32>
        %min3A_622 = arith.minimumf %max3A_613, %max3A_617 : vector<16xf32>
        %max3A_623 = arith.maximumf %min3A_612, %min3A_616 : vector<16xf32>
        %min3A_624 = arith.minimumf %min3A_612, %min3A_616 : vector<16xf32>
        %max3A_625 = arith.maximumf %min3A_614, %min3A_618 : vector<16xf32>
        %min3A_626 = arith.minimumf %min3A_614, %min3A_618 : vector<16xf32>
        %max3A_627 = arith.maximumf %max3A_619, %max3A_621 : vector<16xf32>
        %min3A_628 = arith.minimumf %max3A_619, %max3A_621 : vector<16xf32>
        %max3A_629 = arith.maximumf %min3A_620, %min3A_622 : vector<16xf32>
        %min3A_630 = arith.minimumf %min3A_620, %min3A_622 : vector<16xf32>
        %max3A_631 = arith.maximumf %max3A_623, %max3A_625 : vector<16xf32>
        %min3A_632 = arith.minimumf %max3A_623, %max3A_625 : vector<16xf32>
        %max3A_633 = arith.maximumf %min3A_624, %min3A_626 : vector<16xf32>
        %min3A_634 = arith.minimumf %min3A_624, %min3A_626 : vector<16xf32>
        %get3A_635 = arith.constant 0 : i32
        %get3A_636 = arith.index_cast %rem3A_62 : i32 to index
        %get3A_637 = arith.index_cast %get3A_635 : i32 to index
        %get3A_638 = arith.index_cast %add3A_195 : i32 to index
        %get3A_639 = arith.constant 32 : index
        %get3A_640 = tpu.vector_load %arg5[%get3A_636, %get3A_637, %get3A_638, %get3A_639] {strides = array<i32>} : memref<2x16x8x64xf32, #tpu.memory_space<vmem>>, vector<16xf32>,
        %get3A_641 = arith.constant 1 : i32
        %get3A_642 = arith.index_cast %rem3A_62 : i32 to index
        %get3A_643 = arith.index_cast %get3A_641 : i32 to index
        %get3A_644 = arith.index_cast %add3A_195 : i32 to index
        %get3A_645 = arith.constant 32 : index
        %get3A_646 = tpu.vector_load %arg5[%get3A_642, %get3A_643, %get3A_644, %get3A_645] {strides = array<i32>} : memref<2x16x8x64xf32, #tpu.memory_space<vmem>>, vector<16xf32>,
        %get3A_647 = arith.constant 2 : i32
        %get3A_648 = arith.index_cast %rem3A_62 : i32 to index
        %get3A_649 = arith.index_cast %get3A_647 : i32 to index
        %get3A_650 = arith.index_cast %add3A_195 : i32 to index
        %get3A_651 = arith.constant 32 : index
        %get3A_652 = tpu.vector_load %arg5[%get3A_648, %get3A_649, %get3A_650, %get3A_651] {strides = array<i32>} : memref<2x16x8x64xf32, #tpu.memory_space<vmem>>, vector<16xf32>,
        %get3A_653 = arith.constant 3 : i32
        %get3A_654 = arith.index_cast %rem3A_62 : i32 to index
        %get3A_655 = arith.index_cast %get3A_653 : i32 to index
        %get3A_656 = arith.index_cast %add3A_195 : i32 to index
        %get3A_657 = arith.constant 32 : index
        %get3A_658 = tpu.vector_load %arg5[%get3A_654, %get3A_655, %get3A_656, %get3A_657] {strides = array<i32>} : memref<2x16x8x64xf32, #tpu.memory_space<vmem>>, vector<16xf32>,
        %get3A_659 = arith.constant 4 : i32
        %get3A_660 = arith.index_cast %rem3A_62 : i32 to index
        %get3A_661 = arith.index_cast %get3A_659 : i32 to index
        %get3A_662 = arith.index_cast %add3A_195 : i32 to index
        %get3A_663 = arith.constant 32 : index
        %get3A_664 = tpu.vector_load %arg5[%get3A_660, %get3A_661, %get3A_662, %get3A_663] {strides = array<i32>} : memref<2x16x8x64xf32, #tpu.memory_space<vmem>>, vector<16xf32>,
        %get3A_665 = arith.constant 5 : i32
        %get3A_666 = arith.index_cast %rem3A_62 : i32 to index
        %get3A_667 = arith.index_cast %get3A_665 : i32 to index
        %get3A_668 = arith.index_cast %add3A_195 : i32 to index
        %get3A_669 = arith.constant 32 : index
        %get3A_670 = tpu.vector_load %arg5[%get3A_666, %get3A_667, %get3A_668, %get3A_669] {strides = array<i32>} : memref<2x16x8x64xf32, #tpu.memory_space<vmem>>, vector<16xf32>,
        %get3A_671 = arith.constant 6 : i32
        %get3A_672 = arith.index_cast %rem3A_62 : i32 to index
        %get3A_673 = arith.index_cast %get3A_671 : i32 to index
        %get3A_674 = arith.index_cast %add3A_195 : i32 to index
        %get3A_675 = arith.constant 32 : index
        %get3A_676 = tpu.vector_load %arg5[%get3A_672, %get3A_673, %get3A_674, %get3A_675] {strides = array<i32>} : memref<2x16x8x64xf32, #tpu.memory_space<vmem>>, vector<16xf32>,
        %get3A_677 = arith.constant 7 : i32
        %get3A_678 = arith.index_cast %rem3A_62 : i32 to index
        %get3A_679 = arith.index_cast %get3A_677 : i32 to index
        %get3A_680 = arith.index_cast %add3A_195 : i32 to index
        %get3A_681 = arith.constant 32 : index
        %get3A_682 = tpu.vector_load %arg5[%get3A_678, %get3A_679, %get3A_680, %get3A_681] {strides = array<i32>} : memref<2x16x8x64xf32, #tpu.memory_space<vmem>>, vector<16xf32>,
        %get3A_683 = arith.constant 8 : i32
        %get3A_684 = arith.index_cast %rem3A_62 : i32 to index
        %get3A_685 = arith.index_cast %get3A_683 : i32 to index
        %get3A_686 = arith.index_cast %add3A_195 : i32 to index
        %get3A_687 = arith.constant 32 : index
        %get3A_688 = tpu.vector_load %arg5[%get3A_684, %get3A_685, %get3A_686, %get3A_687] {strides = array<i32>} : memref<2x16x8x64xf32, #tpu.memory_space<vmem>>, vector<16xf32>,
        %get3A_689 = arith.constant 9 : i32
        %get3A_690 = arith.index_cast %rem3A_62 : i32 to index
        %get3A_691 = arith.index_cast %get3A_689 : i32 to index
        %get3A_692 = arith.index_cast %add3A_195 : i32 to index
        %get3A_693 = arith.constant 32 : index
        %get3A_694 = tpu.vector_load %arg5[%get3A_690, %get3A_691, %get3A_692, %get3A_693] {strides = array<i32>} : memref<2x16x8x64xf32, #tpu.memory_space<vmem>>, vector<16xf32>,
        %get3A_695 = arith.constant 10 : i32
        %get3A_696 = arith.index_cast %rem3A_62 : i32 to index
        %get3A_697 = arith.index_cast %get3A_695 : i32 to index
        %get3A_698 = arith.index_cast %add3A_195 : i32 to index
        %get3A_699 = arith.constant 32 : index
        %get3A_700 = tpu.vector_load %arg5[%get3A_696, %get3A_697, %get3A_698, %get3A_699] {strides = array<i32>} : memref<2x16x8x64xf32, #tpu.memory_space<vmem>>, vector<16xf32>,
        %get3A_701 = arith.constant 11 : i32
        %get3A_702 = arith.index_cast %rem3A_62 : i32 to index
        %get3A_703 = arith.index_cast %get3A_701 : i32 to index
        %get3A_704 = arith.index_cast %add3A_195 : i32 to index
        %get3A_705 = arith.constant 32 : index
        %get3A_706 = tpu.vector_load %arg5[%get3A_702, %get3A_703, %get3A_704, %get3A_705] {strides = array<i32>} : memref<2x16x8x64xf32, #tpu.memory_space<vmem>>, vector<16xf32>,
        %get3A_707 = arith.constant 12 : i32
        %get3A_708 = arith.index_cast %rem3A_62 : i32 to index
        %get3A_709 = arith.index_cast %get3A_707 : i32 to index
        %get3A_710 = arith.index_cast %add3A_195 : i32 to index
        %get3A_711 = arith.constant 32 : index
        %get3A_712 = tpu.vector_load %arg5[%get3A_708, %get3A_709, %get3A_710, %get3A_711] {strides = array<i32>} : memref<2x16x8x64xf32, #tpu.memory_space<vmem>>, vector<16xf32>,
        %get3A_713 = arith.constant 13 : i32
        %get3A_714 = arith.index_cast %rem3A_62 : i32 to index
        %get3A_715 = arith.index_cast %get3A_713 : i32 to index
        %get3A_716 = arith.index_cast %add3A_195 : i32 to index
        %get3A_717 = arith.constant 32 : index
        %get3A_718 = tpu.vector_load %arg5[%get3A_714, %get3A_715, %get3A_716, %get3A_717] {strides = array<i32>} : memref<2x16x8x64xf32, #tpu.memory_space<vmem>>, vector<16xf32>,
        %get3A_719 = arith.constant 14 : i32
        %get3A_720 = arith.index_cast %rem3A_62 : i32 to index
        %get3A_721 = arith.index_cast %get3A_719 : i32 to index
        %get3A_722 = arith.index_cast %add3A_195 : i32 to index
        %get3A_723 = arith.constant 32 : index
        %get3A_724 = tpu.vector_load %arg5[%get3A_720, %get3A_721, %get3A_722, %get3A_723] {strides = array<i32>} : memref<2x16x8x64xf32, #tpu.memory_space<vmem>>, vector<16xf32>,
        %get3A_725 = arith.constant 15 : i32
        %get3A_726 = arith.index_cast %rem3A_62 : i32 to index
        %get3A_727 = arith.index_cast %get3A_725 : i32 to index
        %get3A_728 = arith.index_cast %add3A_195 : i32 to index
        %get3A_729 = arith.constant 32 : index
        %get3A_730 = tpu.vector_load %arg5[%get3A_726, %get3A_727, %get3A_728, %get3A_729] {strides = array<i32>} : memref<2x16x8x64xf32, #tpu.memory_space<vmem>>, vector<16xf32>,
        %add3A_731 = arith.addf %get3A_640, %get3A_646 : vector<16xf32>
        %add3A_732 = arith.addf %get3A_652, %get3A_658 : vector<16xf32>
        %add3A_733 = arith.addf %add3A_731, %add3A_732 : vector<16xf32>
        %add3A_734 = arith.addf %get3A_664, %get3A_670 : vector<16xf32>
        %add3A_735 = arith.addf %get3A_676, %get3A_682 : vector<16xf32>
        %add3A_736 = arith.addf %add3A_734, %add3A_735 : vector<16xf32>
        %add3A_737 = arith.addf %get3A_688, %get3A_694 : vector<16xf32>
        %add3A_738 = arith.addf %get3A_700, %get3A_706 : vector<16xf32>
        %add3A_739 = arith.addf %add3A_737, %add3A_738 : vector<16xf32>
        %add3A_740 = arith.addf %get3A_712, %get3A_718 : vector<16xf32>
        %add3A_741 = arith.addf %get3A_724, %get3A_730 : vector<16xf32>
        %add3A_742 = arith.addf %add3A_740, %add3A_741 : vector<16xf32>
        %add3A_743 = arith.addf %add3A_733, %add3A_736 : vector<16xf32>
        %add3A_744 = arith.addf %add3A_739, %add3A_742 : vector<16xf32>
        %add3A_745 = arith.addf %add3A_743, %add3A_744 : vector<16xf32>
        %add3A_746 = arith.addf %add3A_526, %add3A_745 : vector<16xf32>
        %max3A_747 = arith.maximumf %get3A_640, %get3A_646 : vector<16xf32>
        %min3A_748 = arith.minimumf %get3A_640, %get3A_646 : vector<16xf32>
        %max3A_749 = arith.maximumf %get3A_652, %get3A_658 : vector<16xf32>
        %min3A_750 = arith.minimumf %get3A_652, %get3A_658 : vector<16xf32>
        %max3A_751 = arith.maximumf %get3A_664, %get3A_670 : vector<16xf32>
        %min3A_752 = arith.minimumf %get3A_664, %get3A_670 : vector<16xf32>
        %max3A_753 = arith.maximumf %get3A_676, %get3A_682 : vector<16xf32>
        %min3A_754 = arith.minimumf %get3A_676, %get3A_682 : vector<16xf32>
        %max3A_755 = arith.maximumf %max3A_747, %max3A_749 : vector<16xf32>
        %min3A_756 = arith.minimumf %max3A_747, %max3A_749 : vector<16xf32>
        %max3A_757 = arith.maximumf %min3A_748, %min3A_750 : vector<16xf32>
        %min3A_758 = arith.minimumf %min3A_748, %min3A_750 : vector<16xf32>
        %max3A_759 = arith.maximumf %max3A_751, %max3A_753 : vector<16xf32>
        %min3A_760 = arith.minimumf %max3A_751, %max3A_753 : vector<16xf32>
        %max3A_761 = arith.maximumf %min3A_752, %min3A_754 : vector<16xf32>
        %min3A_762 = arith.minimumf %min3A_752, %min3A_754 : vector<16xf32>
        %max3A_763 = arith.maximumf %max3A_757, %min3A_756 : vector<16xf32>
        %min3A_764 = arith.minimumf %max3A_757, %min3A_756 : vector<16xf32>
        %max3A_765 = arith.maximumf %max3A_761, %min3A_760 : vector<16xf32>
        %min3A_766 = arith.minimumf %max3A_761, %min3A_760 : vector<16xf32>
        %max3A_767 = arith.maximumf %max3A_755, %max3A_759 : vector<16xf32>
        %min3A_768 = arith.minimumf %max3A_755, %max3A_759 : vector<16xf32>
        %max3A_769 = arith.maximumf %min3A_758, %min3A_762 : vector<16xf32>
        %min3A_770 = arith.minimumf %min3A_758, %min3A_762 : vector<16xf32>
        %max3A_771 = arith.maximumf %max3A_763, %max3A_765 : vector<16xf32>
        %min3A_772 = arith.minimumf %max3A_763, %max3A_765 : vector<16xf32>
        %max3A_773 = arith.maximumf %min3A_764, %min3A_766 : vector<16xf32>
        %min3A_774 = arith.minimumf %min3A_764, %min3A_766 : vector<16xf32>
        %max3A_775 = arith.maximumf %max3A_771, %min3A_768 : vector<16xf32>
        %min3A_776 = arith.minimumf %max3A_771, %min3A_768 : vector<16xf32>
        %max3A_777 = arith.maximumf %max3A_769, %min3A_774 : vector<16xf32>
        %min3A_778 = arith.minimumf %max3A_769, %min3A_774 : vector<16xf32>
        %max3A_779 = arith.maximumf %max3A_773, %min3A_776 : vector<16xf32>
        %min3A_780 = arith.minimumf %max3A_773, %min3A_776 : vector<16xf32>
        %max3A_781 = arith.maximumf %max3A_777, %min3A_772 : vector<16xf32>
        %min3A_782 = arith.minimumf %max3A_777, %min3A_772 : vector<16xf32>
        %max3A_783 = arith.maximumf %max3A_781, %min3A_780 : vector<16xf32>
        %min3A_784 = arith.minimumf %max3A_781, %min3A_780 : vector<16xf32>
        %max3A_785 = arith.maximumf %get3A_688, %get3A_694 : vector<16xf32>
        %min3A_786 = arith.minimumf %get3A_688, %get3A_694 : vector<16xf32>
        %max3A_787 = arith.maximumf %get3A_700, %get3A_706 : vector<16xf32>
        %min3A_788 = arith.minimumf %get3A_700, %get3A_706 : vector<16xf32>
        %max3A_789 = arith.maximumf %get3A_712, %get3A_718 : vector<16xf32>
        %min3A_790 = arith.minimumf %get3A_712, %get3A_718 : vector<16xf32>
        %max3A_791 = arith.maximumf %get3A_724, %get3A_730 : vector<16xf32>
        %min3A_792 = arith.minimumf %get3A_724, %get3A_730 : vector<16xf32>
        %max3A_793 = arith.maximumf %max3A_785, %max3A_787 : vector<16xf32>
        %min3A_794 = arith.minimumf %max3A_785, %max3A_787 : vector<16xf32>
        %max3A_795 = arith.maximumf %min3A_786, %min3A_788 : vector<16xf32>
        %min3A_796 = arith.minimumf %min3A_786, %min3A_788 : vector<16xf32>
        %max3A_797 = arith.maximumf %max3A_789, %max3A_791 : vector<16xf32>
        %min3A_798 = arith.minimumf %max3A_789, %max3A_791 : vector<16xf32>
        %max3A_799 = arith.maximumf %min3A_790, %min3A_792 : vector<16xf32>
        %min3A_800 = arith.minimumf %min3A_790, %min3A_792 : vector<16xf32>
        %max3A_801 = arith.maximumf %max3A_795, %min3A_794 : vector<16xf32>
        %min3A_802 = arith.minimumf %max3A_795, %min3A_794 : vector<16xf32>
        %max3A_803 = arith.maximumf %max3A_799, %min3A_798 : vector<16xf32>
        %min3A_804 = arith.minimumf %max3A_799, %min3A_798 : vector<16xf32>
        %max3A_805 = arith.maximumf %max3A_793, %max3A_797 : vector<16xf32>
        %min3A_806 = arith.minimumf %max3A_793, %max3A_797 : vector<16xf32>
        %max3A_807 = arith.maximumf %min3A_796, %min3A_800 : vector<16xf32>
        %min3A_808 = arith.minimumf %min3A_796, %min3A_800 : vector<16xf32>
        %max3A_809 = arith.maximumf %max3A_801, %max3A_803 : vector<16xf32>
        %min3A_810 = arith.minimumf %max3A_801, %max3A_803 : vector<16xf32>
        %max3A_811 = arith.maximumf %min3A_802, %min3A_804 : vector<16xf32>
        %min3A_812 = arith.minimumf %min3A_802, %min3A_804 : vector<16xf32>
        %max3A_813 = arith.maximumf %max3A_809, %min3A_806 : vector<16xf32>
        %min3A_814 = arith.minimumf %max3A_809, %min3A_806 : vector<16xf32>
        %max3A_815 = arith.maximumf %max3A_807, %min3A_812 : vector<16xf32>
        %min3A_816 = arith.minimumf %max3A_807, %min3A_812 : vector<16xf32>
        %max3A_817 = arith.maximumf %max3A_811, %min3A_814 : vector<16xf32>
        %min3A_818 = arith.minimumf %max3A_811, %min3A_814 : vector<16xf32>
        %max3A_819 = arith.maximumf %max3A_815, %min3A_810 : vector<16xf32>
        %min3A_820 = arith.minimumf %max3A_815, %min3A_810 : vector<16xf32>
        %max3A_821 = arith.maximumf %max3A_819, %min3A_818 : vector<16xf32>
        %min3A_822 = arith.minimumf %max3A_819, %min3A_818 : vector<16xf32>
        %max3A_823 = arith.maximumf %max3A_767, %min3A_808 : vector<16xf32>
        %max3A_824 = arith.maximumf %max3A_775, %min3A_816 : vector<16xf32>
        %max3A_825 = arith.maximumf %max3A_779, %min3A_820 : vector<16xf32>
        %max3A_826 = arith.maximumf %max3A_783, %min3A_822 : vector<16xf32>
        %max3A_827 = arith.maximumf %min3A_784, %max3A_821 : vector<16xf32>
        %max3A_828 = arith.maximumf %min3A_782, %max3A_817 : vector<16xf32>
        %max3A_829 = arith.maximumf %min3A_778, %max3A_813 : vector<16xf32>
        %max3A_830 = arith.maximumf %min3A_770, %max3A_805 : vector<16xf32>
        %max3A_831 = arith.maximumf %max3A_823, %max3A_827 : vector<16xf32>
        %min3A_832 = arith.minimumf %max3A_823, %max3A_827 : vector<16xf32>
        %max3A_833 = arith.maximumf %max3A_824, %max3A_828 : vector<16xf32>
        %min3A_834 = arith.minimumf %max3A_824, %max3A_828 : vector<16xf32>
        %max3A_835 = arith.maximumf %max3A_825, %max3A_829 : vector<16xf32>
        %min3A_836 = arith.minimumf %max3A_825, %max3A_829 : vector<16xf32>
        %max3A_837 = arith.maximumf %max3A_826, %max3A_830 : vector<16xf32>
        %min3A_838 = arith.minimumf %max3A_826, %max3A_830 : vector<16xf32>
        %max3A_839 = arith.maximumf %max3A_831, %max3A_835 : vector<16xf32>
        %min3A_840 = arith.minimumf %max3A_831, %max3A_835 : vector<16xf32>
        %max3A_841 = arith.maximumf %max3A_833, %max3A_837 : vector<16xf32>
        %min3A_842 = arith.minimumf %max3A_833, %max3A_837 : vector<16xf32>
        %max3A_843 = arith.maximumf %min3A_832, %min3A_836 : vector<16xf32>
        %min3A_844 = arith.minimumf %min3A_832, %min3A_836 : vector<16xf32>
        %max3A_845 = arith.maximumf %min3A_834, %min3A_838 : vector<16xf32>
        %min3A_846 = arith.minimumf %min3A_834, %min3A_838 : vector<16xf32>
        %max3A_847 = arith.maximumf %max3A_839, %max3A_841 : vector<16xf32>
        %min3A_848 = arith.minimumf %max3A_839, %max3A_841 : vector<16xf32>
        %max3A_849 = arith.maximumf %min3A_840, %min3A_842 : vector<16xf32>
        %min3A_850 = arith.minimumf %min3A_840, %min3A_842 : vector<16xf32>
        %max3A_851 = arith.maximumf %max3A_843, %max3A_845 : vector<16xf32>
        %min3A_852 = arith.minimumf %max3A_843, %max3A_845 : vector<16xf32>
        %max3A_853 = arith.maximumf %min3A_844, %min3A_846 : vector<16xf32>
        %min3A_854 = arith.minimumf %min3A_844, %min3A_846 : vector<16xf32>
        %get3A_855 = arith.constant 0 : i32
        %get3A_856 = arith.index_cast %rem3A_62 : i32 to index
        %get3A_857 = arith.index_cast %get3A_855 : i32 to index
        %get3A_858 = arith.index_cast %add3A_195 : i32 to index
        %get3A_859 = arith.constant 48 : index
        %get3A_860 = tpu.vector_load %arg5[%get3A_856, %get3A_857, %get3A_858, %get3A_859] {strides = array<i32>} : memref<2x16x8x64xf32, #tpu.memory_space<vmem>>, vector<16xf32>,
        %get3A_861 = arith.constant 1 : i32
        %get3A_862 = arith.index_cast %rem3A_62 : i32 to index
        %get3A_863 = arith.index_cast %get3A_861 : i32 to index
        %get3A_864 = arith.index_cast %add3A_195 : i32 to index
        %get3A_865 = arith.constant 48 : index
        %get3A_866 = tpu.vector_load %arg5[%get3A_862, %get3A_863, %get3A_864, %get3A_865] {strides = array<i32>} : memref<2x16x8x64xf32, #tpu.memory_space<vmem>>, vector<16xf32>,
        %get3A_867 = arith.constant 2 : i32
        %get3A_868 = arith.index_cast %rem3A_62 : i32 to index
        %get3A_869 = arith.index_cast %get3A_867 : i32 to index
        %get3A_870 = arith.index_cast %add3A_195 : i32 to index
        %get3A_871 = arith.constant 48 : index
        %get3A_872 = tpu.vector_load %arg5[%get3A_868, %get3A_869, %get3A_870, %get3A_871] {strides = array<i32>} : memref<2x16x8x64xf32, #tpu.memory_space<vmem>>, vector<16xf32>,
        %get3A_873 = arith.constant 3 : i32
        %get3A_874 = arith.index_cast %rem3A_62 : i32 to index
        %get3A_875 = arith.index_cast %get3A_873 : i32 to index
        %get3A_876 = arith.index_cast %add3A_195 : i32 to index
        %get3A_877 = arith.constant 48 : index
        %get3A_878 = tpu.vector_load %arg5[%get3A_874, %get3A_875, %get3A_876, %get3A_877] {strides = array<i32>} : memref<2x16x8x64xf32, #tpu.memory_space<vmem>>, vector<16xf32>,
        %get3A_879 = arith.constant 4 : i32
        %get3A_880 = arith.index_cast %rem3A_62 : i32 to index
        %get3A_881 = arith.index_cast %get3A_879 : i32 to index
        %get3A_882 = arith.index_cast %add3A_195 : i32 to index
        %get3A_883 = arith.constant 48 : index
        %get3A_884 = tpu.vector_load %arg5[%get3A_880, %get3A_881, %get3A_882, %get3A_883] {strides = array<i32>} : memref<2x16x8x64xf32, #tpu.memory_space<vmem>>, vector<16xf32>,
        %get3A_885 = arith.constant 5 : i32
        %get3A_886 = arith.index_cast %rem3A_62 : i32 to index
        %get3A_887 = arith.index_cast %get3A_885 : i32 to index
        %get3A_888 = arith.index_cast %add3A_195 : i32 to index
        %get3A_889 = arith.constant 48 : index
        %get3A_890 = tpu.vector_load %arg5[%get3A_886, %get3A_887, %get3A_888, %get3A_889] {strides = array<i32>} : memref<2x16x8x64xf32, #tpu.memory_space<vmem>>, vector<16xf32>,
        %get3A_891 = arith.constant 6 : i32
        %get3A_892 = arith.index_cast %rem3A_62 : i32 to index
        %get3A_893 = arith.index_cast %get3A_891 : i32 to index
        %get3A_894 = arith.index_cast %add3A_195 : i32 to index
        %get3A_895 = arith.constant 48 : index
        %get3A_896 = tpu.vector_load %arg5[%get3A_892, %get3A_893, %get3A_894, %get3A_895] {strides = array<i32>} : memref<2x16x8x64xf32, #tpu.memory_space<vmem>>, vector<16xf32>,
        %get3A_897 = arith.constant 7 : i32
        %get3A_898 = arith.index_cast %rem3A_62 : i32 to index
        %get3A_899 = arith.index_cast %get3A_897 : i32 to index
        %get3A_900 = arith.index_cast %add3A_195 : i32 to index
        %get3A_901 = arith.constant 48 : index
        %get3A_902 = tpu.vector_load %arg5[%get3A_898, %get3A_899, %get3A_900, %get3A_901] {strides = array<i32>} : memref<2x16x8x64xf32, #tpu.memory_space<vmem>>, vector<16xf32>,
        %get3A_903 = arith.constant 8 : i32
        %get3A_904 = arith.index_cast %rem3A_62 : i32 to index
        %get3A_905 = arith.index_cast %get3A_903 : i32 to index
        %get3A_906 = arith.index_cast %add3A_195 : i32 to index
        %get3A_907 = arith.constant 48 : index
        %get3A_908 = tpu.vector_load %arg5[%get3A_904, %get3A_905, %get3A_906, %get3A_907] {strides = array<i32>} : memref<2x16x8x64xf32, #tpu.memory_space<vmem>>, vector<16xf32>,
        %get3A_909 = arith.constant 9 : i32
        %get3A_910 = arith.index_cast %rem3A_62 : i32 to index
        %get3A_911 = arith.index_cast %get3A_909 : i32 to index
        %get3A_912 = arith.index_cast %add3A_195 : i32 to index
        %get3A_913 = arith.constant 48 : index
        %get3A_914 = tpu.vector_load %arg5[%get3A_910, %get3A_911, %get3A_912, %get3A_913] {strides = array<i32>} : memref<2x16x8x64xf32, #tpu.memory_space<vmem>>, vector<16xf32>,
        %get3A_915 = arith.constant 10 : i32
        %get3A_916 = arith.index_cast %rem3A_62 : i32 to index
        %get3A_917 = arith.index_cast %get3A_915 : i32 to index
        %get3A_918 = arith.index_cast %add3A_195 : i32 to index
        %get3A_919 = arith.constant 48 : index
        %get3A_920 = tpu.vector_load %arg5[%get3A_916, %get3A_917, %get3A_918, %get3A_919] {strides = array<i32>} : memref<2x16x8x64xf32, #tpu.memory_space<vmem>>, vector<16xf32>,
        %get3A_921 = arith.constant 11 : i32
        %get3A_922 = arith.index_cast %rem3A_62 : i32 to index
        %get3A_923 = arith.index_cast %get3A_921 : i32 to index
        %get3A_924 = arith.index_cast %add3A_195 : i32 to index
        %get3A_925 = arith.constant 48 : index
        %get3A_926 = tpu.vector_load %arg5[%get3A_922, %get3A_923, %get3A_924, %get3A_925] {strides = array<i32>} : memref<2x16x8x64xf32, #tpu.memory_space<vmem>>, vector<16xf32>,
        %get3A_927 = arith.constant 12 : i32
        %get3A_928 = arith.index_cast %rem3A_62 : i32 to index
        %get3A_929 = arith.index_cast %get3A_927 : i32 to index
        %get3A_930 = arith.index_cast %add3A_195 : i32 to index
        %get3A_931 = arith.constant 48 : index
        %get3A_932 = tpu.vector_load %arg5[%get3A_928, %get3A_929, %get3A_930, %get3A_931] {strides = array<i32>} : memref<2x16x8x64xf32, #tpu.memory_space<vmem>>, vector<16xf32>,
        %get3A_933 = arith.constant 13 : i32
        %get3A_934 = arith.index_cast %rem3A_62 : i32 to index
        %get3A_935 = arith.index_cast %get3A_933 : i32 to index
        %get3A_936 = arith.index_cast %add3A_195 : i32 to index
        %get3A_937 = arith.constant 48 : index
        %get3A_938 = tpu.vector_load %arg5[%get3A_934, %get3A_935, %get3A_936, %get3A_937] {strides = array<i32>} : memref<2x16x8x64xf32, #tpu.memory_space<vmem>>, vector<16xf32>,
        %get3A_939 = arith.constant 14 : i32
        %get3A_940 = arith.index_cast %rem3A_62 : i32 to index
        %get3A_941 = arith.index_cast %get3A_939 : i32 to index
        %get3A_942 = arith.index_cast %add3A_195 : i32 to index
        %get3A_943 = arith.constant 48 : index
        %get3A_944 = tpu.vector_load %arg5[%get3A_940, %get3A_941, %get3A_942, %get3A_943] {strides = array<i32>} : memref<2x16x8x64xf32, #tpu.memory_space<vmem>>, vector<16xf32>,
        %get3A_945 = arith.constant 15 : i32
        %get3A_946 = arith.index_cast %rem3A_62 : i32 to index
        %get3A_947 = arith.index_cast %get3A_945 : i32 to index
        %get3A_948 = arith.index_cast %add3A_195 : i32 to index
        %get3A_949 = arith.constant 48 : index
        %get3A_950 = tpu.vector_load %arg5[%get3A_946, %get3A_947, %get3A_948, %get3A_949] {strides = array<i32>} : memref<2x16x8x64xf32, #tpu.memory_space<vmem>>, vector<16xf32>,
        %add3A_951 = arith.addf %get3A_860, %get3A_866 : vector<16xf32>
        %add3A_952 = arith.addf %get3A_872, %get3A_878 : vector<16xf32>
        %add3A_953 = arith.addf %add3A_951, %add3A_952 : vector<16xf32>
        %add3A_954 = arith.addf %get3A_884, %get3A_890 : vector<16xf32>
        %add3A_955 = arith.addf %get3A_896, %get3A_902 : vector<16xf32>
        %add3A_956 = arith.addf %add3A_954, %add3A_955 : vector<16xf32>
        %add3A_957 = arith.addf %get3A_908, %get3A_914 : vector<16xf32>
        %add3A_958 = arith.addf %get3A_920, %get3A_926 : vector<16xf32>
        %add3A_959 = arith.addf %add3A_957, %add3A_958 : vector<16xf32>
        %add3A_960 = arith.addf %get3A_932, %get3A_938 : vector<16xf32>
        %add3A_961 = arith.addf %get3A_944, %get3A_950 : vector<16xf32>
        %add3A_962 = arith.addf %add3A_960, %add3A_961 : vector<16xf32>
        %add3A_963 = arith.addf %add3A_953, %add3A_956 : vector<16xf32>
        %add3A_964 = arith.addf %add3A_959, %add3A_962 : vector<16xf32>
        %add3A_965 = arith.addf %add3A_963, %add3A_964 : vector<16xf32>
        %add3A_966 = arith.addf %add3A_746, %add3A_965 : vector<16xf32>
        %max3A_967 = arith.maximumf %get3A_860, %get3A_866 : vector<16xf32>
        %min3A_968 = arith.minimumf %get3A_860, %get3A_866 : vector<16xf32>
        %max3A_969 = arith.maximumf %get3A_872, %get3A_878 : vector<16xf32>
        %min3A_970 = arith.minimumf %get3A_872, %get3A_878 : vector<16xf32>
        %max3A_971 = arith.maximumf %get3A_884, %get3A_890 : vector<16xf32>
        %min3A_972 = arith.minimumf %get3A_884, %get3A_890 : vector<16xf32>
        %max3A_973 = arith.maximumf %get3A_896, %get3A_902 : vector<16xf32>
        %min3A_974 = arith.minimumf %get3A_896, %get3A_902 : vector<16xf32>
        %max3A_975 = arith.maximumf %max3A_967, %max3A_969 : vector<16xf32>
        %min3A_976 = arith.minimumf %max3A_967, %max3A_969 : vector<16xf32>
        %max3A_977 = arith.maximumf %min3A_968, %min3A_970 : vector<16xf32>
        %min3A_978 = arith.minimumf %min3A_968, %min3A_970 : vector<16xf32>
        %max3A_979 = arith.maximumf %max3A_971, %max3A_973 : vector<16xf32>
        %min3A_980 = arith.minimumf %max3A_971, %max3A_973 : vector<16xf32>
        %max3A_981 = arith.maximumf %min3A_972, %min3A_974 : vector<16xf32>
        %min3A_982 = arith.minimumf %min3A_972, %min3A_974 : vector<16xf32>
        %max3A_983 = arith.maximumf %max3A_977, %min3A_976 : vector<16xf32>
        %min3A_984 = arith.minimumf %max3A_977, %min3A_976 : vector<16xf32>
        %max3A_985 = arith.maximumf %max3A_981, %min3A_980 : vector<16xf32>
        %min3A_986 = arith.minimumf %max3A_981, %min3A_980 : vector<16xf32>
        %max3A_987 = arith.maximumf %max3A_975, %max3A_979 : vector<16xf32>
        %min3A_988 = arith.minimumf %max3A_975, %max3A_979 : vector<16xf32>
        %max3A_989 = arith.maximumf %min3A_978, %min3A_982 : vector<16xf32>
        %min3A_990 = arith.minimumf %min3A_978, %min3A_982 : vector<16xf32>
        %max3A_991 = arith.maximumf %max3A_983, %max3A_985 : vector<16xf32>
        %min3A_992 = arith.minimumf %max3A_983, %max3A_985 : vector<16xf32>
        %max3A_993 = arith.maximumf %min3A_984, %min3A_986 : vector<16xf32>
        %min3A_994 = arith.minimumf %min3A_984, %min3A_986 : vector<16xf32>
        %max3A_995 = arith.maximumf %max3A_991, %min3A_988 : vector<16xf32>
        %min3A_996 = arith.minimumf %max3A_991, %min3A_988 : vector<16xf32>
        %max3A_997 = arith.maximumf %max3A_989, %min3A_994 : vector<16xf32>
        %min3A_998 = arith.minimumf %max3A_989, %min3A_994 : vector<16xf32>
        %max3A_999 = arith.maximumf %max3A_993, %min3A_996 : vector<16xf32>
        %min3A_1000 = arith.minimumf %max3A_993, %min3A_996 : vector<16xf32>
        %max3A_1001 = arith.maximumf %max3A_997, %min3A_992 : vector<16xf32>
        %min3A_1002 = arith.minimumf %max3A_997, %min3A_992 : vector<16xf32>
        %max3A_1003 = arith.maximumf %max3A_1001, %min3A_1000 : vector<16xf32>
        %min3A_1004 = arith.minimumf %max3A_1001, %min3A_1000 : vector<16xf32>
        %max3A_1005 = arith.maximumf %get3A_908, %get3A_914 : vector<16xf32>
        %min3A_1006 = arith.minimumf %get3A_908, %get3A_914 : vector<16xf32>
        %max3A_1007 = arith.maximumf %get3A_920, %get3A_926 : vector<16xf32>
        %min3A_1008 = arith.minimumf %get3A_920, %get3A_926 : vector<16xf32>
        %max3A_1009 = arith.maximumf %get3A_932, %get3A_938 : vector<16xf32>
        %min3A_1010 = arith.minimumf %get3A_932, %get3A_938 : vector<16xf32>
        %max3A_1011 = arith.maximumf %get3A_944, %get3A_950 : vector<16xf32>
        %min3A_1012 = arith.minimumf %get3A_944, %get3A_950 : vector<16xf32>
        %max3A_1013 = arith.maximumf %max3A_1005, %max3A_1007 : vector<16xf32>
        %min3A_1014 = arith.minimumf %max3A_1005, %max3A_1007 : vector<16xf32>
        %max3A_1015 = arith.maximumf %min3A_1006, %min3A_1008 : vector<16xf32>
        %min3A_1016 = arith.minimumf %min3A_1006, %min3A_1008 : vector<16xf32>
        %max3A_1017 = arith.maximumf %max3A_1009, %max3A_1011 : vector<16xf32>
        %min3A_1018 = arith.minimumf %max3A_1009, %max3A_1011 : vector<16xf32>
        %max3A_1019 = arith.maximumf %min3A_1010, %min3A_1012 : vector<16xf32>
        %min3A_1020 = arith.minimumf %min3A_1010, %min3A_1012 : vector<16xf32>
        %max3A_1021 = arith.maximumf %max3A_1015, %min3A_1014 : vector<16xf32>
        %min3A_1022 = arith.minimumf %max3A_1015, %min3A_1014 : vector<16xf32>
        %max3A_1023 = arith.maximumf %max3A_1019, %min3A_1018 : vector<16xf32>
        %min3A_1024 = arith.minimumf %max3A_1019, %min3A_1018 : vector<16xf32>
        %max3A_1025 = arith.maximumf %max3A_1013, %max3A_1017 : vector<16xf32>
        %min3A_1026 = arith.minimumf %max3A_1013, %max3A_1017 : vector<16xf32>
        %max3A_1027 = arith.maximumf %min3A_1016, %min3A_1020 : vector<16xf32>
        %min3A_1028 = arith.minimumf %min3A_1016, %min3A_1020 : vector<16xf32>
        %max3A_1029 = arith.maximumf %max3A_1021, %max3A_1023 : vector<16xf32>
        %min3A_1030 = arith.minimumf %max3A_1021, %max3A_1023 : vector<16xf32>
        %max3A_1031 = arith.maximumf %min3A_1022, %min3A_1024 : vector<16xf32>
        %min3A_1032 = arith.minimumf %min3A_1022, %min3A_1024 : vector<16xf32>
        %max3A_1033 = arith.maximumf %max3A_1029, %min3A_1026 : vector<16xf32>
        %min3A_1034 = arith.minimumf %max3A_1029, %min3A_1026 : vector<16xf32>
        %max3A_1035 = arith.maximumf %max3A_1027, %min3A_1032 : vector<16xf32>
        %min3A_1036 = arith.minimumf %max3A_1027, %min3A_1032 : vector<16xf32>
        %max3A_1037 = arith.maximumf %max3A_1031, %min3A_1034 : vector<16xf32>
        %min3A_1038 = arith.minimumf %max3A_1031, %min3A_1034 : vector<16xf32>
        %max3A_1039 = arith.maximumf %max3A_1035, %min3A_1030 : vector<16xf32>
        %min3A_1040 = arith.minimumf %max3A_1035, %min3A_1030 : vector<16xf32>
        %max3A_1041 = arith.maximumf %max3A_1039, %min3A_1038 : vector<16xf32>
        %min3A_1042 = arith.minimumf %max3A_1039, %min3A_1038 : vector<16xf32>
        %max3A_1043 = arith.maximumf %max3A_987, %min3A_1028 : vector<16xf32>
        %max3A_1044 = arith.maximumf %max3A_995, %min3A_1036 : vector<16xf32>
        %max3A_1045 = arith.maximumf %max3A_999, %min3A_1040 : vector<16xf32>
        %max3A_1046 = arith.maximumf %max3A_1003, %min3A_1042 : vector<16xf32>
        %max3A_1047 = arith.maximumf %min3A_1004, %max3A_1041 : vector<16xf32>
        %max3A_1048 = arith.maximumf %min3A_1002, %max3A_1037 : vector<16xf32>
        %max3A_1049 = arith.maximumf %min3A_998, %max3A_1033 : vector<16xf32>
        %max3A_1050 = arith.maximumf %min3A_990, %max3A_1025 : vector<16xf32>
        %max3A_1051 = arith.maximumf %max3A_1043, %max3A_1047 : vector<16xf32>
        %min3A_1052 = arith.minimumf %max3A_1043, %max3A_1047 : vector<16xf32>
        %max3A_1053 = arith.maximumf %max3A_1044, %max3A_1048 : vector<16xf32>
        %min3A_1054 = arith.minimumf %max3A_1044, %max3A_1048 : vector<16xf32>
        %max3A_1055 = arith.maximumf %max3A_1045, %max3A_1049 : vector<16xf32>
        %min3A_1056 = arith.minimumf %max3A_1045, %max3A_1049 : vector<16xf32>
        %max3A_1057 = arith.maximumf %max3A_1046, %max3A_1050 : vector<16xf32>
        %min3A_1058 = arith.minimumf %max3A_1046, %max3A_1050 : vector<16xf32>
        %max3A_1059 = arith.maximumf %max3A_1051, %max3A_1055 : vector<16xf32>
        %min3A_1060 = arith.minimumf %max3A_1051, %max3A_1055 : vector<16xf32>
        %max3A_1061 = arith.maximumf %max3A_1053, %max3A_1057 : vector<16xf32>
        %min3A_1062 = arith.minimumf %max3A_1053, %max3A_1057 : vector<16xf32>
        %max3A_1063 = arith.maximumf %min3A_1052, %min3A_1056 : vector<16xf32>
        %min3A_1064 = arith.minimumf %min3A_1052, %min3A_1056 : vector<16xf32>
        %max3A_1065 = arith.maximumf %min3A_1054, %min3A_1058 : vector<16xf32>
        %min3A_1066 = arith.minimumf %min3A_1054, %min3A_1058 : vector<16xf32>
        %max3A_1067 = arith.maximumf %max3A_1059, %max3A_1061 : vector<16xf32>
        %min3A_1068 = arith.minimumf %max3A_1059, %max3A_1061 : vector<16xf32>
        %max3A_1069 = arith.maximumf %min3A_1060, %min3A_1062 : vector<16xf32>
        %min3A_1070 = arith.minimumf %min3A_1060, %min3A_1062 : vector<16xf32>
        %max3A_1071 = arith.maximumf %max3A_1063, %max3A_1065 : vector<16xf32>
        %min3A_1072 = arith.minimumf %max3A_1063, %max3A_1065 : vector<16xf32>
        %max3A_1073 = arith.maximumf %min3A_1064, %min3A_1066 : vector<16xf32>
        %min3A_1074 = arith.minimumf %min3A_1064, %min3A_1066 : vector<16xf32>
        %max3A_1075 = arith.maximumf %max3A_407, %min3A_634 : vector<16xf32>
        %max3A_1076 = arith.maximumf %min3A_408, %max3A_633 : vector<16xf32>
        %max3A_1077 = arith.maximumf %max3A_409, %min3A_632 : vector<16xf32>
        %max3A_1078 = arith.maximumf %min3A_410, %max3A_631 : vector<16xf32>
        %max3A_1079 = arith.maximumf %max3A_411, %min3A_630 : vector<16xf32>
        %max3A_1080 = arith.maximumf %min3A_412, %max3A_629 : vector<16xf32>
        %max3A_1081 = arith.maximumf %max3A_413, %min3A_628 : vector<16xf32>
        %max3A_1082 = arith.maximumf %min3A_414, %max3A_627 : vector<16xf32>
        %max3A_1083 = arith.maximumf %max3A_1075, %max3A_1079 : vector<16xf32>
        %min3A_1084 = arith.minimumf %max3A_1075, %max3A_1079 : vector<16xf32>
        %max3A_1085 = arith.maximumf %max3A_1076, %max3A_1080 : vector<16xf32>
        %min3A_1086 = arith.minimumf %max3A_1076, %max3A_1080 : vector<16xf32>
        %max3A_1087 = arith.maximumf %max3A_1077, %max3A_1081 : vector<16xf32>
        %min3A_1088 = arith.minimumf %max3A_1077, %max3A_1081 : vector<16xf32>
        %max3A_1089 = arith.maximumf %max3A_1078, %max3A_1082 : vector<16xf32>
        %min3A_1090 = arith.minimumf %max3A_1078, %max3A_1082 : vector<16xf32>
        %max3A_1091 = arith.maximumf %max3A_1083, %max3A_1087 : vector<16xf32>
        %min3A_1092 = arith.minimumf %max3A_1083, %max3A_1087 : vector<16xf32>
        %max3A_1093 = arith.maximumf %max3A_1085, %max3A_1089 : vector<16xf32>
        %min3A_1094 = arith.minimumf %max3A_1085, %max3A_1089 : vector<16xf32>
        %max3A_1095 = arith.maximumf %min3A_1084, %min3A_1088 : vector<16xf32>
        %min3A_1096 = arith.minimumf %min3A_1084, %min3A_1088 : vector<16xf32>
        %max3A_1097 = arith.maximumf %min3A_1086, %min3A_1090 : vector<16xf32>
        %min3A_1098 = arith.minimumf %min3A_1086, %min3A_1090 : vector<16xf32>
        %max3A_1099 = arith.maximumf %max3A_1091, %max3A_1093 : vector<16xf32>
        %min3A_1100 = arith.minimumf %max3A_1091, %max3A_1093 : vector<16xf32>
        %max3A_1101 = arith.maximumf %min3A_1092, %min3A_1094 : vector<16xf32>
        %min3A_1102 = arith.minimumf %min3A_1092, %min3A_1094 : vector<16xf32>
        %max3A_1103 = arith.maximumf %max3A_1095, %max3A_1097 : vector<16xf32>
        %min3A_1104 = arith.minimumf %max3A_1095, %max3A_1097 : vector<16xf32>
        %max3A_1105 = arith.maximumf %min3A_1096, %min3A_1098 : vector<16xf32>
        %min3A_1106 = arith.minimumf %min3A_1096, %min3A_1098 : vector<16xf32>
        %max3A_1107 = arith.maximumf %max3A_847, %min3A_1074 : vector<16xf32>
        %max3A_1108 = arith.maximumf %min3A_848, %max3A_1073 : vector<16xf32>
        %max3A_1109 = arith.maximumf %max3A_849, %min3A_1072 : vector<16xf32>
        %max3A_1110 = arith.maximumf %min3A_850, %max3A_1071 : vector<16xf32>
        %max3A_1111 = arith.maximumf %max3A_851, %min3A_1070 : vector<16xf32>
        %max3A_1112 = arith.maximumf %min3A_852, %max3A_1069 : vector<16xf32>
        %max3A_1113 = arith.maximumf %max3A_853, %min3A_1068 : vector<16xf32>
        %max3A_1114 = arith.maximumf %min3A_854, %max3A_1067 : vector<16xf32>
        %max3A_1115 = arith.maximumf %max3A_1107, %max3A_1111 : vector<16xf32>
        %min3A_1116 = arith.minimumf %max3A_1107, %max3A_1111 : vector<16xf32>
        %max3A_1117 = arith.maximumf %max3A_1108, %max3A_1112 : vector<16xf32>
        %min3A_1118 = arith.minimumf %max3A_1108, %max3A_1112 : vector<16xf32>
        %max3A_1119 = arith.maximumf %max3A_1109, %max3A_1113 : vector<16xf32>
        %min3A_1120 = arith.minimumf %max3A_1109, %max3A_1113 : vector<16xf32>
        %max3A_1121 = arith.maximumf %max3A_1110, %max3A_1114 : vector<16xf32>
        %min3A_1122 = arith.minimumf %max3A_1110, %max3A_1114 : vector<16xf32>
        %max3A_1123 = arith.maximumf %max3A_1115, %max3A_1119 : vector<16xf32>
        %min3A_1124 = arith.minimumf %max3A_1115, %max3A_1119 : vector<16xf32>
        %max3A_1125 = arith.maximumf %max3A_1117, %max3A_1121 : vector<16xf32>
        %min3A_1126 = arith.minimumf %max3A_1117, %max3A_1121 : vector<16xf32>
        %max3A_1127 = arith.maximumf %min3A_1116, %min3A_1120 : vector<16xf32>
        %min3A_1128 = arith.minimumf %min3A_1116, %min3A_1120 : vector<16xf32>
        %max3A_1129 = arith.maximumf %min3A_1118, %min3A_1122 : vector<16xf32>
        %min3A_1130 = arith.minimumf %min3A_1118, %min3A_1122 : vector<16xf32>
        %max3A_1131 = arith.maximumf %max3A_1123, %max3A_1125 : vector<16xf32>
        %min3A_1132 = arith.minimumf %max3A_1123, %max3A_1125 : vector<16xf32>
        %max3A_1133 = arith.maximumf %min3A_1124, %min3A_1126 : vector<16xf32>
        %min3A_1134 = arith.minimumf %min3A_1124, %min3A_1126 : vector<16xf32>
        %max3A_1135 = arith.maximumf %max3A_1127, %max3A_1129 : vector<16xf32>
        %min3A_1136 = arith.minimumf %max3A_1127, %max3A_1129 : vector<16xf32>
        %max3A_1137 = arith.maximumf %min3A_1128, %min3A_1130 : vector<16xf32>
        %min3A_1138 = arith.minimumf %min3A_1128, %min3A_1130 : vector<16xf32>
        %max3A_1139 = arith.maximumf %max3A_1099, %min3A_1138 : vector<16xf32>
        %max3A_1140 = arith.maximumf %min3A_1100, %max3A_1137 : vector<16xf32>
        %max3A_1141 = arith.maximumf %max3A_1101, %min3A_1136 : vector<16xf32>
        %max3A_1142 = arith.maximumf %min3A_1102, %max3A_1135 : vector<16xf32>
        %max3A_1143 = arith.maximumf %max3A_1103, %min3A_1134 : vector<16xf32>
        %max3A_1144 = arith.maximumf %min3A_1104, %max3A_1133 : vector<16xf32>
        %max3A_1145 = arith.maximumf %max3A_1105, %min3A_1132 : vector<16xf32>
        %max3A_1146 = arith.maximumf %min3A_1106, %max3A_1131 : vector<16xf32>
        %sort3A = arith.constant dense<true> : vector<16xi1>
        %sort3A_1147, %sort3A_1148, %sort3A_1149 = tpu.sort %max3A_1139, %max3A_1139 masked %sort3A : (vector<16xf32>, vector<16xf32>, vector<16xi1>) -> (vector<16xi1>, vector<16xf32>, vector<16xf32>)
        %sort3A_1150 = arith.constant dense<true> : vector<16xi1>
        %sort3A_1151, %sort3A_1152, %sort3A_1153 = tpu.sort %max3A_1140, %max3A_1140 masked %sort3A_1150 : (vector<16xf32>, vector<16xf32>, vector<16xi1>) -> (vector<16xi1>, vector<16xf32>, vector<16xf32>)
        %sort3A_1154 = arith.constant dense<true> : vector<16xi1>
        %sort3A_1155, %sort3A_1156, %sort3A_1157 = tpu.sort %max3A_1141, %max3A_1141 masked %sort3A_1154 : (vector<16xf32>, vector<16xf32>, vector<16xi1>) -> (vector<16xi1>, vector<16xf32>, vector<16xf32>)
        %sort3A_1158 = arith.constant dense<true> : vector<16xi1>
        %sort3A_1159, %sort3A_1160, %sort3A_1161 = tpu.sort %max3A_1142, %max3A_1142 masked %sort3A_1158 : (vector<16xf32>, vector<16xf32>, vector<16xi1>) -> (vector<16xi1>, vector<16xf32>, vector<16xf32>)
        %sort3A_1162 = arith.constant dense<true> : vector<16xi1>
        %sort3A_1163, %sort3A_1164, %sort3A_1165 = tpu.sort %max3A_1143, %max3A_1143 masked %sort3A_1162 : (vector<16xf32>, vector<16xf32>, vector<16xi1>) -> (vector<16xi1>, vector<16xf32>, vector<16xf32>)
        %sort3A_1166 = arith.constant dense<true> : vector<16xi1>
        %sort3A_1167, %sort3A_1168, %sort3A_1169 = tpu.sort %max3A_1144, %max3A_1144 masked %sort3A_1166 : (vector<16xf32>, vector<16xf32>, vector<16xi1>) -> (vector<16xi1>, vector<16xf32>, vector<16xf32>)
        %sort3A_1170 = arith.constant dense<true> : vector<16xi1>
        %sort3A_1171, %sort3A_1172, %sort3A_1173 = tpu.sort %max3A_1145, %max3A_1145 masked %sort3A_1170 : (vector<16xf32>, vector<16xf32>, vector<16xi1>) -> (vector<16xi1>, vector<16xf32>, vector<16xf32>)
        %sort3A_1174 = arith.constant dense<true> : vector<16xi1>
        %sort3A_1175, %sort3A_1176, %sort3A_1177 = tpu.sort %max3A_1146, %max3A_1146 masked %sort3A_1174 : (vector<16xf32>, vector<16xf32>, vector<16xi1>) -> (vector<16xi1>, vector<16xf32>, vector<16xf32>)
        %rev3A = arith.constant 15 : i32
        %rev3A_1178 = vector.broadcast %rev3A : i32 to vector<16xi32>
        %rev3A_1179 = tpu.iota {dimensions = array<i32: 0>} : vector<16xi32>
        %rev3A_1180 = arith.subi %rev3A_1178, %rev3A_1179 : vector<16xi32>
        %rev3A_1181 = tpu.dynamic_gather %sort3A_1152[%rev3A_1180] in [0] : vector<16xf32>, vector<16xi32> -> vector<16xf32>
        %max3A_1182 = arith.maximumf %sort3A_1148, %rev3A_1181 : vector<16xf32>
        %sort3A_1183 = arith.constant dense<true> : vector<16xi1>
        %sort3A_1184, %sort3A_1185, %sort3A_1186 = tpu.sort %max3A_1182, %max3A_1182 masked %sort3A_1183 : (vector<16xf32>, vector<16xf32>, vector<16xi1>) -> (vector<16xi1>, vector<16xf32>, vector<16xf32>)
        %rev3A_1187 = arith.constant 15 : i32
        %rev3A_1188 = vector.broadcast %rev3A_1187 : i32 to vector<16xi32>
        %rev3A_1189 = tpu.iota {dimensions = array<i32: 0>} : vector<16xi32>
        %rev3A_1190 = arith.subi %rev3A_1188, %rev3A_1189 : vector<16xi32>
        %rev3A_1191 = tpu.dynamic_gather %sort3A_1160[%rev3A_1190] in [0] : vector<16xf32>, vector<16xi32> -> vector<16xf32>
        %max3A_1192 = arith.maximumf %sort3A_1156, %rev3A_1191 : vector<16xf32>
        %sort3A_1193 = arith.constant dense<true> : vector<16xi1>
        %sort3A_1194, %sort3A_1195, %sort3A_1196 = tpu.sort %max3A_1192, %max3A_1192 masked %sort3A_1193 : (vector<16xf32>, vector<16xf32>, vector<16xi1>) -> (vector<16xi1>, vector<16xf32>, vector<16xf32>)
        %rev3A_1197 = arith.constant 15 : i32
        %rev3A_1198 = vector.broadcast %rev3A_1197 : i32 to vector<16xi32>
        %rev3A_1199 = tpu.iota {dimensions = array<i32: 0>} : vector<16xi32>
        %rev3A_1200 = arith.subi %rev3A_1198, %rev3A_1199 : vector<16xi32>
        %rev3A_1201 = tpu.dynamic_gather %sort3A_1195[%rev3A_1200] in [0] : vector<16xf32>, vector<16xi32> -> vector<16xf32>
        %max3A_1202 = arith.maximumf %sort3A_1185, %rev3A_1201 : vector<16xf32>
        %sort3A_1203 = arith.constant dense<true> : vector<16xi1>
        %sort3A_1204, %sort3A_1205, %sort3A_1206 = tpu.sort %max3A_1202, %max3A_1202 masked %sort3A_1203 : (vector<16xf32>, vector<16xf32>, vector<16xi1>) -> (vector<16xi1>, vector<16xf32>, vector<16xf32>)
        %rev3A_1207 = arith.constant 15 : i32
        %rev3A_1208 = vector.broadcast %rev3A_1207 : i32 to vector<16xi32>
        %rev3A_1209 = tpu.iota {dimensions = array<i32: 0>} : vector<16xi32>
        %rev3A_1210 = arith.subi %rev3A_1208, %rev3A_1209 : vector<16xi32>
        %rev3A_1211 = tpu.dynamic_gather %sort3A_1168[%rev3A_1210] in [0] : vector<16xf32>, vector<16xi32> -> vector<16xf32>
        %max3A_1212 = arith.maximumf %sort3A_1164, %rev3A_1211 : vector<16xf32>
        %sort3A_1213 = arith.constant dense<true> : vector<16xi1>
        %sort3A_1214, %sort3A_1215, %sort3A_1216 = tpu.sort %max3A_1212, %max3A_1212 masked %sort3A_1213 : (vector<16xf32>, vector<16xf32>, vector<16xi1>) -> (vector<16xi1>, vector<16xf32>, vector<16xf32>)
        %rev3A_1217 = arith.constant 15 : i32
        %rev3A_1218 = vector.broadcast %rev3A_1217 : i32 to vector<16xi32>
        %rev3A_1219 = tpu.iota {dimensions = array<i32: 0>} : vector<16xi32>
        %rev3A_1220 = arith.subi %rev3A_1218, %rev3A_1219 : vector<16xi32>
        %rev3A_1221 = tpu.dynamic_gather %sort3A_1176[%rev3A_1220] in [0] : vector<16xf32>, vector<16xi32> -> vector<16xf32>
        %max3A_1222 = arith.maximumf %sort3A_1172, %rev3A_1221 : vector<16xf32>
        %sort3A_1223 = arith.constant dense<true> : vector<16xi1>
        %sort3A_1224, %sort3A_1225, %sort3A_1226 = tpu.sort %max3A_1222, %max3A_1222 masked %sort3A_1223 : (vector<16xf32>, vector<16xf32>, vector<16xi1>) -> (vector<16xi1>, vector<16xf32>, vector<16xf32>)
        %rev3A_1227 = arith.constant 15 : i32
        %rev3A_1228 = vector.broadcast %rev3A_1227 : i32 to vector<16xi32>
        %rev3A_1229 = tpu.iota {dimensions = array<i32: 0>} : vector<16xi32>
        %rev3A_1230 = arith.subi %rev3A_1228, %rev3A_1229 : vector<16xi32>
        %rev3A_1231 = tpu.dynamic_gather %sort3A_1225[%rev3A_1230] in [0] : vector<16xf32>, vector<16xi32> -> vector<16xf32>
        %max3A_1232 = arith.maximumf %sort3A_1215, %rev3A_1231 : vector<16xf32>
        %sort3A_1233 = arith.constant dense<true> : vector<16xi1>
        %sort3A_1234, %sort3A_1235, %sort3A_1236 = tpu.sort %max3A_1232, %max3A_1232 masked %sort3A_1233 : (vector<16xf32>, vector<16xf32>, vector<16xi1>) -> (vector<16xi1>, vector<16xf32>, vector<16xf32>)
        %rev3A_1237 = arith.constant 15 : i32
        %rev3A_1238 = vector.broadcast %rev3A_1237 : i32 to vector<16xi32>
        %rev3A_1239 = tpu.iota {dimensions = array<i32: 0>} : vector<16xi32>
        %rev3A_1240 = arith.subi %rev3A_1238, %rev3A_1239 : vector<16xi32>
        %rev3A_1241 = tpu.dynamic_gather %sort3A_1235[%rev3A_1240] in [0] : vector<16xf32>, vector<16xi32> -> vector<16xf32>
        %max3A_1242 = arith.maximumf %sort3A_1205, %rev3A_1241 : vector<16xf32>
        %sort3A_1243 = arith.constant dense<true> : vector<16xi1>
        %sort3A_1244, %sort3A_1245, %sort3A_1246 = tpu.sort %max3A_1242, %max3A_1242 masked %sort3A_1243 : (vector<16xf32>, vector<16xf32>, vector<16xi1>) -> (vector<16xi1>, vector<16xf32>, vector<16xf32>)
        %ge3A = arith.constant 8 : i32
        %ge3A_1247 = vector.broadcast %ge3A : i32 to vector<16xi32>
        %ge3A_1248 = arith.cmpi sge, %iota3A, %ge3A_1247 : vector<16xi32>
        %jit3A_1249 = arith.constant 0.000000e+00 : f32
        %broadcast_in_dim3A_1250 = vector.broadcast %jit3A_1249 : f32 to vector<16xf32>
        %select_n3A_1251 = arith.select %ge3A_1248, %sort3A_1245, %broadcast_in_dim3A_1250 : vector<16xi1>, vector<16xf32>
        %broadcast_in_dim3A_1252 = arith.constant true
        %broadcast_in_dim3A_1253 = vector.broadcast %broadcast_in_dim3A_1252 : i1 to vector<16xi1>
        %masked_cumsum3A = tpu.scan <sum>, %select_n3A_1251 masked %broadcast_in_dim3A_1253 : vector<16xf32>, vector<16xi1> -> vector<16xf32>
        %eq3A_1254 = arith.constant 0 : i32
        %eq3A_1255 = vector.broadcast %eq3A_1254 : i32 to vector<16xi32>
        %eq3A_1256 = arith.cmpi eq, %iota3A, %eq3A_1255 : vector<16xi32>
        %rev3A_1257 = arith.constant 15 : i32
        %rev3A_1258 = vector.broadcast %rev3A_1257 : i32 to vector<16xi32>
        %rev3A_1259 = tpu.iota {dimensions = array<i32: 0>} : vector<16xi32>
        %rev3A_1260 = arith.subi %rev3A_1258, %rev3A_1259 : vector<16xi32>
        %rev3A_1261 = tpu.dynamic_gather %masked_cumsum3A[%rev3A_1260] in [0] : vector<16xf32>, vector<16xi32> -> vector<16xf32>
        %jit3A_1262 = arith.constant 0.000000e+00 : f32
        %broadcast_in_dim3A_1263 = vector.broadcast %jit3A_1262 : f32 to vector<16xf32>
        %select_n3A_1264 = arith.select %eq3A_1256, %rev3A_1261, %broadcast_in_dim3A_1263 : vector<16xi1>, vector<16xf32>
        %broadcast_in_dim3A_1265 = arith.constant true
        %broadcast_in_dim3A_1266 = vector.broadcast %broadcast_in_dim3A_1265 : i1 to vector<16xi1>
        %masked_cumsum3A_1267 = tpu.scan <sum>, %select_n3A_1264 masked %broadcast_in_dim3A_1266 : vector<16xf32>, vector<16xi1> -> vector<16xf32>
        %broadcast_in_dim3A_1268 = arith.constant true
        %broadcast_in_dim3A_1269 = vector.broadcast %broadcast_in_dim3A_1268 : i1 to vector<16xi1>
        %masked_cumsum3A_1270 = tpu.scan <sum>, %add3A_966 masked %broadcast_in_dim3A_1269 : vector<16xf32>, vector<16xi1> -> vector<16xf32>
        %eq3A_1271 = arith.constant 0 : i32
        %eq3A_1272 = vector.broadcast %eq3A_1271 : i32 to vector<16xi32>
        %eq3A_1273 = arith.cmpi eq, %iota3A, %eq3A_1272 : vector<16xi32>
        %rev3A_1274 = arith.constant 15 : i32
        %rev3A_1275 = vector.broadcast %rev3A_1274 : i32 to vector<16xi32>
        %rev3A_1276 = tpu.iota {dimensions = array<i32: 0>} : vector<16xi32>
        %rev3A_1277 = arith.subi %rev3A_1275, %rev3A_1276 : vector<16xi32>
        %rev3A_1278 = tpu.dynamic_gather %masked_cumsum3A_1270[%rev3A_1277] in [0] : vector<16xf32>, vector<16xi32> -> vector<16xf32>
        %jit3A_1279 = arith.constant 0.000000e+00 : f32
        %broadcast_in_dim3A_1280 = vector.broadcast %jit3A_1279 : f32 to vector<16xf32>
        %select_n3A_1281 = arith.select %eq3A_1273, %rev3A_1278, %broadcast_in_dim3A_1280 : vector<16xi1>, vector<16xf32>
        %broadcast_in_dim3A_1282 = arith.constant true
        %broadcast_in_dim3A_1283 = vector.broadcast %broadcast_in_dim3A_1282 : i1 to vector<16xi1>
        %masked_cumsum3A_1284 = tpu.scan <sum>, %select_n3A_1281 masked %broadcast_in_dim3A_1283 : vector<16xf32>, vector<16xi1> -> vector<16xf32>
        %mul3A_1285 = arith.constant 9.765625E-4 : f32
        %mul3A_1286 = vector.broadcast %mul3A_1285 : f32 to vector<16xf32>
        %mul3A_1287 = arith.mulf %masked_cumsum3A_1284, %mul3A_1286 : vector<16xf32>
        %mul3A_1288 = arith.constant 8 : i32
        %mul3A_1289 = arith.muli %mul3A_1288, %select_n3A_105 : i32
        %add3A_1290 = arith.addi %mul3A_1289, %add3A_195 : i32
        %rem3A_1291 = arith.constant 16 : i32
        %rem3A_1292 = arith.remsi %add3A_1290, %rem3A_1291 : i32
        %eq3A_1293 = vector.broadcast %rem3A_1292 : i32 to vector<16xi32>
        %eq3A_1294 = arith.cmpi eq, %iota3A, %eq3A_1293 : vector<16xi32>
        %select_n3A_1295 = arith.select %eq3A_1294, %masked_cumsum3A_1267, %scan3A_190 : vector<16xi1>, vector<16xf32>
        %eq3A_1296 = vector.broadcast %rem3A_1292 : i32 to vector<16xi32>
        %eq3A_1297 = arith.cmpi eq, %iota3A, %eq3A_1296 : vector<16xi32>
        %select_n3A_1298 = arith.select %eq3A_1297, %mul3A_1287, %scan3A_191 : vector<16xi1>, vector<16xf32>
        %mul3A_1299 = arith.constant 2 : i32
        %mul3A_1300 = arith.muli %mul3A_1299, %scan3A_189 : i32
        %add3A_1301 = arith.constant 1 : i32
        %add3A_1302 = arith.addi %mul3A_1300, %add3A_1301 : i32
        %broadcast_in_dim3A_1303 = arith.constant 0.000000e+00 : f32
        %broadcast_in_dim3A_1304 = vector.broadcast %broadcast_in_dim3A_1303 : f32 to vector<16xf32>
        %get3A_1305 = arith.constant 0 : i32
        %get3A_1306 = arith.index_cast %rem3A_62 : i32 to index
        %get3A_1307 = arith.index_cast %get3A_1305 : i32 to index
        %get3A_1308 = arith.index_cast %add3A_1302 : i32 to index
        %get3A_1309 = arith.constant 0 : index
        %get3A_1310 = tpu.vector_load %arg5[%get3A_1306, %get3A_1307, %get3A_1308, %get3A_1309] {strides = array<i32>} : memref<2x16x8x64xf32, #tpu.memory_space<vmem>>, vector<16xf32>,
        %get3A_1311 = arith.constant 1 : i32
        %get3A_1312 = arith.index_cast %rem3A_62 : i32 to index
        %get3A_1313 = arith.index_cast %get3A_1311 : i32 to index
        %get3A_1314 = arith.index_cast %add3A_1302 : i32 to index
        %get3A_1315 = arith.constant 0 : index
        %get3A_1316 = tpu.vector_load %arg5[%get3A_1312, %get3A_1313, %get3A_1314, %get3A_1315] {strides = array<i32>} : memref<2x16x8x64xf32, #tpu.memory_space<vmem>>, vector<16xf32>,
        %get3A_1317 = arith.constant 2 : i32
        %get3A_1318 = arith.index_cast %rem3A_62 : i32 to index
        %get3A_1319 = arith.index_cast %get3A_1317 : i32 to index
        %get3A_1320 = arith.index_cast %add3A_1302 : i32 to index
        %get3A_1321 = arith.constant 0 : index
        %get3A_1322 = tpu.vector_load %arg5[%get3A_1318, %get3A_1319, %get3A_1320, %get3A_1321] {strides = array<i32>} : memref<2x16x8x64xf32, #tpu.memory_space<vmem>>, vector<16xf32>,
        %get3A_1323 = arith.constant 3 : i32
        %get3A_1324 = arith.index_cast %rem3A_62 : i32 to index
        %get3A_1325 = arith.index_cast %get3A_1323 : i32 to index
        %get3A_1326 = arith.index_cast %add3A_1302 : i32 to index
        %get3A_1327 = arith.constant 0 : index
        %get3A_1328 = tpu.vector_load %arg5[%get3A_1324, %get3A_1325, %get3A_1326, %get3A_1327] {strides = array<i32>} : memref<2x16x8x64xf32, #tpu.memory_space<vmem>>, vector<16xf32>,
        %get3A_1329 = arith.constant 4 : i32
        %get3A_1330 = arith.index_cast %rem3A_62 : i32 to index
        %get3A_1331 = arith.index_cast %get3A_1329 : i32 to index
        %get3A_1332 = arith.index_cast %add3A_1302 : i32 to index
        %get3A_1333 = arith.constant 0 : index
        %get3A_1334 = tpu.vector_load %arg5[%get3A_1330, %get3A_1331, %get3A_1332, %get3A_1333] {strides = array<i32>} : memref<2x16x8x64xf32, #tpu.memory_space<vmem>>, vector<16xf32>,
        %get3A_1335 = arith.constant 5 : i32
        %get3A_1336 = arith.index_cast %rem3A_62 : i32 to index
        %get3A_1337 = arith.index_cast %get3A_1335 : i32 to index
        %get3A_1338 = arith.index_cast %add3A_1302 : i32 to index
        %get3A_1339 = arith.constant 0 : index
        %get3A_1340 = tpu.vector_load %arg5[%get3A_1336, %get3A_1337, %get3A_1338, %get3A_1339] {strides = array<i32>} : memref<2x16x8x64xf32, #tpu.memory_space<vmem>>, vector<16xf32>,
        %get3A_1341 = arith.constant 6 : i32
        %get3A_1342 = arith.index_cast %rem3A_62 : i32 to index
        %get3A_1343 = arith.index_cast %get3A_1341 : i32 to index
        %get3A_1344 = arith.index_cast %add3A_1302 : i32 to index
        %get3A_1345 = arith.constant 0 : index
        %get3A_1346 = tpu.vector_load %arg5[%get3A_1342, %get3A_1343, %get3A_1344, %get3A_1345] {strides = array<i32>} : memref<2x16x8x64xf32, #tpu.memory_space<vmem>>, vector<16xf32>,
        %get3A_1347 = arith.constant 7 : i32
        %get3A_1348 = arith.index_cast %rem3A_62 : i32 to index
        %get3A_1349 = arith.index_cast %get3A_1347 : i32 to index
        %get3A_1350 = arith.index_cast %add3A_1302 : i32 to index
        %get3A_1351 = arith.constant 0 : index
        %get3A_1352 = tpu.vector_load %arg5[%get3A_1348, %get3A_1349, %get3A_1350, %get3A_1351] {strides = array<i32>} : memref<2x16x8x64xf32, #tpu.memory_space<vmem>>, vector<16xf32>,
        %get3A_1353 = arith.constant 8 : i32
        %get3A_1354 = arith.index_cast %rem3A_62 : i32 to index
        %get3A_1355 = arith.index_cast %get3A_1353 : i32 to index
        %get3A_1356 = arith.index_cast %add3A_1302 : i32 to index
        %get3A_1357 = arith.constant 0 : index
        %get3A_1358 = tpu.vector_load %arg5[%get3A_1354, %get3A_1355, %get3A_1356, %get3A_1357] {strides = array<i32>} : memref<2x16x8x64xf32, #tpu.memory_space<vmem>>, vector<16xf32>,
        %get3A_1359 = arith.constant 9 : i32
        %get3A_1360 = arith.index_cast %rem3A_62 : i32 to index
        %get3A_1361 = arith.index_cast %get3A_1359 : i32 to index
        %get3A_1362 = arith.index_cast %add3A_1302 : i32 to index
        %get3A_1363 = arith.constant 0 : index
        %get3A_1364 = tpu.vector_load %arg5[%get3A_1360, %get3A_1361, %get3A_1362, %get3A_1363] {strides = array<i32>} : memref<2x16x8x64xf32, #tpu.memory_space<vmem>>, vector<16xf32>,
        %get3A_1365 = arith.constant 10 : i32
        %get3A_1366 = arith.index_cast %rem3A_62 : i32 to index
        %get3A_1367 = arith.index_cast %get3A_1365 : i32 to index
        %get3A_1368 = arith.index_cast %add3A_1302 : i32 to index
        %get3A_1369 = arith.constant 0 : index
        %get3A_1370 = tpu.vector_load %arg5[%get3A_1366, %get3A_1367, %get3A_1368, %get3A_1369] {strides = array<i32>} : memref<2x16x8x64xf32, #tpu.memory_space<vmem>>, vector<16xf32>,
        %get3A_1371 = arith.constant 11 : i32
        %get3A_1372 = arith.index_cast %rem3A_62 : i32 to index
        %get3A_1373 = arith.index_cast %get3A_1371 : i32 to index
        %get3A_1374 = arith.index_cast %add3A_1302 : i32 to index
        %get3A_1375 = arith.constant 0 : index
        %get3A_1376 = tpu.vector_load %arg5[%get3A_1372, %get3A_1373, %get3A_1374, %get3A_1375] {strides = array<i32>} : memref<2x16x8x64xf32, #tpu.memory_space<vmem>>, vector<16xf32>,
        %get3A_1377 = arith.constant 12 : i32
        %get3A_1378 = arith.index_cast %rem3A_62 : i32 to index
        %get3A_1379 = arith.index_cast %get3A_1377 : i32 to index
        %get3A_1380 = arith.index_cast %add3A_1302 : i32 to index
        %get3A_1381 = arith.constant 0 : index
        %get3A_1382 = tpu.vector_load %arg5[%get3A_1378, %get3A_1379, %get3A_1380, %get3A_1381] {strides = array<i32>} : memref<2x16x8x64xf32, #tpu.memory_space<vmem>>, vector<16xf32>,
        %get3A_1383 = arith.constant 13 : i32
        %get3A_1384 = arith.index_cast %rem3A_62 : i32 to index
        %get3A_1385 = arith.index_cast %get3A_1383 : i32 to index
        %get3A_1386 = arith.index_cast %add3A_1302 : i32 to index
        %get3A_1387 = arith.constant 0 : index
        %get3A_1388 = tpu.vector_load %arg5[%get3A_1384, %get3A_1385, %get3A_1386, %get3A_1387] {strides = array<i32>} : memref<2x16x8x64xf32, #tpu.memory_space<vmem>>, vector<16xf32>,
        %get3A_1389 = arith.constant 14 : i32
        %get3A_1390 = arith.index_cast %rem3A_62 : i32 to index
        %get3A_1391 = arith.index_cast %get3A_1389 : i32 to index
        %get3A_1392 = arith.index_cast %add3A_1302 : i32 to index
        %get3A_1393 = arith.constant 0 : index
        %get3A_1394 = tpu.vector_load %arg5[%get3A_1390, %get3A_1391, %get3A_1392, %get3A_1393] {strides = array<i32>} : memref<2x16x8x64xf32, #tpu.memory_space<vmem>>, vector<16xf32>,
        %get3A_1395 = arith.constant 15 : i32
        %get3A_1396 = arith.index_cast %rem3A_62 : i32 to index
        %get3A_1397 = arith.index_cast %get3A_1395 : i32 to index
        %get3A_1398 = arith.index_cast %add3A_1302 : i32 to index
        %get3A_1399 = arith.constant 0 : index
        %get3A_1400 = tpu.vector_load %arg5[%get3A_1396, %get3A_1397, %get3A_1398, %get3A_1399] {strides = array<i32>} : memref<2x16x8x64xf32, #tpu.memory_space<vmem>>, vector<16xf32>,
        %add3A_1401 = arith.addf %get3A_1310, %get3A_1316 : vector<16xf32>
        %add3A_1402 = arith.addf %get3A_1322, %get3A_1328 : vector<16xf32>
        %add3A_1403 = arith.addf %add3A_1401, %add3A_1402 : vector<16xf32>
        %add3A_1404 = arith.addf %get3A_1334, %get3A_1340 : vector<16xf32>
        %add3A_1405 = arith.addf %get3A_1346, %get3A_1352 : vector<16xf32>
        %add3A_1406 = arith.addf %add3A_1404, %add3A_1405 : vector<16xf32>
        %add3A_1407 = arith.addf %get3A_1358, %get3A_1364 : vector<16xf32>
        %add3A_1408 = arith.addf %get3A_1370, %get3A_1376 : vector<16xf32>
        %add3A_1409 = arith.addf %add3A_1407, %add3A_1408 : vector<16xf32>
        %add3A_1410 = arith.addf %get3A_1382, %get3A_1388 : vector<16xf32>
        %add3A_1411 = arith.addf %get3A_1394, %get3A_1400 : vector<16xf32>
        %add3A_1412 = arith.addf %add3A_1410, %add3A_1411 : vector<16xf32>
        %add3A_1413 = arith.addf %add3A_1403, %add3A_1406 : vector<16xf32>
        %add3A_1414 = arith.addf %add3A_1409, %add3A_1412 : vector<16xf32>
        %add3A_1415 = arith.addf %add3A_1413, %add3A_1414 : vector<16xf32>
        %add3A_1416 = arith.addf %broadcast_in_dim3A_1304, %add3A_1415 : vector<16xf32>
        %max3A_1417 = arith.maximumf %get3A_1310, %get3A_1316 : vector<16xf32>
        %min3A_1418 = arith.minimumf %get3A_1310, %get3A_1316 : vector<16xf32>
        %max3A_1419 = arith.maximumf %get3A_1322, %get3A_1328 : vector<16xf32>
        %min3A_1420 = arith.minimumf %get3A_1322, %get3A_1328 : vector<16xf32>
        %max3A_1421 = arith.maximumf %get3A_1334, %get3A_1340 : vector<16xf32>
        %min3A_1422 = arith.minimumf %get3A_1334, %get3A_1340 : vector<16xf32>
        %max3A_1423 = arith.maximumf %get3A_1346, %get3A_1352 : vector<16xf32>
        %min3A_1424 = arith.minimumf %get3A_1346, %get3A_1352 : vector<16xf32>
        %max3A_1425 = arith.maximumf %max3A_1417, %max3A_1419 : vector<16xf32>
        %min3A_1426 = arith.minimumf %max3A_1417, %max3A_1419 : vector<16xf32>
        %max3A_1427 = arith.maximumf %min3A_1418, %min3A_1420 : vector<16xf32>
        %min3A_1428 = arith.minimumf %min3A_1418, %min3A_1420 : vector<16xf32>
        %max3A_1429 = arith.maximumf %max3A_1421, %max3A_1423 : vector<16xf32>
        %min3A_1430 = arith.minimumf %max3A_1421, %max3A_1423 : vector<16xf32>
        %max3A_1431 = arith.maximumf %min3A_1422, %min3A_1424 : vector<16xf32>
        %min3A_1432 = arith.minimumf %min3A_1422, %min3A_1424 : vector<16xf32>
        %max3A_1433 = arith.maximumf %max3A_1427, %min3A_1426 : vector<16xf32>
        %min3A_1434 = arith.minimumf %max3A_1427, %min3A_1426 : vector<16xf32>
        %max3A_1435 = arith.maximumf %max3A_1431, %min3A_1430 : vector<16xf32>
        %min3A_1436 = arith.minimumf %max3A_1431, %min3A_1430 : vector<16xf32>
        %max3A_1437 = arith.maximumf %max3A_1425, %max3A_1429 : vector<16xf32>
        %min3A_1438 = arith.minimumf %max3A_1425, %max3A_1429 : vector<16xf32>
        %max3A_1439 = arith.maximumf %min3A_1428, %min3A_1432 : vector<16xf32>
        %min3A_1440 = arith.minimumf %min3A_1428, %min3A_1432 : vector<16xf32>
        %max3A_1441 = arith.maximumf %max3A_1433, %max3A_1435 : vector<16xf32>
        %min3A_1442 = arith.minimumf %max3A_1433, %max3A_1435 : vector<16xf32>
        %max3A_1443 = arith.maximumf %min3A_1434, %min3A_1436 : vector<16xf32>
        %min3A_1444 = arith.minimumf %min3A_1434, %min3A_1436 : vector<16xf32>
        %max3A_1445 = arith.maximumf %max3A_1441, %min3A_1438 : vector<16xf32>
        %min3A_1446 = arith.minimumf %max3A_1441, %min3A_1438 : vector<16xf32>
        %max3A_1447 = arith.maximumf %max3A_1439, %min3A_1444 : vector<16xf32>
        %min3A_1448 = arith.minimumf %max3A_1439, %min3A_1444 : vector<16xf32>
        %max3A_1449 = arith.maximumf %max3A_1443, %min3A_1446 : vector<16xf32>
        %min3A_1450 = arith.minimumf %max3A_1443, %min3A_1446 : vector<16xf32>
        %max3A_1451 = arith.maximumf %max3A_1447, %min3A_1442 : vector<16xf32>
        %min3A_1452 = arith.minimumf %max3A_1447, %min3A_1442 : vector<16xf32>
        %max3A_1453 = arith.maximumf %max3A_1451, %min3A_1450 : vector<16xf32>
        %min3A_1454 = arith.minimumf %max3A_1451, %min3A_1450 : vector<16xf32>
        %max3A_1455 = arith.maximumf %get3A_1358, %get3A_1364 : vector<16xf32>
        %min3A_1456 = arith.minimumf %get3A_1358, %get3A_1364 : vector<16xf32>
        %max3A_1457 = arith.maximumf %get3A_1370, %get3A_1376 : vector<16xf32>
        %min3A_1458 = arith.minimumf %get3A_1370, %get3A_1376 : vector<16xf32>
        %max3A_1459 = arith.maximumf %get3A_1382, %get3A_1388 : vector<16xf32>
        %min3A_1460 = arith.minimumf %get3A_1382, %get3A_1388 : vector<16xf32>
        %max3A_1461 = arith.maximumf %get3A_1394, %get3A_1400 : vector<16xf32>
        %min3A_1462 = arith.minimumf %get3A_1394, %get3A_1400 : vector<16xf32>
        %max3A_1463 = arith.maximumf %max3A_1455, %max3A_1457 : vector<16xf32>
        %min3A_1464 = arith.minimumf %max3A_1455, %max3A_1457 : vector<16xf32>
        %max3A_1465 = arith.maximumf %min3A_1456, %min3A_1458 : vector<16xf32>
        %min3A_1466 = arith.minimumf %min3A_1456, %min3A_1458 : vector<16xf32>
        %max3A_1467 = arith.maximumf %max3A_1459, %max3A_1461 : vector<16xf32>
        %min3A_1468 = arith.minimumf %max3A_1459, %max3A_1461 : vector<16xf32>
        %max3A_1469 = arith.maximumf %min3A_1460, %min3A_1462 : vector<16xf32>
        %min3A_1470 = arith.minimumf %min3A_1460, %min3A_1462 : vector<16xf32>
        %max3A_1471 = arith.maximumf %max3A_1465, %min3A_1464 : vector<16xf32>
        %min3A_1472 = arith.minimumf %max3A_1465, %min3A_1464 : vector<16xf32>
        %max3A_1473 = arith.maximumf %max3A_1469, %min3A_1468 : vector<16xf32>
        %min3A_1474 = arith.minimumf %max3A_1469, %min3A_1468 : vector<16xf32>
        %max3A_1475 = arith.maximumf %max3A_1463, %max3A_1467 : vector<16xf32>
        %min3A_1476 = arith.minimumf %max3A_1463, %max3A_1467 : vector<16xf32>
        %max3A_1477 = arith.maximumf %min3A_1466, %min3A_1470 : vector<16xf32>
        %min3A_1478 = arith.minimumf %min3A_1466, %min3A_1470 : vector<16xf32>
        %max3A_1479 = arith.maximumf %max3A_1471, %max3A_1473 : vector<16xf32>
        %min3A_1480 = arith.minimumf %max3A_1471, %max3A_1473 : vector<16xf32>
        %max3A_1481 = arith.maximumf %min3A_1472, %min3A_1474 : vector<16xf32>
        %min3A_1482 = arith.minimumf %min3A_1472, %min3A_1474 : vector<16xf32>
        %max3A_1483 = arith.maximumf %max3A_1479, %min3A_1476 : vector<16xf32>
        %min3A_1484 = arith.minimumf %max3A_1479, %min3A_1476 : vector<16xf32>
        %max3A_1485 = arith.maximumf %max3A_1477, %min3A_1482 : vector<16xf32>
        %min3A_1486 = arith.minimumf %max3A_1477, %min3A_1482 : vector<16xf32>
        %max3A_1487 = arith.maximumf %max3A_1481, %min3A_1484 : vector<16xf32>
        %min3A_1488 = arith.minimumf %max3A_1481, %min3A_1484 : vector<16xf32>
        %max3A_1489 = arith.maximumf %max3A_1485, %min3A_1480 : vector<16xf32>
        %min3A_1490 = arith.minimumf %max3A_1485, %min3A_1480 : vector<16xf32>
        %max3A_1491 = arith.maximumf %max3A_1489, %min3A_1488 : vector<16xf32>
        %min3A_1492 = arith.minimumf %max3A_1489, %min3A_1488 : vector<16xf32>
        %max3A_1493 = arith.maximumf %max3A_1437, %min3A_1478 : vector<16xf32>
        %max3A_1494 = arith.maximumf %max3A_1445, %min3A_1486 : vector<16xf32>
        %max3A_1495 = arith.maximumf %max3A_1449, %min3A_1490 : vector<16xf32>
        %max3A_1496 = arith.maximumf %max3A_1453, %min3A_1492 : vector<16xf32>
        %max3A_1497 = arith.maximumf %min3A_1454, %max3A_1491 : vector<16xf32>
        %max3A_1498 = arith.maximumf %min3A_1452, %max3A_1487 : vector<16xf32>
        %max3A_1499 = arith.maximumf %min3A_1448, %max3A_1483 : vector<16xf32>
        %max3A_1500 = arith.maximumf %min3A_1440, %max3A_1475 : vector<16xf32>
        %max3A_1501 = arith.maximumf %max3A_1493, %max3A_1497 : vector<16xf32>
        %min3A_1502 = arith.minimumf %max3A_1493, %max3A_1497 : vector<16xf32>
        %max3A_1503 = arith.maximumf %max3A_1494, %max3A_1498 : vector<16xf32>
        %min3A_1504 = arith.minimumf %max3A_1494, %max3A_1498 : vector<16xf32>
        %max3A_1505 = arith.maximumf %max3A_1495, %max3A_1499 : vector<16xf32>
        %min3A_1506 = arith.minimumf %max3A_1495, %max3A_1499 : vector<16xf32>
        %max3A_1507 = arith.maximumf %max3A_1496, %max3A_1500 : vector<16xf32>
        %min3A_1508 = arith.minimumf %max3A_1496, %max3A_1500 : vector<16xf32>
        %max3A_1509 = arith.maximumf %max3A_1501, %max3A_1505 : vector<16xf32>
        %min3A_1510 = arith.minimumf %max3A_1501, %max3A_1505 : vector<16xf32>
        %max3A_1511 = arith.maximumf %max3A_1503, %max3A_1507 : vector<16xf32>
        %min3A_1512 = arith.minimumf %max3A_1503, %max3A_1507 : vector<16xf32>
        %max3A_1513 = arith.maximumf %min3A_1502, %min3A_1506 : vector<16xf32>
        %min3A_1514 = arith.minimumf %min3A_1502, %min3A_1506 : vector<16xf32>
        %max3A_1515 = arith.maximumf %min3A_1504, %min3A_1508 : vector<16xf32>
        %min3A_1516 = arith.minimumf %min3A_1504, %min3A_1508 : vector<16xf32>
        %max3A_1517 = arith.maximumf %max3A_1509, %max3A_1511 : vector<16xf32>
        %min3A_1518 = arith.minimumf %max3A_1509, %max3A_1511 : vector<16xf32>
        %max3A_1519 = arith.maximumf %min3A_1510, %min3A_1512 : vector<16xf32>
        %min3A_1520 = arith.minimumf %min3A_1510, %min3A_1512 : vector<16xf32>
        %max3A_1521 = arith.maximumf %max3A_1513, %max3A_1515 : vector<16xf32>
        %min3A_1522 = arith.minimumf %max3A_1513, %max3A_1515 : vector<16xf32>
        %max3A_1523 = arith.maximumf %min3A_1514, %min3A_1516 : vector<16xf32>
        %min3A_1524 = arith.minimumf %min3A_1514, %min3A_1516 : vector<16xf32>
        %get3A_1525 = arith.constant 0 : i32
        %get3A_1526 = arith.index_cast %rem3A_62 : i32 to index
        %get3A_1527 = arith.index_cast %get3A_1525 : i32 to index
        %get3A_1528 = arith.index_cast %add3A_1302 : i32 to index
        %get3A_1529 = arith.constant 16 : index
        %get3A_1530 = tpu.vector_load %arg5[%get3A_1526, %get3A_1527, %get3A_1528, %get3A_1529] {strides = array<i32>} : memref<2x16x8x64xf32, #tpu.memory_space<vmem>>, vector<16xf32>,
        %get3A_1531 = arith.constant 1 : i32
        %get3A_1532 = arith.index_cast %rem3A_62 : i32 to index
        %get3A_1533 = arith.index_cast %get3A_1531 : i32 to index
        %get3A_1534 = arith.index_cast %add3A_1302 : i32 to index
        %get3A_1535 = arith.constant 16 : index
        %get3A_1536 = tpu.vector_load %arg5[%get3A_1532, %get3A_1533, %get3A_1534, %get3A_1535] {strides = array<i32>} : memref<2x16x8x64xf32, #tpu.memory_space<vmem>>, vector<16xf32>,
        %get3A_1537 = arith.constant 2 : i32
        %get3A_1538 = arith.index_cast %rem3A_62 : i32 to index
        %get3A_1539 = arith.index_cast %get3A_1537 : i32 to index
        %get3A_1540 = arith.index_cast %add3A_1302 : i32 to index
        %get3A_1541 = arith.constant 16 : index
        %get3A_1542 = tpu.vector_load %arg5[%get3A_1538, %get3A_1539, %get3A_1540, %get3A_1541] {strides = array<i32>} : memref<2x16x8x64xf32, #tpu.memory_space<vmem>>, vector<16xf32>,
        %get3A_1543 = arith.constant 3 : i32
        %get3A_1544 = arith.index_cast %rem3A_62 : i32 to index
        %get3A_1545 = arith.index_cast %get3A_1543 : i32 to index
        %get3A_1546 = arith.index_cast %add3A_1302 : i32 to index
        %get3A_1547 = arith.constant 16 : index
        %get3A_1548 = tpu.vector_load %arg5[%get3A_1544, %get3A_1545, %get3A_1546, %get3A_1547] {strides = array<i32>} : memref<2x16x8x64xf32, #tpu.memory_space<vmem>>, vector<16xf32>,
        %get3A_1549 = arith.constant 4 : i32
        %get3A_1550 = arith.index_cast %rem3A_62 : i32 to index
        %get3A_1551 = arith.index_cast %get3A_1549 : i32 to index
        %get3A_1552 = arith.index_cast %add3A_1302 : i32 to index
        %get3A_1553 = arith.constant 16 : index
        %get3A_1554 = tpu.vector_load %arg5[%get3A_1550, %get3A_1551, %get3A_1552, %get3A_1553] {strides = array<i32>} : memref<2x16x8x64xf32, #tpu.memory_space<vmem>>, vector<16xf32>,
        %get3A_1555 = arith.constant 5 : i32
        %get3A_1556 = arith.index_cast %rem3A_62 : i32 to index
        %get3A_1557 = arith.index_cast %get3A_1555 : i32 to index
        %get3A_1558 = arith.index_cast %add3A_1302 : i32 to index
        %get3A_1559 = arith.constant 16 : index
        %get3A_1560 = tpu.vector_load %arg5[%get3A_1556, %get3A_1557, %get3A_1558, %get3A_1559] {strides = array<i32>} : memref<2x16x8x64xf32, #tpu.memory_space<vmem>>, vector<16xf32>,
        %get3A_1561 = arith.constant 6 : i32
        %get3A_1562 = arith.index_cast %rem3A_62 : i32 to index
        %get3A_1563 = arith.index_cast %get3A_1561 : i32 to index
        %get3A_1564 = arith.index_cast %add3A_1302 : i32 to index
        %get3A_1565 = arith.constant 16 : index
        %get3A_1566 = tpu.vector_load %arg5[%get3A_1562, %get3A_1563, %get3A_1564, %get3A_1565] {strides = array<i32>} : memref<2x16x8x64xf32, #tpu.memory_space<vmem>>, vector<16xf32>,
        %get3A_1567 = arith.constant 7 : i32
        %get3A_1568 = arith.index_cast %rem3A_62 : i32 to index
        %get3A_1569 = arith.index_cast %get3A_1567 : i32 to index
        %get3A_1570 = arith.index_cast %add3A_1302 : i32 to index
        %get3A_1571 = arith.constant 16 : index
        %get3A_1572 = tpu.vector_load %arg5[%get3A_1568, %get3A_1569, %get3A_1570, %get3A_1571] {strides = array<i32>} : memref<2x16x8x64xf32, #tpu.memory_space<vmem>>, vector<16xf32>,
        %get3A_1573 = arith.constant 8 : i32
        %get3A_1574 = arith.index_cast %rem3A_62 : i32 to index
        %get3A_1575 = arith.index_cast %get3A_1573 : i32 to index
        %get3A_1576 = arith.index_cast %add3A_1302 : i32 to index
        %get3A_1577 = arith.constant 16 : index
        %get3A_1578 = tpu.vector_load %arg5[%get3A_1574, %get3A_1575, %get3A_1576, %get3A_1577] {strides = array<i32>} : memref<2x16x8x64xf32, #tpu.memory_space<vmem>>, vector<16xf32>,
        %get3A_1579 = arith.constant 9 : i32
        %get3A_1580 = arith.index_cast %rem3A_62 : i32 to index
        %get3A_1581 = arith.index_cast %get3A_1579 : i32 to index
        %get3A_1582 = arith.index_cast %add3A_1302 : i32 to index
        %get3A_1583 = arith.constant 16 : index
        %get3A_1584 = tpu.vector_load %arg5[%get3A_1580, %get3A_1581, %get3A_1582, %get3A_1583] {strides = array<i32>} : memref<2x16x8x64xf32, #tpu.memory_space<vmem>>, vector<16xf32>,
        %get3A_1585 = arith.constant 10 : i32
        %get3A_1586 = arith.index_cast %rem3A_62 : i32 to index
        %get3A_1587 = arith.index_cast %get3A_1585 : i32 to index
        %get3A_1588 = arith.index_cast %add3A_1302 : i32 to index
        %get3A_1589 = arith.constant 16 : index
        %get3A_1590 = tpu.vector_load %arg5[%get3A_1586, %get3A_1587, %get3A_1588, %get3A_1589] {strides = array<i32>} : memref<2x16x8x64xf32, #tpu.memory_space<vmem>>, vector<16xf32>,
        %get3A_1591 = arith.constant 11 : i32
        %get3A_1592 = arith.index_cast %rem3A_62 : i32 to index
        %get3A_1593 = arith.index_cast %get3A_1591 : i32 to index
        %get3A_1594 = arith.index_cast %add3A_1302 : i32 to index
        %get3A_1595 = arith.constant 16 : index
        %get3A_1596 = tpu.vector_load %arg5[%get3A_1592, %get3A_1593, %get3A_1594, %get3A_1595] {strides = array<i32>} : memref<2x16x8x64xf32, #tpu.memory_space<vmem>>, vector<16xf32>,
        %get3A_1597 = arith.constant 12 : i32
        %get3A_1598 = arith.index_cast %rem3A_62 : i32 to index
        %get3A_1599 = arith.index_cast %get3A_1597 : i32 to index
        %get3A_1600 = arith.index_cast %add3A_1302 : i32 to index
        %get3A_1601 = arith.constant 16 : index
        %get3A_1602 = tpu.vector_load %arg5[%get3A_1598, %get3A_1599, %get3A_1600, %get3A_1601] {strides = array<i32>} : memref<2x16x8x64xf32, #tpu.memory_space<vmem>>, vector<16xf32>,
        %get3A_1603 = arith.constant 13 : i32
        %get3A_1604 = arith.index_cast %rem3A_62 : i32 to index
        %get3A_1605 = arith.index_cast %get3A_1603 : i32 to index
        %get3A_1606 = arith.index_cast %add3A_1302 : i32 to index
        %get3A_1607 = arith.constant 16 : index
        %get3A_1608 = tpu.vector_load %arg5[%get3A_1604, %get3A_1605, %get3A_1606, %get3A_1607] {strides = array<i32>} : memref<2x16x8x64xf32, #tpu.memory_space<vmem>>, vector<16xf32>,
        %get3A_1609 = arith.constant 14 : i32
        %get3A_1610 = arith.index_cast %rem3A_62 : i32 to index
        %get3A_1611 = arith.index_cast %get3A_1609 : i32 to index
        %get3A_1612 = arith.index_cast %add3A_1302 : i32 to index
        %get3A_1613 = arith.constant 16 : index
        %get3A_1614 = tpu.vector_load %arg5[%get3A_1610, %get3A_1611, %get3A_1612, %get3A_1613] {strides = array<i32>} : memref<2x16x8x64xf32, #tpu.memory_space<vmem>>, vector<16xf32>,
        %get3A_1615 = arith.constant 15 : i32
        %get3A_1616 = arith.index_cast %rem3A_62 : i32 to index
        %get3A_1617 = arith.index_cast %get3A_1615 : i32 to index
        %get3A_1618 = arith.index_cast %add3A_1302 : i32 to index
        %get3A_1619 = arith.constant 16 : index
        %get3A_1620 = tpu.vector_load %arg5[%get3A_1616, %get3A_1617, %get3A_1618, %get3A_1619] {strides = array<i32>} : memref<2x16x8x64xf32, #tpu.memory_space<vmem>>, vector<16xf32>,
        %add3A_1621 = arith.addf %get3A_1530, %get3A_1536 : vector<16xf32>
        %add3A_1622 = arith.addf %get3A_1542, %get3A_1548 : vector<16xf32>
        %add3A_1623 = arith.addf %add3A_1621, %add3A_1622 : vector<16xf32>
        %add3A_1624 = arith.addf %get3A_1554, %get3A_1560 : vector<16xf32>
        %add3A_1625 = arith.addf %get3A_1566, %get3A_1572 : vector<16xf32>
        %add3A_1626 = arith.addf %add3A_1624, %add3A_1625 : vector<16xf32>
        %add3A_1627 = arith.addf %get3A_1578, %get3A_1584 : vector<16xf32>
        %add3A_1628 = arith.addf %get3A_1590, %get3A_1596 : vector<16xf32>
        %add3A_1629 = arith.addf %add3A_1627, %add3A_1628 : vector<16xf32>
        %add3A_1630 = arith.addf %get3A_1602, %get3A_1608 : vector<16xf32>
        %add3A_1631 = arith.addf %get3A_1614, %get3A_1620 : vector<16xf32>
        %add3A_1632 = arith.addf %add3A_1630, %add3A_1631 : vector<16xf32>
        %add3A_1633 = arith.addf %add3A_1623, %add3A_1626 : vector<16xf32>
        %add3A_1634 = arith.addf %add3A_1629, %add3A_1632 : vector<16xf32>
        %add3A_1635 = arith.addf %add3A_1633, %add3A_1634 : vector<16xf32>
        %add3A_1636 = arith.addf %add3A_1416, %add3A_1635 : vector<16xf32>
        %max3A_1637 = arith.maximumf %get3A_1530, %get3A_1536 : vector<16xf32>
        %min3A_1638 = arith.minimumf %get3A_1530, %get3A_1536 : vector<16xf32>
        %max3A_1639 = arith.maximumf %get3A_1542, %get3A_1548 : vector<16xf32>
        %min3A_1640 = arith.minimumf %get3A_1542, %get3A_1548 : vector<16xf32>
        %max3A_1641 = arith.maximumf %get3A_1554, %get3A_1560 : vector<16xf32>
        %min3A_1642 = arith.minimumf %get3A_1554, %get3A_1560 : vector<16xf32>
        %max3A_1643 = arith.maximumf %get3A_1566, %get3A_1572 : vector<16xf32>
        %min3A_1644 = arith.minimumf %get3A_1566, %get3A_1572 : vector<16xf32>
        %max3A_1645 = arith.maximumf %max3A_1637, %max3A_1639 : vector<16xf32>
        %min3A_1646 = arith.minimumf %max3A_1637, %max3A_1639 : vector<16xf32>
        %max3A_1647 = arith.maximumf %min3A_1638, %min3A_1640 : vector<16xf32>
        %min3A_1648 = arith.minimumf %min3A_1638, %min3A_1640 : vector<16xf32>
        %max3A_1649 = arith.maximumf %max3A_1641, %max3A_1643 : vector<16xf32>
        %min3A_1650 = arith.minimumf %max3A_1641, %max3A_1643 : vector<16xf32>
        %max3A_1651 = arith.maximumf %min3A_1642, %min3A_1644 : vector<16xf32>
        %min3A_1652 = arith.minimumf %min3A_1642, %min3A_1644 : vector<16xf32>
        %max3A_1653 = arith.maximumf %max3A_1647, %min3A_1646 : vector<16xf32>
        %min3A_1654 = arith.minimumf %max3A_1647, %min3A_1646 : vector<16xf32>
        %max3A_1655 = arith.maximumf %max3A_1651, %min3A_1650 : vector<16xf32>
        %min3A_1656 = arith.minimumf %max3A_1651, %min3A_1650 : vector<16xf32>
        %max3A_1657 = arith.maximumf %max3A_1645, %max3A_1649 : vector<16xf32>
        %min3A_1658 = arith.minimumf %max3A_1645, %max3A_1649 : vector<16xf32>
        %max3A_1659 = arith.maximumf %min3A_1648, %min3A_1652 : vector<16xf32>
        %min3A_1660 = arith.minimumf %min3A_1648, %min3A_1652 : vector<16xf32>
        %max3A_1661 = arith.maximumf %max3A_1653, %max3A_1655 : vector<16xf32>
        %min3A_1662 = arith.minimumf %max3A_1653, %max3A_1655 : vector<16xf32>
        %max3A_1663 = arith.maximumf %min3A_1654, %min3A_1656 : vector<16xf32>
        %min3A_1664 = arith.minimumf %min3A_1654, %min3A_1656 : vector<16xf32>
        %max3A_1665 = arith.maximumf %max3A_1661, %min3A_1658 : vector<16xf32>
        %min3A_1666 = arith.minimumf %max3A_1661, %min3A_1658 : vector<16xf32>
        %max3A_1667 = arith.maximumf %max3A_1659, %min3A_1664 : vector<16xf32>
        %min3A_1668 = arith.minimumf %max3A_1659, %min3A_1664 : vector<16xf32>
        %max3A_1669 = arith.maximumf %max3A_1663, %min3A_1666 : vector<16xf32>
        %min3A_1670 = arith.minimumf %max3A_1663, %min3A_1666 : vector<16xf32>
        %max3A_1671 = arith.maximumf %max3A_1667, %min3A_1662 : vector<16xf32>
        %min3A_1672 = arith.minimumf %max3A_1667, %min3A_1662 : vector<16xf32>
        %max3A_1673 = arith.maximumf %max3A_1671, %min3A_1670 : vector<16xf32>
        %min3A_1674 = arith.minimumf %max3A_1671, %min3A_1670 : vector<16xf32>
        %max3A_1675 = arith.maximumf %get3A_1578, %get3A_1584 : vector<16xf32>
        %min3A_1676 = arith.minimumf %get3A_1578, %get3A_1584 : vector<16xf32>
        %max3A_1677 = arith.maximumf %get3A_1590, %get3A_1596 : vector<16xf32>
        %min3A_1678 = arith.minimumf %get3A_1590, %get3A_1596 : vector<16xf32>
        %max3A_1679 = arith.maximumf %get3A_1602, %get3A_1608 : vector<16xf32>
        %min3A_1680 = arith.minimumf %get3A_1602, %get3A_1608 : vector<16xf32>
        %max3A_1681 = arith.maximumf %get3A_1614, %get3A_1620 : vector<16xf32>
        %min3A_1682 = arith.minimumf %get3A_1614, %get3A_1620 : vector<16xf32>
        %max3A_1683 = arith.maximumf %max3A_1675, %max3A_1677 : vector<16xf32>
        %min3A_1684 = arith.minimumf %max3A_1675, %max3A_1677 : vector<16xf32>
        %max3A_1685 = arith.maximumf %min3A_1676, %min3A_1678 : vector<16xf32>
        %min3A_1686 = arith.minimumf %min3A_1676, %min3A_1678 : vector<16xf32>
        %max3A_1687 = arith.maximumf %max3A_1679, %max3A_1681 : vector<16xf32>
        %min3A_1688 = arith.minimumf %max3A_1679, %max3A_1681 : vector<16xf32>
        %max3A_1689 = arith.maximumf %min3A_1680, %min3A_1682 : vector<16xf32>
        %min3A_1690 = arith.minimumf %min3A_1680, %min3A_1682 : vector<16xf32>
        %max3A_1691 = arith.maximumf %max3A_1685, %min3A_1684 : vector<16xf32>
        %min3A_1692 = arith.minimumf %max3A_1685, %min3A_1684 : vector<16xf32>
        %max3A_1693 = arith.maximumf %max3A_1689, %min3A_1688 : vector<16xf32>
        %min3A_1694 = arith.minimumf %max3A_1689, %min3A_1688 : vector<16xf32>
        %max3A_1695 = arith.maximumf %max3A_1683, %max3A_1687 : vector<16xf32>
        %min3A_1696 = arith.minimumf %max3A_1683, %max3A_1687 : vector<16xf32>
        %max3A_1697 = arith.maximumf %min3A_1686, %min3A_1690 : vector<16xf32>
        %min3A_1698 = arith.minimumf %min3A_1686, %min3A_1690 : vector<16xf32>
        %max3A_1699 = arith.maximumf %max3A_1691, %max3A_1693 : vector<16xf32>
        %min3A_1700 = arith.minimumf %max3A_1691, %max3A_1693 : vector<16xf32>
        %max3A_1701 = arith.maximumf %min3A_1692, %min3A_1694 : vector<16xf32>
        %min3A_1702 = arith.minimumf %min3A_1692, %min3A_1694 : vector<16xf32>
        %max3A_1703 = arith.maximumf %max3A_1699, %min3A_1696 : vector<16xf32>
        %min3A_1704 = arith.minimumf %max3A_1699, %min3A_1696 : vector<16xf32>
        %max3A_1705 = arith.maximumf %max3A_1697, %min3A_1702 : vector<16xf32>
        %min3A_1706 = arith.minimumf %max3A_1697, %min3A_1702 : vector<16xf32>
        %max3A_1707 = arith.maximumf %max3A_1701, %min3A_1704 : vector<16xf32>
        %min3A_1708 = arith.minimumf %max3A_1701, %min3A_1704 : vector<16xf32>
        %max3A_1709 = arith.maximumf %max3A_1705, %min3A_1700 : vector<16xf32>
        %min3A_1710 = arith.minimumf %max3A_1705, %min3A_1700 : vector<16xf32>
        %max3A_1711 = arith.maximumf %max3A_1709, %min3A_1708 : vector<16xf32>
        %min3A_1712 = arith.minimumf %max3A_1709, %min3A_1708 : vector<16xf32>
        %max3A_1713 = arith.maximumf %max3A_1657, %min3A_1698 : vector<16xf32>
        %max3A_1714 = arith.maximumf %max3A_1665, %min3A_1706 : vector<16xf32>
        %max3A_1715 = arith.maximumf %max3A_1669, %min3A_1710 : vector<16xf32>
        %max3A_1716 = arith.maximumf %max3A_1673, %min3A_1712 : vector<16xf32>
        %max3A_1717 = arith.maximumf %min3A_1674, %max3A_1711 : vector<16xf32>
        %max3A_1718 = arith.maximumf %min3A_1672, %max3A_1707 : vector<16xf32>
        %max3A_1719 = arith.maximumf %min3A_1668, %max3A_1703 : vector<16xf32>
        %max3A_1720 = arith.maximumf %min3A_1660, %max3A_1695 : vector<16xf32>
        %max3A_1721 = arith.maximumf %max3A_1713, %max3A_1717 : vector<16xf32>
        %min3A_1722 = arith.minimumf %max3A_1713, %max3A_1717 : vector<16xf32>
        %max3A_1723 = arith.maximumf %max3A_1714, %max3A_1718 : vector<16xf32>
        %min3A_1724 = arith.minimumf %max3A_1714, %max3A_1718 : vector<16xf32>
        %max3A_1725 = arith.maximumf %max3A_1715, %max3A_1719 : vector<16xf32>
        %min3A_1726 = arith.minimumf %max3A_1715, %max3A_1719 : vector<16xf32>
        %max3A_1727 = arith.maximumf %max3A_1716, %max3A_1720 : vector<16xf32>
        %min3A_1728 = arith.minimumf %max3A_1716, %max3A_1720 : vector<16xf32>
        %max3A_1729 = arith.maximumf %max3A_1721, %max3A_1725 : vector<16xf32>
        %min3A_1730 = arith.minimumf %max3A_1721, %max3A_1725 : vector<16xf32>
        %max3A_1731 = arith.maximumf %max3A_1723, %max3A_1727 : vector<16xf32>
        %min3A_1732 = arith.minimumf %max3A_1723, %max3A_1727 : vector<16xf32>
        %max3A_1733 = arith.maximumf %min3A_1722, %min3A_1726 : vector<16xf32>
        %min3A_1734 = arith.minimumf %min3A_1722, %min3A_1726 : vector<16xf32>
        %max3A_1735 = arith.maximumf %min3A_1724, %min3A_1728 : vector<16xf32>
        %min3A_1736 = arith.minimumf %min3A_1724, %min3A_1728 : vector<16xf32>
        %max3A_1737 = arith.maximumf %max3A_1729, %max3A_1731 : vector<16xf32>
        %min3A_1738 = arith.minimumf %max3A_1729, %max3A_1731 : vector<16xf32>
        %max3A_1739 = arith.maximumf %min3A_1730, %min3A_1732 : vector<16xf32>
        %min3A_1740 = arith.minimumf %min3A_1730, %min3A_1732 : vector<16xf32>
        %max3A_1741 = arith.maximumf %max3A_1733, %max3A_1735 : vector<16xf32>
        %min3A_1742 = arith.minimumf %max3A_1733, %max3A_1735 : vector<16xf32>
        %max3A_1743 = arith.maximumf %min3A_1734, %min3A_1736 : vector<16xf32>
        %min3A_1744 = arith.minimumf %min3A_1734, %min3A_1736 : vector<16xf32>
        %get3A_1745 = arith.constant 0 : i32
        %get3A_1746 = arith.index_cast %rem3A_62 : i32 to index
        %get3A_1747 = arith.index_cast %get3A_1745 : i32 to index
        %get3A_1748 = arith.index_cast %add3A_1302 : i32 to index
        %get3A_1749 = arith.constant 32 : index
        %get3A_1750 = tpu.vector_load %arg5[%get3A_1746, %get3A_1747, %get3A_1748, %get3A_1749] {strides = array<i32>} : memref<2x16x8x64xf32, #tpu.memory_space<vmem>>, vector<16xf32>,
        %get3A_1751 = arith.constant 1 : i32
        %get3A_1752 = arith.index_cast %rem3A_62 : i32 to index
        %get3A_1753 = arith.index_cast %get3A_1751 : i32 to index
        %get3A_1754 = arith.index_cast %add3A_1302 : i32 to index
        %get3A_1755 = arith.constant 32 : index
        %get3A_1756 = tpu.vector_load %arg5[%get3A_1752, %get3A_1753, %get3A_1754, %get3A_1755] {strides = array<i32>} : memref<2x16x8x64xf32, #tpu.memory_space<vmem>>, vector<16xf32>,
        %get3A_1757 = arith.constant 2 : i32
        %get3A_1758 = arith.index_cast %rem3A_62 : i32 to index
        %get3A_1759 = arith.index_cast %get3A_1757 : i32 to index
        %get3A_1760 = arith.index_cast %add3A_1302 : i32 to index
        %get3A_1761 = arith.constant 32 : index
        %get3A_1762 = tpu.vector_load %arg5[%get3A_1758, %get3A_1759, %get3A_1760, %get3A_1761] {strides = array<i32>} : memref<2x16x8x64xf32, #tpu.memory_space<vmem>>, vector<16xf32>,
        %get3A_1763 = arith.constant 3 : i32
        %get3A_1764 = arith.index_cast %rem3A_62 : i32 to index
        %get3A_1765 = arith.index_cast %get3A_1763 : i32 to index
        %get3A_1766 = arith.index_cast %add3A_1302 : i32 to index
        %get3A_1767 = arith.constant 32 : index
        %get3A_1768 = tpu.vector_load %arg5[%get3A_1764, %get3A_1765, %get3A_1766, %get3A_1767] {strides = array<i32>} : memref<2x16x8x64xf32, #tpu.memory_space<vmem>>, vector<16xf32>,
        %get3A_1769 = arith.constant 4 : i32
        %get3A_1770 = arith.index_cast %rem3A_62 : i32 to index
        %get3A_1771 = arith.index_cast %get3A_1769 : i32 to index
        %get3A_1772 = arith.index_cast %add3A_1302 : i32 to index
        %get3A_1773 = arith.constant 32 : index
        %get3A_1774 = tpu.vector_load %arg5[%get3A_1770, %get3A_1771, %get3A_1772, %get3A_1773] {strides = array<i32>} : memref<2x16x8x64xf32, #tpu.memory_space<vmem>>, vector<16xf32>,
        %get3A_1775 = arith.constant 5 : i32
        %get3A_1776 = arith.index_cast %rem3A_62 : i32 to index
        %get3A_1777 = arith.index_cast %get3A_1775 : i32 to index
        %get3A_1778 = arith.index_cast %add3A_1302 : i32 to index
        %get3A_1779 = arith.constant 32 : index
        %get3A_1780 = tpu.vector_load %arg5[%get3A_1776, %get3A_1777, %get3A_1778, %get3A_1779] {strides = array<i32>} : memref<2x16x8x64xf32, #tpu.memory_space<vmem>>, vector<16xf32>,
        %get3A_1781 = arith.constant 6 : i32
        %get3A_1782 = arith.index_cast %rem3A_62 : i32 to index
        %get3A_1783 = arith.index_cast %get3A_1781 : i32 to index
        %get3A_1784 = arith.index_cast %add3A_1302 : i32 to index
        %get3A_1785 = arith.constant 32 : index
        %get3A_1786 = tpu.vector_load %arg5[%get3A_1782, %get3A_1783, %get3A_1784, %get3A_1785] {strides = array<i32>} : memref<2x16x8x64xf32, #tpu.memory_space<vmem>>, vector<16xf32>,
        %get3A_1787 = arith.constant 7 : i32
        %get3A_1788 = arith.index_cast %rem3A_62 : i32 to index
        %get3A_1789 = arith.index_cast %get3A_1787 : i32 to index
        %get3A_1790 = arith.index_cast %add3A_1302 : i32 to index
        %get3A_1791 = arith.constant 32 : index
        %get3A_1792 = tpu.vector_load %arg5[%get3A_1788, %get3A_1789, %get3A_1790, %get3A_1791] {strides = array<i32>} : memref<2x16x8x64xf32, #tpu.memory_space<vmem>>, vector<16xf32>,
        %get3A_1793 = arith.constant 8 : i32
        %get3A_1794 = arith.index_cast %rem3A_62 : i32 to index
        %get3A_1795 = arith.index_cast %get3A_1793 : i32 to index
        %get3A_1796 = arith.index_cast %add3A_1302 : i32 to index
        %get3A_1797 = arith.constant 32 : index
        %get3A_1798 = tpu.vector_load %arg5[%get3A_1794, %get3A_1795, %get3A_1796, %get3A_1797] {strides = array<i32>} : memref<2x16x8x64xf32, #tpu.memory_space<vmem>>, vector<16xf32>,
        %get3A_1799 = arith.constant 9 : i32
        %get3A_1800 = arith.index_cast %rem3A_62 : i32 to index
        %get3A_1801 = arith.index_cast %get3A_1799 : i32 to index
        %get3A_1802 = arith.index_cast %add3A_1302 : i32 to index
        %get3A_1803 = arith.constant 32 : index
        %get3A_1804 = tpu.vector_load %arg5[%get3A_1800, %get3A_1801, %get3A_1802, %get3A_1803] {strides = array<i32>} : memref<2x16x8x64xf32, #tpu.memory_space<vmem>>, vector<16xf32>,
        %get3A_1805 = arith.constant 10 : i32
        %get3A_1806 = arith.index_cast %rem3A_62 : i32 to index
        %get3A_1807 = arith.index_cast %get3A_1805 : i32 to index
        %get3A_1808 = arith.index_cast %add3A_1302 : i32 to index
        %get3A_1809 = arith.constant 32 : index
        %get3A_1810 = tpu.vector_load %arg5[%get3A_1806, %get3A_1807, %get3A_1808, %get3A_1809] {strides = array<i32>} : memref<2x16x8x64xf32, #tpu.memory_space<vmem>>, vector<16xf32>,
        %get3A_1811 = arith.constant 11 : i32
        %get3A_1812 = arith.index_cast %rem3A_62 : i32 to index
        %get3A_1813 = arith.index_cast %get3A_1811 : i32 to index
        %get3A_1814 = arith.index_cast %add3A_1302 : i32 to index
        %get3A_1815 = arith.constant 32 : index
        %get3A_1816 = tpu.vector_load %arg5[%get3A_1812, %get3A_1813, %get3A_1814, %get3A_1815] {strides = array<i32>} : memref<2x16x8x64xf32, #tpu.memory_space<vmem>>, vector<16xf32>,
        %get3A_1817 = arith.constant 12 : i32
        %get3A_1818 = arith.index_cast %rem3A_62 : i32 to index
        %get3A_1819 = arith.index_cast %get3A_1817 : i32 to index
        %get3A_1820 = arith.index_cast %add3A_1302 : i32 to index
        %get3A_1821 = arith.constant 32 : index
        %get3A_1822 = tpu.vector_load %arg5[%get3A_1818, %get3A_1819, %get3A_1820, %get3A_1821] {strides = array<i32>} : memref<2x16x8x64xf32, #tpu.memory_space<vmem>>, vector<16xf32>,
        %get3A_1823 = arith.constant 13 : i32
        %get3A_1824 = arith.index_cast %rem3A_62 : i32 to index
        %get3A_1825 = arith.index_cast %get3A_1823 : i32 to index
        %get3A_1826 = arith.index_cast %add3A_1302 : i32 to index
        %get3A_1827 = arith.constant 32 : index
        %get3A_1828 = tpu.vector_load %arg5[%get3A_1824, %get3A_1825, %get3A_1826, %get3A_1827] {strides = array<i32>} : memref<2x16x8x64xf32, #tpu.memory_space<vmem>>, vector<16xf32>,
        %get3A_1829 = arith.constant 14 : i32
        %get3A_1830 = arith.index_cast %rem3A_62 : i32 to index
        %get3A_1831 = arith.index_cast %get3A_1829 : i32 to index
        %get3A_1832 = arith.index_cast %add3A_1302 : i32 to index
        %get3A_1833 = arith.constant 32 : index
        %get3A_1834 = tpu.vector_load %arg5[%get3A_1830, %get3A_1831, %get3A_1832, %get3A_1833] {strides = array<i32>} : memref<2x16x8x64xf32, #tpu.memory_space<vmem>>, vector<16xf32>,
        %get3A_1835 = arith.constant 15 : i32
        %get3A_1836 = arith.index_cast %rem3A_62 : i32 to index
        %get3A_1837 = arith.index_cast %get3A_1835 : i32 to index
        %get3A_1838 = arith.index_cast %add3A_1302 : i32 to index
        %get3A_1839 = arith.constant 32 : index
        %get3A_1840 = tpu.vector_load %arg5[%get3A_1836, %get3A_1837, %get3A_1838, %get3A_1839] {strides = array<i32>} : memref<2x16x8x64xf32, #tpu.memory_space<vmem>>, vector<16xf32>,
        %add3A_1841 = arith.addf %get3A_1750, %get3A_1756 : vector<16xf32>
        %add3A_1842 = arith.addf %get3A_1762, %get3A_1768 : vector<16xf32>
        %add3A_1843 = arith.addf %add3A_1841, %add3A_1842 : vector<16xf32>
        %add3A_1844 = arith.addf %get3A_1774, %get3A_1780 : vector<16xf32>
        %add3A_1845 = arith.addf %get3A_1786, %get3A_1792 : vector<16xf32>
        %add3A_1846 = arith.addf %add3A_1844, %add3A_1845 : vector<16xf32>
        %add3A_1847 = arith.addf %get3A_1798, %get3A_1804 : vector<16xf32>
        %add3A_1848 = arith.addf %get3A_1810, %get3A_1816 : vector<16xf32>
        %add3A_1849 = arith.addf %add3A_1847, %add3A_1848 : vector<16xf32>
        %add3A_1850 = arith.addf %get3A_1822, %get3A_1828 : vector<16xf32>
        %add3A_1851 = arith.addf %get3A_1834, %get3A_1840 : vector<16xf32>
        %add3A_1852 = arith.addf %add3A_1850, %add3A_1851 : vector<16xf32>
        %add3A_1853 = arith.addf %add3A_1843, %add3A_1846 : vector<16xf32>
        %add3A_1854 = arith.addf %add3A_1849, %add3A_1852 : vector<16xf32>
        %add3A_1855 = arith.addf %add3A_1853, %add3A_1854 : vector<16xf32>
        %add3A_1856 = arith.addf %add3A_1636, %add3A_1855 : vector<16xf32>
        %max3A_1857 = arith.maximumf %get3A_1750, %get3A_1756 : vector<16xf32>
        %min3A_1858 = arith.minimumf %get3A_1750, %get3A_1756 : vector<16xf32>
        %max3A_1859 = arith.maximumf %get3A_1762, %get3A_1768 : vector<16xf32>
        %min3A_1860 = arith.minimumf %get3A_1762, %get3A_1768 : vector<16xf32>
        %max3A_1861 = arith.maximumf %get3A_1774, %get3A_1780 : vector<16xf32>
        %min3A_1862 = arith.minimumf %get3A_1774, %get3A_1780 : vector<16xf32>
        %max3A_1863 = arith.maximumf %get3A_1786, %get3A_1792 : vector<16xf32>
        %min3A_1864 = arith.minimumf %get3A_1786, %get3A_1792 : vector<16xf32>
        %max3A_1865 = arith.maximumf %max3A_1857, %max3A_1859 : vector<16xf32>
        %min3A_1866 = arith.minimumf %max3A_1857, %max3A_1859 : vector<16xf32>
        %max3A_1867 = arith.maximumf %min3A_1858, %min3A_1860 : vector<16xf32>
        %min3A_1868 = arith.minimumf %min3A_1858, %min3A_1860 : vector<16xf32>
        %max3A_1869 = arith.maximumf %max3A_1861, %max3A_1863 : vector<16xf32>
        %min3A_1870 = arith.minimumf %max3A_1861, %max3A_1863 : vector<16xf32>
        %max3A_1871 = arith.maximumf %min3A_1862, %min3A_1864 : vector<16xf32>
        %min3A_1872 = arith.minimumf %min3A_1862, %min3A_1864 : vector<16xf32>
        %max3A_1873 = arith.maximumf %max3A_1867, %min3A_1866 : vector<16xf32>
        %min3A_1874 = arith.minimumf %max3A_1867, %min3A_1866 : vector<16xf32>
        %max3A_1875 = arith.maximumf %max3A_1871, %min3A_1870 : vector<16xf32>
        %min3A_1876 = arith.minimumf %max3A_1871, %min3A_1870 : vector<16xf32>
        %max3A_1877 = arith.maximumf %max3A_1865, %max3A_1869 : vector<16xf32>
        %min3A_1878 = arith.minimumf %max3A_1865, %max3A_1869 : vector<16xf32>
        %max3A_1879 = arith.maximumf %min3A_1868, %min3A_1872 : vector<16xf32>
        %min3A_1880 = arith.minimumf %min3A_1868, %min3A_1872 : vector<16xf32>
        %max3A_1881 = arith.maximumf %max3A_1873, %max3A_1875 : vector<16xf32>
        %min3A_1882 = arith.minimumf %max3A_1873, %max3A_1875 : vector<16xf32>
        %max3A_1883 = arith.maximumf %min3A_1874, %min3A_1876 : vector<16xf32>
        %min3A_1884 = arith.minimumf %min3A_1874, %min3A_1876 : vector<16xf32>
        %max3A_1885 = arith.maximumf %max3A_1881, %min3A_1878 : vector<16xf32>
        %min3A_1886 = arith.minimumf %max3A_1881, %min3A_1878 : vector<16xf32>
        %max3A_1887 = arith.maximumf %max3A_1879, %min3A_1884 : vector<16xf32>
        %min3A_1888 = arith.minimumf %max3A_1879, %min3A_1884 : vector<16xf32>
        %max3A_1889 = arith.maximumf %max3A_1883, %min3A_1886 : vector<16xf32>
        %min3A_1890 = arith.minimumf %max3A_1883, %min3A_1886 : vector<16xf32>
        %max3A_1891 = arith.maximumf %max3A_1887, %min3A_1882 : vector<16xf32>
        %min3A_1892 = arith.minimumf %max3A_1887, %min3A_1882 : vector<16xf32>
        %max3A_1893 = arith.maximumf %max3A_1891, %min3A_1890 : vector<16xf32>
        %min3A_1894 = arith.minimumf %max3A_1891, %min3A_1890 : vector<16xf32>
        %max3A_1895 = arith.maximumf %get3A_1798, %get3A_1804 : vector<16xf32>
        %min3A_1896 = arith.minimumf %get3A_1798, %get3A_1804 : vector<16xf32>
        %max3A_1897 = arith.maximumf %get3A_1810, %get3A_1816 : vector<16xf32>
        %min3A_1898 = arith.minimumf %get3A_1810, %get3A_1816 : vector<16xf32>
        %max3A_1899 = arith.maximumf %get3A_1822, %get3A_1828 : vector<16xf32>
        %min3A_1900 = arith.minimumf %get3A_1822, %get3A_1828 : vector<16xf32>
        %max3A_1901 = arith.maximumf %get3A_1834, %get3A_1840 : vector<16xf32>
        %min3A_1902 = arith.minimumf %get3A_1834, %get3A_1840 : vector<16xf32>
        %max3A_1903 = arith.maximumf %max3A_1895, %max3A_1897 : vector<16xf32>
        %min3A_1904 = arith.minimumf %max3A_1895, %max3A_1897 : vector<16xf32>
        %max3A_1905 = arith.maximumf %min3A_1896, %min3A_1898 : vector<16xf32>
        %min3A_1906 = arith.minimumf %min3A_1896, %min3A_1898 : vector<16xf32>
        %max3A_1907 = arith.maximumf %max3A_1899, %max3A_1901 : vector<16xf32>
        %min3A_1908 = arith.minimumf %max3A_1899, %max3A_1901 : vector<16xf32>
        %max3A_1909 = arith.maximumf %min3A_1900, %min3A_1902 : vector<16xf32>
        %min3A_1910 = arith.minimumf %min3A_1900, %min3A_1902 : vector<16xf32>
        %max3A_1911 = arith.maximumf %max3A_1905, %min3A_1904 : vector<16xf32>
        %min3A_1912 = arith.minimumf %max3A_1905, %min3A_1904 : vector<16xf32>
        %max3A_1913 = arith.maximumf %max3A_1909, %min3A_1908 : vector<16xf32>
        %min3A_1914 = arith.minimumf %max3A_1909, %min3A_1908 : vector<16xf32>
        %max3A_1915 = arith.maximumf %max3A_1903, %max3A_1907 : vector<16xf32>
        %min3A_1916 = arith.minimumf %max3A_1903, %max3A_1907 : vector<16xf32>
        %max3A_1917 = arith.maximumf %min3A_1906, %min3A_1910 : vector<16xf32>
        %min3A_1918 = arith.minimumf %min3A_1906, %min3A_1910 : vector<16xf32>
        %max3A_1919 = arith.maximumf %max3A_1911, %max3A_1913 : vector<16xf32>
        %min3A_1920 = arith.minimumf %max3A_1911, %max3A_1913 : vector<16xf32>
        %max3A_1921 = arith.maximumf %min3A_1912, %min3A_1914 : vector<16xf32>
        %min3A_1922 = arith.minimumf %min3A_1912, %min3A_1914 : vector<16xf32>
        %max3A_1923 = arith.maximumf %max3A_1919, %min3A_1916 : vector<16xf32>
        %min3A_1924 = arith.minimumf %max3A_1919, %min3A_1916 : vector<16xf32>
        %max3A_1925 = arith.maximumf %max3A_1917, %min3A_1922 : vector<16xf32>
        %min3A_1926 = arith.minimumf %max3A_1917, %min3A_1922 : vector<16xf32>
        %max3A_1927 = arith.maximumf %max3A_1921, %min3A_1924 : vector<16xf32>
        %min3A_1928 = arith.minimumf %max3A_1921, %min3A_1924 : vector<16xf32>
        %max3A_1929 = arith.maximumf %max3A_1925, %min3A_1920 : vector<16xf32>
        %min3A_1930 = arith.minimumf %max3A_1925, %min3A_1920 : vector<16xf32>
        %max3A_1931 = arith.maximumf %max3A_1929, %min3A_1928 : vector<16xf32>
        %min3A_1932 = arith.minimumf %max3A_1929, %min3A_1928 : vector<16xf32>
        %max3A_1933 = arith.maximumf %max3A_1877, %min3A_1918 : vector<16xf32>
        %max3A_1934 = arith.maximumf %max3A_1885, %min3A_1926 : vector<16xf32>
        %max3A_1935 = arith.maximumf %max3A_1889, %min3A_1930 : vector<16xf32>
        %max3A_1936 = arith.maximumf %max3A_1893, %min3A_1932 : vector<16xf32>
        %max3A_1937 = arith.maximumf %min3A_1894, %max3A_1931 : vector<16xf32>
        %max3A_1938 = arith.maximumf %min3A_1892, %max3A_1927 : vector<16xf32>
        %max3A_1939 = arith.maximumf %min3A_1888, %max3A_1923 : vector<16xf32>
        %max3A_1940 = arith.maximumf %min3A_1880, %max3A_1915 : vector<16xf32>
        %max3A_1941 = arith.maximumf %max3A_1933, %max3A_1937 : vector<16xf32>
        %min3A_1942 = arith.minimumf %max3A_1933, %max3A_1937 : vector<16xf32>
        %max3A_1943 = arith.maximumf %max3A_1934, %max3A_1938 : vector<16xf32>
        %min3A_1944 = arith.minimumf %max3A_1934, %max3A_1938 : vector<16xf32>
        %max3A_1945 = arith.maximumf %max3A_1935, %max3A_1939 : vector<16xf32>
        %min3A_1946 = arith.minimumf %max3A_1935, %max3A_1939 : vector<16xf32>
        %max3A_1947 = arith.maximumf %max3A_1936, %max3A_1940 : vector<16xf32>
        %min3A_1948 = arith.minimumf %max3A_1936, %max3A_1940 : vector<16xf32>
        %max3A_1949 = arith.maximumf %max3A_1941, %max3A_1945 : vector<16xf32>
        %min3A_1950 = arith.minimumf %max3A_1941, %max3A_1945 : vector<16xf32>
        %max3A_1951 = arith.maximumf %max3A_1943, %max3A_1947 : vector<16xf32>
        %min3A_1952 = arith.minimumf %max3A_1943, %max3A_1947 : vector<16xf32>
        %max3A_1953 = arith.maximumf %min3A_1942, %min3A_1946 : vector<16xf32>
        %min3A_1954 = arith.minimumf %min3A_1942, %min3A_1946 : vector<16xf32>
        %max3A_1955 = arith.maximumf %min3A_1944, %min3A_1948 : vector<16xf32>
        %min3A_1956 = arith.minimumf %min3A_1944, %min3A_1948 : vector<16xf32>
        %max3A_1957 = arith.maximumf %max3A_1949, %max3A_1951 : vector<16xf32>
        %min3A_1958 = arith.minimumf %max3A_1949, %max3A_1951 : vector<16xf32>
        %max3A_1959 = arith.maximumf %min3A_1950, %min3A_1952 : vector<16xf32>
        %min3A_1960 = arith.minimumf %min3A_1950, %min3A_1952 : vector<16xf32>
        %max3A_1961 = arith.maximumf %max3A_1953, %max3A_1955 : vector<16xf32>
        %min3A_1962 = arith.minimumf %max3A_1953, %max3A_1955 : vector<16xf32>
        %max3A_1963 = arith.maximumf %min3A_1954, %min3A_1956 : vector<16xf32>
        %min3A_1964 = arith.minimumf %min3A_1954, %min3A_1956 : vector<16xf32>
        %get3A_1965 = arith.constant 0 : i32
        %get3A_1966 = arith.index_cast %rem3A_62 : i32 to index
        %get3A_1967 = arith.index_cast %get3A_1965 : i32 to index
        %get3A_1968 = arith.index_cast %add3A_1302 : i32 to index
        %get3A_1969 = arith.constant 48 : index
        %get3A_1970 = tpu.vector_load %arg5[%get3A_1966, %get3A_1967, %get3A_1968, %get3A_1969] {strides = array<i32>} : memref<2x16x8x64xf32, #tpu.memory_space<vmem>>, vector<16xf32>,
        %get3A_1971 = arith.constant 1 : i32
        %get3A_1972 = arith.index_cast %rem3A_62 : i32 to index
        %get3A_1973 = arith.index_cast %get3A_1971 : i32 to index
        %get3A_1974 = arith.index_cast %add3A_1302 : i32 to index
        %get3A_1975 = arith.constant 48 : index
        %get3A_1976 = tpu.vector_load %arg5[%get3A_1972, %get3A_1973, %get3A_1974, %get3A_1975] {strides = array<i32>} : memref<2x16x8x64xf32, #tpu.memory_space<vmem>>, vector<16xf32>,
        %get3A_1977 = arith.constant 2 : i32
        %get3A_1978 = arith.index_cast %rem3A_62 : i32 to index
        %get3A_1979 = arith.index_cast %get3A_1977 : i32 to index
        %get3A_1980 = arith.index_cast %add3A_1302 : i32 to index
        %get3A_1981 = arith.constant 48 : index
        %get3A_1982 = tpu.vector_load %arg5[%get3A_1978, %get3A_1979, %get3A_1980, %get3A_1981] {strides = array<i32>} : memref<2x16x8x64xf32, #tpu.memory_space<vmem>>, vector<16xf32>,
        %get3A_1983 = arith.constant 3 : i32
        %get3A_1984 = arith.index_cast %rem3A_62 : i32 to index
        %get3A_1985 = arith.index_cast %get3A_1983 : i32 to index
        %get3A_1986 = arith.index_cast %add3A_1302 : i32 to index
        %get3A_1987 = arith.constant 48 : index
        %get3A_1988 = tpu.vector_load %arg5[%get3A_1984, %get3A_1985, %get3A_1986, %get3A_1987] {strides = array<i32>} : memref<2x16x8x64xf32, #tpu.memory_space<vmem>>, vector<16xf32>,
        %get3A_1989 = arith.constant 4 : i32
        %get3A_1990 = arith.index_cast %rem3A_62 : i32 to index
        %get3A_1991 = arith.index_cast %get3A_1989 : i32 to index
        %get3A_1992 = arith.index_cast %add3A_1302 : i32 to index
        %get3A_1993 = arith.constant 48 : index
        %get3A_1994 = tpu.vector_load %arg5[%get3A_1990, %get3A_1991, %get3A_1992, %get3A_1993] {strides = array<i32>} : memref<2x16x8x64xf32, #tpu.memory_space<vmem>>, vector<16xf32>,
        %get3A_1995 = arith.constant 5 : i32
        %get3A_1996 = arith.index_cast %rem3A_62 : i32 to index
        %get3A_1997 = arith.index_cast %get3A_1995 : i32 to index
        %get3A_1998 = arith.index_cast %add3A_1302 : i32 to index
        %get3A_1999 = arith.constant 48 : index
        %get3A_2000 = tpu.vector_load %arg5[%get3A_1996, %get3A_1997, %get3A_1998, %get3A_1999] {strides = array<i32>} : memref<2x16x8x64xf32, #tpu.memory_space<vmem>>, vector<16xf32>,
        %get3A_2001 = arith.constant 6 : i32
        %get3A_2002 = arith.index_cast %rem3A_62 : i32 to index
        %get3A_2003 = arith.index_cast %get3A_2001 : i32 to index
        %get3A_2004 = arith.index_cast %add3A_1302 : i32 to index
        %get3A_2005 = arith.constant 48 : index
        %get3A_2006 = tpu.vector_load %arg5[%get3A_2002, %get3A_2003, %get3A_2004, %get3A_2005] {strides = array<i32>} : memref<2x16x8x64xf32, #tpu.memory_space<vmem>>, vector<16xf32>,
        %get3A_2007 = arith.constant 7 : i32
        %get3A_2008 = arith.index_cast %rem3A_62 : i32 to index
        %get3A_2009 = arith.index_cast %get3A_2007 : i32 to index
        %get3A_2010 = arith.index_cast %add3A_1302 : i32 to index
        %get3A_2011 = arith.constant 48 : index
        %get3A_2012 = tpu.vector_load %arg5[%get3A_2008, %get3A_2009, %get3A_2010, %get3A_2011] {strides = array<i32>} : memref<2x16x8x64xf32, #tpu.memory_space<vmem>>, vector<16xf32>,
        %get3A_2013 = arith.constant 8 : i32
        %get3A_2014 = arith.index_cast %rem3A_62 : i32 to index
        %get3A_2015 = arith.index_cast %get3A_2013 : i32 to index
        %get3A_2016 = arith.index_cast %add3A_1302 : i32 to index
        %get3A_2017 = arith.constant 48 : index
        %get3A_2018 = tpu.vector_load %arg5[%get3A_2014, %get3A_2015, %get3A_2016, %get3A_2017] {strides = array<i32>} : memref<2x16x8x64xf32, #tpu.memory_space<vmem>>, vector<16xf32>,
        %get3A_2019 = arith.constant 9 : i32
        %get3A_2020 = arith.index_cast %rem3A_62 : i32 to index
        %get3A_2021 = arith.index_cast %get3A_2019 : i32 to index
        %get3A_2022 = arith.index_cast %add3A_1302 : i32 to index
        %get3A_2023 = arith.constant 48 : index
        %get3A_2024 = tpu.vector_load %arg5[%get3A_2020, %get3A_2021, %get3A_2022, %get3A_2023] {strides = array<i32>} : memref<2x16x8x64xf32, #tpu.memory_space<vmem>>, vector<16xf32>,
        %get3A_2025 = arith.constant 10 : i32
        %get3A_2026 = arith.index_cast %rem3A_62 : i32 to index
        %get3A_2027 = arith.index_cast %get3A_2025 : i32 to index
        %get3A_2028 = arith.index_cast %add3A_1302 : i32 to index
        %get3A_2029 = arith.constant 48 : index
        %get3A_2030 = tpu.vector_load %arg5[%get3A_2026, %get3A_2027, %get3A_2028, %get3A_2029] {strides = array<i32>} : memref<2x16x8x64xf32, #tpu.memory_space<vmem>>, vector<16xf32>,
        %get3A_2031 = arith.constant 11 : i32
        %get3A_2032 = arith.index_cast %rem3A_62 : i32 to index
        %get3A_2033 = arith.index_cast %get3A_2031 : i32 to index
        %get3A_2034 = arith.index_cast %add3A_1302 : i32 to index
        %get3A_2035 = arith.constant 48 : index
        %get3A_2036 = tpu.vector_load %arg5[%get3A_2032, %get3A_2033, %get3A_2034, %get3A_2035] {strides = array<i32>} : memref<2x16x8x64xf32, #tpu.memory_space<vmem>>, vector<16xf32>,
        %get3A_2037 = arith.constant 12 : i32
        %get3A_2038 = arith.index_cast %rem3A_62 : i32 to index
        %get3A_2039 = arith.index_cast %get3A_2037 : i32 to index
        %get3A_2040 = arith.index_cast %add3A_1302 : i32 to index
        %get3A_2041 = arith.constant 48 : index
        %get3A_2042 = tpu.vector_load %arg5[%get3A_2038, %get3A_2039, %get3A_2040, %get3A_2041] {strides = array<i32>} : memref<2x16x8x64xf32, #tpu.memory_space<vmem>>, vector<16xf32>,
        %get3A_2043 = arith.constant 13 : i32
        %get3A_2044 = arith.index_cast %rem3A_62 : i32 to index
        %get3A_2045 = arith.index_cast %get3A_2043 : i32 to index
        %get3A_2046 = arith.index_cast %add3A_1302 : i32 to index
        %get3A_2047 = arith.constant 48 : index
        %get3A_2048 = tpu.vector_load %arg5[%get3A_2044, %get3A_2045, %get3A_2046, %get3A_2047] {strides = array<i32>} : memref<2x16x8x64xf32, #tpu.memory_space<vmem>>, vector<16xf32>,
        %get3A_2049 = arith.constant 14 : i32
        %get3A_2050 = arith.index_cast %rem3A_62 : i32 to index
        %get3A_2051 = arith.index_cast %get3A_2049 : i32 to index
        %get3A_2052 = arith.index_cast %add3A_1302 : i32 to index
        %get3A_2053 = arith.constant 48 : index
        %get3A_2054 = tpu.vector_load %arg5[%get3A_2050, %get3A_2051, %get3A_2052, %get3A_2053] {strides = array<i32>} : memref<2x16x8x64xf32, #tpu.memory_space<vmem>>, vector<16xf32>,
        %get3A_2055 = arith.constant 15 : i32
        %get3A_2056 = arith.index_cast %rem3A_62 : i32 to index
        %get3A_2057 = arith.index_cast %get3A_2055 : i32 to index
        %get3A_2058 = arith.index_cast %add3A_1302 : i32 to index
        %get3A_2059 = arith.constant 48 : index
        %get3A_2060 = tpu.vector_load %arg5[%get3A_2056, %get3A_2057, %get3A_2058, %get3A_2059] {strides = array<i32>} : memref<2x16x8x64xf32, #tpu.memory_space<vmem>>, vector<16xf32>,
        %add3A_2061 = arith.addf %get3A_1970, %get3A_1976 : vector<16xf32>
        %add3A_2062 = arith.addf %get3A_1982, %get3A_1988 : vector<16xf32>
        %add3A_2063 = arith.addf %add3A_2061, %add3A_2062 : vector<16xf32>
        %add3A_2064 = arith.addf %get3A_1994, %get3A_2000 : vector<16xf32>
        %add3A_2065 = arith.addf %get3A_2006, %get3A_2012 : vector<16xf32>
        %add3A_2066 = arith.addf %add3A_2064, %add3A_2065 : vector<16xf32>
        %add3A_2067 = arith.addf %get3A_2018, %get3A_2024 : vector<16xf32>
        %add3A_2068 = arith.addf %get3A_2030, %get3A_2036 : vector<16xf32>
        %add3A_2069 = arith.addf %add3A_2067, %add3A_2068 : vector<16xf32>
        %add3A_2070 = arith.addf %get3A_2042, %get3A_2048 : vector<16xf32>
        %add3A_2071 = arith.addf %get3A_2054, %get3A_2060 : vector<16xf32>
        %add3A_2072 = arith.addf %add3A_2070, %add3A_2071 : vector<16xf32>
        %add3A_2073 = arith.addf %add3A_2063, %add3A_2066 : vector<16xf32>
        %add3A_2074 = arith.addf %add3A_2069, %add3A_2072 : vector<16xf32>
        %add3A_2075 = arith.addf %add3A_2073, %add3A_2074 : vector<16xf32>
        %add3A_2076 = arith.addf %add3A_1856, %add3A_2075 : vector<16xf32>
        %max3A_2077 = arith.maximumf %get3A_1970, %get3A_1976 : vector<16xf32>
        %min3A_2078 = arith.minimumf %get3A_1970, %get3A_1976 : vector<16xf32>
        %max3A_2079 = arith.maximumf %get3A_1982, %get3A_1988 : vector<16xf32>
        %min3A_2080 = arith.minimumf %get3A_1982, %get3A_1988 : vector<16xf32>
        %max3A_2081 = arith.maximumf %get3A_1994, %get3A_2000 : vector<16xf32>
        %min3A_2082 = arith.minimumf %get3A_1994, %get3A_2000 : vector<16xf32>
        %max3A_2083 = arith.maximumf %get3A_2006, %get3A_2012 : vector<16xf32>
        %min3A_2084 = arith.minimumf %get3A_2006, %get3A_2012 : vector<16xf32>
        %max3A_2085 = arith.maximumf %max3A_2077, %max3A_2079 : vector<16xf32>
        %min3A_2086 = arith.minimumf %max3A_2077, %max3A_2079 : vector<16xf32>
        %max3A_2087 = arith.maximumf %min3A_2078, %min3A_2080 : vector<16xf32>
        %min3A_2088 = arith.minimumf %min3A_2078, %min3A_2080 : vector<16xf32>
        %max3A_2089 = arith.maximumf %max3A_2081, %max3A_2083 : vector<16xf32>
        %min3A_2090 = arith.minimumf %max3A_2081, %max3A_2083 : vector<16xf32>
        %max3A_2091 = arith.maximumf %min3A_2082, %min3A_2084 : vector<16xf32>
        %min3A_2092 = arith.minimumf %min3A_2082, %min3A_2084 : vector<16xf32>
        %max3A_2093 = arith.maximumf %max3A_2087, %min3A_2086 : vector<16xf32>
        %min3A_2094 = arith.minimumf %max3A_2087, %min3A_2086 : vector<16xf32>
        %max3A_2095 = arith.maximumf %max3A_2091, %min3A_2090 : vector<16xf32>
        %min3A_2096 = arith.minimumf %max3A_2091, %min3A_2090 : vector<16xf32>
        %max3A_2097 = arith.maximumf %max3A_2085, %max3A_2089 : vector<16xf32>
        %min3A_2098 = arith.minimumf %max3A_2085, %max3A_2089 : vector<16xf32>
        %max3A_2099 = arith.maximumf %min3A_2088, %min3A_2092 : vector<16xf32>
        %min3A_2100 = arith.minimumf %min3A_2088, %min3A_2092 : vector<16xf32>
        %max3A_2101 = arith.maximumf %max3A_2093, %max3A_2095 : vector<16xf32>
        %min3A_2102 = arith.minimumf %max3A_2093, %max3A_2095 : vector<16xf32>
        %max3A_2103 = arith.maximumf %min3A_2094, %min3A_2096 : vector<16xf32>
        %min3A_2104 = arith.minimumf %min3A_2094, %min3A_2096 : vector<16xf32>
        %max3A_2105 = arith.maximumf %max3A_2101, %min3A_2098 : vector<16xf32>
        %min3A_2106 = arith.minimumf %max3A_2101, %min3A_2098 : vector<16xf32>
        %max3A_2107 = arith.maximumf %max3A_2099, %min3A_2104 : vector<16xf32>
        %min3A_2108 = arith.minimumf %max3A_2099, %min3A_2104 : vector<16xf32>
        %max3A_2109 = arith.maximumf %max3A_2103, %min3A_2106 : vector<16xf32>
        %min3A_2110 = arith.minimumf %max3A_2103, %min3A_2106 : vector<16xf32>
        %max3A_2111 = arith.maximumf %max3A_2107, %min3A_2102 : vector<16xf32>
        %min3A_2112 = arith.minimumf %max3A_2107, %min3A_2102 : vector<16xf32>
        %max3A_2113 = arith.maximumf %max3A_2111, %min3A_2110 : vector<16xf32>
        %min3A_2114 = arith.minimumf %max3A_2111, %min3A_2110 : vector<16xf32>
        %max3A_2115 = arith.maximumf %get3A_2018, %get3A_2024 : vector<16xf32>
        %min3A_2116 = arith.minimumf %get3A_2018, %get3A_2024 : vector<16xf32>
        %max3A_2117 = arith.maximumf %get3A_2030, %get3A_2036 : vector<16xf32>
        %min3A_2118 = arith.minimumf %get3A_2030, %get3A_2036 : vector<16xf32>
        %max3A_2119 = arith.maximumf %get3A_2042, %get3A_2048 : vector<16xf32>
        %min3A_2120 = arith.minimumf %get3A_2042, %get3A_2048 : vector<16xf32>
        %max3A_2121 = arith.maximumf %get3A_2054, %get3A_2060 : vector<16xf32>
        %min3A_2122 = arith.minimumf %get3A_2054, %get3A_2060 : vector<16xf32>
        %max3A_2123 = arith.maximumf %max3A_2115, %max3A_2117 : vector<16xf32>
        %min3A_2124 = arith.minimumf %max3A_2115, %max3A_2117 : vector<16xf32>
        %max3A_2125 = arith.maximumf %min3A_2116, %min3A_2118 : vector<16xf32>
        %min3A_2126 = arith.minimumf %min3A_2116, %min3A_2118 : vector<16xf32>
        %max3A_2127 = arith.maximumf %max3A_2119, %max3A_2121 : vector<16xf32>
        %min3A_2128 = arith.minimumf %max3A_2119, %max3A_2121 : vector<16xf32>
        %max3A_2129 = arith.maximumf %min3A_2120, %min3A_2122 : vector<16xf32>
        %min3A_2130 = arith.minimumf %min3A_2120, %min3A_2122 : vector<16xf32>
        %max3A_2131 = arith.maximumf %max3A_2125, %min3A_2124 : vector<16xf32>
        %min3A_2132 = arith.minimumf %max3A_2125, %min3A_2124 : vector<16xf32>
        %max3A_2133 = arith.maximumf %max3A_2129, %min3A_2128 : vector<16xf32>
        %min3A_2134 = arith.minimumf %max3A_2129, %min3A_2128 : vector<16xf32>
        %max3A_2135 = arith.maximumf %max3A_2123, %max3A_2127 : vector<16xf32>
        %min3A_2136 = arith.minimumf %max3A_2123, %max3A_2127 : vector<16xf32>
        %max3A_2137 = arith.maximumf %min3A_2126, %min3A_2130 : vector<16xf32>
        %min3A_2138 = arith.minimumf %min3A_2126, %min3A_2130 : vector<16xf32>
        %max3A_2139 = arith.maximumf %max3A_2131, %max3A_2133 : vector<16xf32>
        %min3A_2140 = arith.minimumf %max3A_2131, %max3A_2133 : vector<16xf32>
        %max3A_2141 = arith.maximumf %min3A_2132, %min3A_2134 : vector<16xf32>
        %min3A_2142 = arith.minimumf %min3A_2132, %min3A_2134 : vector<16xf32>
        %max3A_2143 = arith.maximumf %max3A_2139, %min3A_2136 : vector<16xf32>
        %min3A_2144 = arith.minimumf %max3A_2139, %min3A_2136 : vector<16xf32>
        %max3A_2145 = arith.maximumf %max3A_2137, %min3A_2142 : vector<16xf32>
        %min3A_2146 = arith.minimumf %max3A_2137, %min3A_2142 : vector<16xf32>
        %max3A_2147 = arith.maximumf %max3A_2141, %min3A_2144 : vector<16xf32>
        %min3A_2148 = arith.minimumf %max3A_2141, %min3A_2144 : vector<16xf32>
        %max3A_2149 = arith.maximumf %max3A_2145, %min3A_2140 : vector<16xf32>
        %min3A_2150 = arith.minimumf %max3A_2145, %min3A_2140 : vector<16xf32>
        %max3A_2151 = arith.maximumf %max3A_2149, %min3A_2148 : vector<16xf32>
        %min3A_2152 = arith.minimumf %max3A_2149, %min3A_2148 : vector<16xf32>
        %max3A_2153 = arith.maximumf %max3A_2097, %min3A_2138 : vector<16xf32>
        %max3A_2154 = arith.maximumf %max3A_2105, %min3A_2146 : vector<16xf32>
        %max3A_2155 = arith.maximumf %max3A_2109, %min3A_2150 : vector<16xf32>
        %max3A_2156 = arith.maximumf %max3A_2113, %min3A_2152 : vector<16xf32>
        %max3A_2157 = arith.maximumf %min3A_2114, %max3A_2151 : vector<16xf32>
        %max3A_2158 = arith.maximumf %min3A_2112, %max3A_2147 : vector<16xf32>
        %max3A_2159 = arith.maximumf %min3A_2108, %max3A_2143 : vector<16xf32>
        %max3A_2160 = arith.maximumf %min3A_2100, %max3A_2135 : vector<16xf32>
        %max3A_2161 = arith.maximumf %max3A_2153, %max3A_2157 : vector<16xf32>
        %min3A_2162 = arith.minimumf %max3A_2153, %max3A_2157 : vector<16xf32>
        %max3A_2163 = arith.maximumf %max3A_2154, %max3A_2158 : vector<16xf32>
        %min3A_2164 = arith.minimumf %max3A_2154, %max3A_2158 : vector<16xf32>
        %max3A_2165 = arith.maximumf %max3A_2155, %max3A_2159 : vector<16xf32>
        %min3A_2166 = arith.minimumf %max3A_2155, %max3A_2159 : vector<16xf32>
        %max3A_2167 = arith.maximumf %max3A_2156, %max3A_2160 : vector<16xf32>
        %min3A_2168 = arith.minimumf %max3A_2156, %max3A_2160 : vector<16xf32>
        %max3A_2169 = arith.maximumf %max3A_2161, %max3A_2165 : vector<16xf32>
        %min3A_2170 = arith.minimumf %max3A_2161, %max3A_2165 : vector<16xf32>
        %max3A_2171 = arith.maximumf %max3A_2163, %max3A_2167 : vector<16xf32>
        %min3A_2172 = arith.minimumf %max3A_2163, %max3A_2167 : vector<16xf32>
        %max3A_2173 = arith.maximumf %min3A_2162, %min3A_2166 : vector<16xf32>
        %min3A_2174 = arith.minimumf %min3A_2162, %min3A_2166 : vector<16xf32>
        %max3A_2175 = arith.maximumf %min3A_2164, %min3A_2168 : vector<16xf32>
        %min3A_2176 = arith.minimumf %min3A_2164, %min3A_2168 : vector<16xf32>
        %max3A_2177 = arith.maximumf %max3A_2169, %max3A_2171 : vector<16xf32>
        %min3A_2178 = arith.minimumf %max3A_2169, %max3A_2171 : vector<16xf32>
        %max3A_2179 = arith.maximumf %min3A_2170, %min3A_2172 : vector<16xf32>
        %min3A_2180 = arith.minimumf %min3A_2170, %min3A_2172 : vector<16xf32>
        %max3A_2181 = arith.maximumf %max3A_2173, %max3A_2175 : vector<16xf32>
        %min3A_2182 = arith.minimumf %max3A_2173, %max3A_2175 : vector<16xf32>
        %max3A_2183 = arith.maximumf %min3A_2174, %min3A_2176 : vector<16xf32>
        %min3A_2184 = arith.minimumf %min3A_2174, %min3A_2176 : vector<16xf32>
        %max3A_2185 = arith.maximumf %max3A_1517, %min3A_1744 : vector<16xf32>
        %max3A_2186 = arith.maximumf %min3A_1518, %max3A_1743 : vector<16xf32>
        %max3A_2187 = arith.maximumf %max3A_1519, %min3A_1742 : vector<16xf32>
        %max3A_2188 = arith.maximumf %min3A_1520, %max3A_1741 : vector<16xf32>
        %max3A_2189 = arith.maximumf %max3A_1521, %min3A_1740 : vector<16xf32>
        %max3A_2190 = arith.maximumf %min3A_1522, %max3A_1739 : vector<16xf32>
        %max3A_2191 = arith.maximumf %max3A_1523, %min3A_1738 : vector<16xf32>
        %max3A_2192 = arith.maximumf %min3A_1524, %max3A_1737 : vector<16xf32>
        %max3A_2193 = arith.maximumf %max3A_2185, %max3A_2189 : vector<16xf32>
        %min3A_2194 = arith.minimumf %max3A_2185, %max3A_2189 : vector<16xf32>
        %max3A_2195 = arith.maximumf %max3A_2186, %max3A_2190 : vector<16xf32>
        %min3A_2196 = arith.minimumf %max3A_2186, %max3A_2190 : vector<16xf32>
        %max3A_2197 = arith.maximumf %max3A_2187, %max3A_2191 : vector<16xf32>
        %min3A_2198 = arith.minimumf %max3A_2187, %max3A_2191 : vector<16xf32>
        %max3A_2199 = arith.maximumf %max3A_2188, %max3A_2192 : vector<16xf32>
        %min3A_2200 = arith.minimumf %max3A_2188, %max3A_2192 : vector<16xf32>
        %max3A_2201 = arith.maximumf %max3A_2193, %max3A_2197 : vector<16xf32>
        %min3A_2202 = arith.minimumf %max3A_2193, %max3A_2197 : vector<16xf32>
        %max3A_2203 = arith.maximumf %max3A_2195, %max3A_2199 : vector<16xf32>
        %min3A_2204 = arith.minimumf %max3A_2195, %max3A_2199 : vector<16xf32>
        %max3A_2205 = arith.maximumf %min3A_2194, %min3A_2198 : vector<16xf32>
        %min3A_2206 = arith.minimumf %min3A_2194, %min3A_2198 : vector<16xf32>
        %max3A_2207 = arith.maximumf %min3A_2196, %min3A_2200 : vector<16xf32>
        %min3A_2208 = arith.minimumf %min3A_2196, %min3A_2200 : vector<16xf32>
        %max3A_2209 = arith.maximumf %max3A_2201, %max3A_2203 : vector<16xf32>
        %min3A_2210 = arith.minimumf %max3A_2201, %max3A_2203 : vector<16xf32>
        %max3A_2211 = arith.maximumf %min3A_2202, %min3A_2204 : vector<16xf32>
        %min3A_2212 = arith.minimumf %min3A_2202, %min3A_2204 : vector<16xf32>
        %max3A_2213 = arith.maximumf %max3A_2205, %max3A_2207 : vector<16xf32>
        %min3A_2214 = arith.minimumf %max3A_2205, %max3A_2207 : vector<16xf32>
        %max3A_2215 = arith.maximumf %min3A_2206, %min3A_2208 : vector<16xf32>
        %min3A_2216 = arith.minimumf %min3A_2206, %min3A_2208 : vector<16xf32>
        %max3A_2217 = arith.maximumf %max3A_1957, %min3A_2184 : vector<16xf32>
        %max3A_2218 = arith.maximumf %min3A_1958, %max3A_2183 : vector<16xf32>
        %max3A_2219 = arith.maximumf %max3A_1959, %min3A_2182 : vector<16xf32>
        %max3A_2220 = arith.maximumf %min3A_1960, %max3A_2181 : vector<16xf32>
        %max3A_2221 = arith.maximumf %max3A_1961, %min3A_2180 : vector<16xf32>
        %max3A_2222 = arith.maximumf %min3A_1962, %max3A_2179 : vector<16xf32>
        %max3A_2223 = arith.maximumf %max3A_1963, %min3A_2178 : vector<16xf32>
        %max3A_2224 = arith.maximumf %min3A_1964, %max3A_2177 : vector<16xf32>
        %max3A_2225 = arith.maximumf %max3A_2217, %max3A_2221 : vector<16xf32>
        %min3A_2226 = arith.minimumf %max3A_2217, %max3A_2221 : vector<16xf32>
        %max3A_2227 = arith.maximumf %max3A_2218, %max3A_2222 : vector<16xf32>
        %min3A_2228 = arith.minimumf %max3A_2218, %max3A_2222 : vector<16xf32>
        %max3A_2229 = arith.maximumf %max3A_2219, %max3A_2223 : vector<16xf32>
        %min3A_2230 = arith.minimumf %max3A_2219, %max3A_2223 : vector<16xf32>
        %max3A_2231 = arith.maximumf %max3A_2220, %max3A_2224 : vector<16xf32>
        %min3A_2232 = arith.minimumf %max3A_2220, %max3A_2224 : vector<16xf32>
        %max3A_2233 = arith.maximumf %max3A_2225, %max3A_2229 : vector<16xf32>
        %min3A_2234 = arith.minimumf %max3A_2225, %max3A_2229 : vector<16xf32>
        %max3A_2235 = arith.maximumf %max3A_2227, %max3A_2231 : vector<16xf32>
        %min3A_2236 = arith.minimumf %max3A_2227, %max3A_2231 : vector<16xf32>
        %max3A_2237 = arith.maximumf %min3A_2226, %min3A_2230 : vector<16xf32>
        %min3A_2238 = arith.minimumf %min3A_2226, %min3A_2230 : vector<16xf32>
        %max3A_2239 = arith.maximumf %min3A_2228, %min3A_2232 : vector<16xf32>
        %min3A_2240 = arith.minimumf %min3A_2228, %min3A_2232 : vector<16xf32>
        %max3A_2241 = arith.maximumf %max3A_2233, %max3A_2235 : vector<16xf32>
        %min3A_2242 = arith.minimumf %max3A_2233, %max3A_2235 : vector<16xf32>
        %max3A_2243 = arith.maximumf %min3A_2234, %min3A_2236 : vector<16xf32>
        %min3A_2244 = arith.minimumf %min3A_2234, %min3A_2236 : vector<16xf32>
        %max3A_2245 = arith.maximumf %max3A_2237, %max3A_2239 : vector<16xf32>
        %min3A_2246 = arith.minimumf %max3A_2237, %max3A_2239 : vector<16xf32>
        %max3A_2247 = arith.maximumf %min3A_2238, %min3A_2240 : vector<16xf32>
        %min3A_2248 = arith.minimumf %min3A_2238, %min3A_2240 : vector<16xf32>
        %max3A_2249 = arith.maximumf %max3A_2209, %min3A_2248 : vector<16xf32>
        %max3A_2250 = arith.maximumf %min3A_2210, %max3A_2247 : vector<16xf32>
        %max3A_2251 = arith.maximumf %max3A_2211, %min3A_2246 : vector<16xf32>
        %max3A_2252 = arith.maximumf %min3A_2212, %max3A_2245 : vector<16xf32>
        %max3A_2253 = arith.maximumf %max3A_2213, %min3A_2244 : vector<16xf32>
        %max3A_2254 = arith.maximumf %min3A_2214, %max3A_2243 : vector<16xf32>
        %max3A_2255 = arith.maximumf %max3A_2215, %min3A_2242 : vector<16xf32>
        %max3A_2256 = arith.maximumf %min3A_2216, %max3A_2241 : vector<16xf32>
        %sort3A_2257 = arith.constant dense<true> : vector<16xi1>
        %sort3A_2258, %sort3A_2259, %sort3A_2260 = tpu.sort %max3A_2249, %max3A_2249 masked %sort3A_2257 : (vector<16xf32>, vector<16xf32>, vector<16xi1>) -> (vector<16xi1>, vector<16xf32>, vector<16xf32>)
        %sort3A_2261 = arith.constant dense<true> : vector<16xi1>
        %sort3A_2262, %sort3A_2263, %sort3A_2264 = tpu.sort %max3A_2250, %max3A_2250 masked %sort3A_2261 : (vector<16xf32>, vector<16xf32>, vector<16xi1>) -> (vector<16xi1>, vector<16xf32>, vector<16xf32>)
        %sort3A_2265 = arith.constant dense<true> : vector<16xi1>
        %sort3A_2266, %sort3A_2267, %sort3A_2268 = tpu.sort %max3A_2251, %max3A_2251 masked %sort3A_2265 : (vector<16xf32>, vector<16xf32>, vector<16xi1>) -> (vector<16xi1>, vector<16xf32>, vector<16xf32>)
        %sort3A_2269 = arith.constant dense<true> : vector<16xi1>
        %sort3A_2270, %sort3A_2271, %sort3A_2272 = tpu.sort %max3A_2252, %max3A_2252 masked %sort3A_2269 : (vector<16xf32>, vector<16xf32>, vector<16xi1>) -> (vector<16xi1>, vector<16xf32>, vector<16xf32>)
        %sort3A_2273 = arith.constant dense<true> : vector<16xi1>
        %sort3A_2274, %sort3A_2275, %sort3A_2276 = tpu.sort %max3A_2253, %max3A_2253 masked %sort3A_2273 : (vector<16xf32>, vector<16xf32>, vector<16xi1>) -> (vector<16xi1>, vector<16xf32>, vector<16xf32>)
        %sort3A_2277 = arith.constant dense<true> : vector<16xi1>
        %sort3A_2278, %sort3A_2279, %sort3A_2280 = tpu.sort %max3A_2254, %max3A_2254 masked %sort3A_2277 : (vector<16xf32>, vector<16xf32>, vector<16xi1>) -> (vector<16xi1>, vector<16xf32>, vector<16xf32>)
        %sort3A_2281 = arith.constant dense<true> : vector<16xi1>
        %sort3A_2282, %sort3A_2283, %sort3A_2284 = tpu.sort %max3A_2255, %max3A_2255 masked %sort3A_2281 : (vector<16xf32>, vector<16xf32>, vector<16xi1>) -> (vector<16xi1>, vector<16xf32>, vector<16xf32>)
        %sort3A_2285 = arith.constant dense<true> : vector<16xi1>
        %sort3A_2286, %sort3A_2287, %sort3A_2288 = tpu.sort %max3A_2256, %max3A_2256 masked %sort3A_2285 : (vector<16xf32>, vector<16xf32>, vector<16xi1>) -> (vector<16xi1>, vector<16xf32>, vector<16xf32>)
        %rev3A_2289 = arith.constant 15 : i32
        %rev3A_2290 = vector.broadcast %rev3A_2289 : i32 to vector<16xi32>
        %rev3A_2291 = tpu.iota {dimensions = array<i32: 0>} : vector<16xi32>
        %rev3A_2292 = arith.subi %rev3A_2290, %rev3A_2291 : vector<16xi32>
        %rev3A_2293 = tpu.dynamic_gather %sort3A_2263[%rev3A_2292] in [0] : vector<16xf32>, vector<16xi32> -> vector<16xf32>
        %max3A_2294 = arith.maximumf %sort3A_2259, %rev3A_2293 : vector<16xf32>
        %sort3A_2295 = arith.constant dense<true> : vector<16xi1>
        %sort3A_2296, %sort3A_2297, %sort3A_2298 = tpu.sort %max3A_2294, %max3A_2294 masked %sort3A_2295 : (vector<16xf32>, vector<16xf32>, vector<16xi1>) -> (vector<16xi1>, vector<16xf32>, vector<16xf32>)
        %rev3A_2299 = arith.constant 15 : i32
        %rev3A_2300 = vector.broadcast %rev3A_2299 : i32 to vector<16xi32>
        %rev3A_2301 = tpu.iota {dimensions = array<i32: 0>} : vector<16xi32>
        %rev3A_2302 = arith.subi %rev3A_2300, %rev3A_2301 : vector<16xi32>
        %rev3A_2303 = tpu.dynamic_gather %sort3A_2271[%rev3A_2302] in [0] : vector<16xf32>, vector<16xi32> -> vector<16xf32>
        %max3A_2304 = arith.maximumf %sort3A_2267, %rev3A_2303 : vector<16xf32>
        %sort3A_2305 = arith.constant dense<true> : vector<16xi1>
        %sort3A_2306, %sort3A_2307, %sort3A_2308 = tpu.sort %max3A_2304, %max3A_2304 masked %sort3A_2305 : (vector<16xf32>, vector<16xf32>, vector<16xi1>) -> (vector<16xi1>, vector<16xf32>, vector<16xf32>)
        %rev3A_2309 = arith.constant 15 : i32
        %rev3A_2310 = vector.broadcast %rev3A_2309 : i32 to vector<16xi32>
        %rev3A_2311 = tpu.iota {dimensions = array<i32: 0>} : vector<16xi32>
        %rev3A_2312 = arith.subi %rev3A_2310, %rev3A_2311 : vector<16xi32>
        %rev3A_2313 = tpu.dynamic_gather %sort3A_2307[%rev3A_2312] in [0] : vector<16xf32>, vector<16xi32> -> vector<16xf32>
        %max3A_2314 = arith.maximumf %sort3A_2297, %rev3A_2313 : vector<16xf32>
        %sort3A_2315 = arith.constant dense<true> : vector<16xi1>
        %sort3A_2316, %sort3A_2317, %sort3A_2318 = tpu.sort %max3A_2314, %max3A_2314 masked %sort3A_2315 : (vector<16xf32>, vector<16xf32>, vector<16xi1>) -> (vector<16xi1>, vector<16xf32>, vector<16xf32>)
        %rev3A_2319 = arith.constant 15 : i32
        %rev3A_2320 = vector.broadcast %rev3A_2319 : i32 to vector<16xi32>
        %rev3A_2321 = tpu.iota {dimensions = array<i32: 0>} : vector<16xi32>
        %rev3A_2322 = arith.subi %rev3A_2320, %rev3A_2321 : vector<16xi32>
        %rev3A_2323 = tpu.dynamic_gather %sort3A_2279[%rev3A_2322] in [0] : vector<16xf32>, vector<16xi32> -> vector<16xf32>
        %max3A_2324 = arith.maximumf %sort3A_2275, %rev3A_2323 : vector<16xf32>
        %sort3A_2325 = arith.constant dense<true> : vector<16xi1>
        %sort3A_2326, %sort3A_2327, %sort3A_2328 = tpu.sort %max3A_2324, %max3A_2324 masked %sort3A_2325 : (vector<16xf32>, vector<16xf32>, vector<16xi1>) -> (vector<16xi1>, vector<16xf32>, vector<16xf32>)
        %rev3A_2329 = arith.constant 15 : i32
        %rev3A_2330 = vector.broadcast %rev3A_2329 : i32 to vector<16xi32>
        %rev3A_2331 = tpu.iota {dimensions = array<i32: 0>} : vector<16xi32>
        %rev3A_2332 = arith.subi %rev3A_2330, %rev3A_2331 : vector<16xi32>
        %rev3A_2333 = tpu.dynamic_gather %sort3A_2287[%rev3A_2332] in [0] : vector<16xf32>, vector<16xi32> -> vector<16xf32>
        %max3A_2334 = arith.maximumf %sort3A_2283, %rev3A_2333 : vector<16xf32>
        %sort3A_2335 = arith.constant dense<true> : vector<16xi1>
        %sort3A_2336, %sort3A_2337, %sort3A_2338 = tpu.sort %max3A_2334, %max3A_2334 masked %sort3A_2335 : (vector<16xf32>, vector<16xf32>, vector<16xi1>) -> (vector<16xi1>, vector<16xf32>, vector<16xf32>)
        %rev3A_2339 = arith.constant 15 : i32
        %rev3A_2340 = vector.broadcast %rev3A_2339 : i32 to vector<16xi32>
        %rev3A_2341 = tpu.iota {dimensions = array<i32: 0>} : vector<16xi32>
        %rev3A_2342 = arith.subi %rev3A_2340, %rev3A_2341 : vector<16xi32>
        %rev3A_2343 = tpu.dynamic_gather %sort3A_2337[%rev3A_2342] in [0] : vector<16xf32>, vector<16xi32> -> vector<16xf32>
        %max3A_2344 = arith.maximumf %sort3A_2327, %rev3A_2343 : vector<16xf32>
        %sort3A_2345 = arith.constant dense<true> : vector<16xi1>
        %sort3A_2346, %sort3A_2347, %sort3A_2348 = tpu.sort %max3A_2344, %max3A_2344 masked %sort3A_2345 : (vector<16xf32>, vector<16xf32>, vector<16xi1>) -> (vector<16xi1>, vector<16xf32>, vector<16xf32>)
        %rev3A_2349 = arith.constant 15 : i32
        %rev3A_2350 = vector.broadcast %rev3A_2349 : i32 to vector<16xi32>
        %rev3A_2351 = tpu.iota {dimensions = array<i32: 0>} : vector<16xi32>
        %rev3A_2352 = arith.subi %rev3A_2350, %rev3A_2351 : vector<16xi32>
        %rev3A_2353 = tpu.dynamic_gather %sort3A_2347[%rev3A_2352] in [0] : vector<16xf32>, vector<16xi32> -> vector<16xf32>
        %max3A_2354 = arith.maximumf %sort3A_2317, %rev3A_2353 : vector<16xf32>
        %sort3A_2355 = arith.constant dense<true> : vector<16xi1>
        %sort3A_2356, %sort3A_2357, %sort3A_2358 = tpu.sort %max3A_2354, %max3A_2354 masked %sort3A_2355 : (vector<16xf32>, vector<16xf32>, vector<16xi1>) -> (vector<16xi1>, vector<16xf32>, vector<16xf32>)
        %ge3A_2359 = arith.constant 8 : i32
        %ge3A_2360 = vector.broadcast %ge3A_2359 : i32 to vector<16xi32>
        %ge3A_2361 = arith.cmpi sge, %iota3A, %ge3A_2360 : vector<16xi32>
        %jit3A_2362 = arith.constant 0.000000e+00 : f32
        %broadcast_in_dim3A_2363 = vector.broadcast %jit3A_2362 : f32 to vector<16xf32>
        %select_n3A_2364 = arith.select %ge3A_2361, %sort3A_2357, %broadcast_in_dim3A_2363 : vector<16xi1>, vector<16xf32>
        %broadcast_in_dim3A_2365 = arith.constant true
        %broadcast_in_dim3A_2366 = vector.broadcast %broadcast_in_dim3A_2365 : i1 to vector<16xi1>
        %masked_cumsum3A_2367 = tpu.scan <sum>, %select_n3A_2364 masked %broadcast_in_dim3A_2366 : vector<16xf32>, vector<16xi1> -> vector<16xf32>
        %eq3A_2368 = arith.constant 0 : i32
        %eq3A_2369 = vector.broadcast %eq3A_2368 : i32 to vector<16xi32>
        %eq3A_2370 = arith.cmpi eq, %iota3A, %eq3A_2369 : vector<16xi32>
        %rev3A_2371 = arith.constant 15 : i32
        %rev3A_2372 = vector.broadcast %rev3A_2371 : i32 to vector<16xi32>
        %rev3A_2373 = tpu.iota {dimensions = array<i32: 0>} : vector<16xi32>
        %rev3A_2374 = arith.subi %rev3A_2372, %rev3A_2373 : vector<16xi32>
        %rev3A_2375 = tpu.dynamic_gather %masked_cumsum3A_2367[%rev3A_2374] in [0] : vector<16xf32>, vector<16xi32> -> vector<16xf32>
        %jit3A_2376 = arith.constant 0.000000e+00 : f32
        %broadcast_in_dim3A_2377 = vector.broadcast %jit3A_2376 : f32 to vector<16xf32>
        %select_n3A_2378 = arith.select %eq3A_2370, %rev3A_2375, %broadcast_in_dim3A_2377 : vector<16xi1>, vector<16xf32>
        %broadcast_in_dim3A_2379 = arith.constant true
        %broadcast_in_dim3A_2380 = vector.broadcast %broadcast_in_dim3A_2379 : i1 to vector<16xi1>
        %masked_cumsum3A_2381 = tpu.scan <sum>, %select_n3A_2378 masked %broadcast_in_dim3A_2380 : vector<16xf32>, vector<16xi1> -> vector<16xf32>
        %broadcast_in_dim3A_2382 = arith.constant true
        %broadcast_in_dim3A_2383 = vector.broadcast %broadcast_in_dim3A_2382 : i1 to vector<16xi1>
        %masked_cumsum3A_2384 = tpu.scan <sum>, %add3A_2076 masked %broadcast_in_dim3A_2383 : vector<16xf32>, vector<16xi1> -> vector<16xf32>
        %eq3A_2385 = arith.constant 0 : i32
        %eq3A_2386 = vector.broadcast %eq3A_2385 : i32 to vector<16xi32>
        %eq3A_2387 = arith.cmpi eq, %iota3A, %eq3A_2386 : vector<16xi32>
        %rev3A_2388 = arith.constant 15 : i32
        %rev3A_2389 = vector.broadcast %rev3A_2388 : i32 to vector<16xi32>
        %rev3A_2390 = tpu.iota {dimensions = array<i32: 0>} : vector<16xi32>
        %rev3A_2391 = arith.subi %rev3A_2389, %rev3A_2390 : vector<16xi32>
        %rev3A_2392 = tpu.dynamic_gather %masked_cumsum3A_2384[%rev3A_2391] in [0] : vector<16xf32>, vector<16xi32> -> vector<16xf32>
        %jit3A_2393 = arith.constant 0.000000e+00 : f32
        %broadcast_in_dim3A_2394 = vector.broadcast %jit3A_2393 : f32 to vector<16xf32>
        %select_n3A_2395 = arith.select %eq3A_2387, %rev3A_2392, %broadcast_in_dim3A_2394 : vector<16xi1>, vector<16xf32>
        %broadcast_in_dim3A_2396 = arith.constant true
        %broadcast_in_dim3A_2397 = vector.broadcast %broadcast_in_dim3A_2396 : i1 to vector<16xi1>
        %masked_cumsum3A_2398 = tpu.scan <sum>, %select_n3A_2395 masked %broadcast_in_dim3A_2397 : vector<16xf32>, vector<16xi1> -> vector<16xf32>
        %mul3A_2399 = arith.constant 9.765625E-4 : f32
        %mul3A_2400 = vector.broadcast %mul3A_2399 : f32 to vector<16xf32>
        %mul3A_2401 = arith.mulf %masked_cumsum3A_2398, %mul3A_2400 : vector<16xf32>
        %mul3A_2402 = arith.constant 8 : i32
        %mul3A_2403 = arith.muli %mul3A_2402, %select_n3A_105 : i32
        %add3A_2404 = arith.addi %mul3A_2403, %add3A_1302 : i32
        %rem3A_2405 = arith.constant 16 : i32
        %rem3A_2406 = arith.remsi %add3A_2404, %rem3A_2405 : i32
        %eq3A_2407 = vector.broadcast %rem3A_2406 : i32 to vector<16xi32>
        %eq3A_2408 = arith.cmpi eq, %iota3A, %eq3A_2407 : vector<16xi32>
        %select_n3A_2409 = arith.select %eq3A_2408, %masked_cumsum3A_2381, %select_n3A_1295 : vector<16xi1>, vector<16xf32>
        %eq3A_2410 = vector.broadcast %rem3A_2406 : i32 to vector<16xi32>
        %eq3A_2411 = arith.cmpi eq, %iota3A, %eq3A_2410 : vector<16xi32>
        %select_n3A_2412 = arith.select %eq3A_2411, %mul3A_2401, %select_n3A_1298 : vector<16xi1>, vector<16xf32>
        scf.yield %select_n3A_2409, %select_n3A_2412 : vector<16xf32>, vector<16xf32>
      }
      %scan3A_174 = arith.constant 4 : i32
      %rem3A_175 = arith.constant 2 : i32
      %rem3A_176 = arith.remsi %select_n3A_105, %rem3A_175 : i32
      %eq3A_177 = arith.constant 1 : i32
      %eq3A_178 = arith.cmpi eq, %rem3A_176, %eq3A_177 : i32
      %eq3A_179 = arith.constant 6 : i32
      %eq3A_180 = arith.cmpi eq, %select_n3A_105, %eq3A_179 : i32
      %or3A = arith.ori %eq3A_178, %eq3A_180 : i1
      %convert_element_type3A_181 = arith.extui %or3A : i1 to i32
      %cond3A_182 = arith.constant 0 : i32
      %cond3A_183 = arith.cmpi ne, %convert_element_type3A_181, %cond3A_182 : i32
      scf.if %cond3A_183 {
        %jit3A_189 = arith.constant 2 : i32
        %div3A_190 = arith.divsi %select_n3A_105, %jit3A_189 : i32
        %sign3A_191 = arith.constant 0 : i32
        %sign3A_192 = arith.cmpi sgt, %select_n3A_105, %sign3A_191 : i32
        %sign3A_193 = arith.extui %sign3A_192 : i1 to i32
        %sign3A_194 = arith.constant 0 : i32
        %sign3A_195 = arith.cmpi slt, %select_n3A_105, %sign3A_194 : i32
        %sign3A_196 = arith.extui %sign3A_195 : i1 to i32
        %sign3A_197 = arith.subi %sign3A_193, %sign3A_196 : i32
        %sign3A_198 = arith.constant 0 : i32
        %sign3A_199 = arith.cmpi sgt, %jit3A_189, %sign3A_198 : i32
        %sign3A_200 = arith.extui %sign3A_199 : i1 to i32
        %sign3A_201 = arith.constant 0 : i32
        %sign3A_202 = arith.cmpi slt, %jit3A_189, %sign3A_201 : i32
        %sign3A_203 = arith.extui %sign3A_202 : i1 to i32
        %sign3A_204 = arith.subi %sign3A_200, %sign3A_203 : i32
        %ne3A_205 = arith.cmpi ne, %sign3A_197, %sign3A_204 : i32
        %rem3A_206 = arith.remsi %select_n3A_105, %jit3A_189 : i32
        %ne3A_207 = arith.constant 0 : i32
        %ne3A_208 = arith.cmpi ne, %rem3A_206, %ne3A_207 : i32
        %and3A_209 = arith.andi %ne3A_205, %ne3A_208 : i1
        %sub3A_210 = arith.constant 1 : i32
        %sub3A_211 = arith.subi %div3A_190, %sub3A_210 : i32
        %select_n3A_212 = arith.select %and3A_209, %sub3A_211, %div3A_190 : i32
        %mul3A_213 = arith.constant 16 : i32
        %mul3A_214 = arith.muli %select_n3A_212, %mul3A_213 : i32
        %swap3A = arith.constant 0 : i32
        %swap3A_215 = arith.index_cast %swap3A : i32 to index
        %swap3A_216 = arith.index_cast %mul3A_214 : i32 to index
        %swap3A_217 = tpu.vector_load %arg6[%swap3A_215, %swap3A_216] {strides = array<i32>} : memref<8x64xf32, #tpu.memory_space<vmem>>, vector<16xf32>,
        tpu.vector_store %arg6[%swap3A_215, %swap3A_216], %scan3A_173#0 {strides = array<i32>} : memref<8x64xf32, #tpu.memory_space<vmem>>, vector<16xf32>,
        %swap3A_218 = arith.constant 0 : i32
        %swap3A_219 = arith.index_cast %swap3A_218 : i32 to index
        %swap3A_220 = arith.index_cast %mul3A_214 : i32 to index
        %swap3A_221 = tpu.vector_load %arg7[%swap3A_219, %swap3A_220] {strides = array<i32>} : memref<8x64xf32, #tpu.memory_space<vmem>>, vector<16xf32>,
        tpu.vector_store %arg7[%swap3A_219, %swap3A_220], %scan3A_173#1 {strides = array<i32>} : memref<8x64xf32, #tpu.memory_space<vmem>>, vector<16xf32>,
      } else {
      }
      %eq3A_184 = arith.constant 6 : i32
      %eq3A_185 = arith.cmpi eq, %select_n3A_105, %eq3A_184 : i32
      %convert_element_type3A_186 = arith.extui %eq3A_185 : i1 to i32
      %cond3A_187 = arith.constant 0 : i32
      %cond3A_188 = arith.cmpi ne, %convert_element_type3A_186, %cond3A_187 : i32
      scf.if %cond3A_188 {
        "tpu.region"() ({
          %run_scoped3A = tpu.sem_alloc : memref<!tpu.dma_semaphore, #tpu.memory_space<semaphore_mem>>
          %dma_start3A_189 = arith.constant 0 : i32
          %dma_start3A_190 = arith.constant 0 : i32
          %dma_start3A_191 = tpu.memref_slice %arg3[%select_n3A_129, %select_n3A_145, %dma_start3A_189, %dma_start3A_190] : memref<4x56x8x64xf32, #tpu.memory_space<hbm>> -> memref<1x1x8x64xf32, #tpu.memory_space<hbm>>
          %dma_start3A_192 = tpu.memref_squeeze %dma_start3A_191 : memref<1x1x8x64xf32, #tpu.memory_space<hbm>> -> memref<8x64xf32, #tpu.memory_space<hbm>>
          %dma_start3A_193 = arith.constant 0 : i32
          %dma_start3A_194 = arith.constant 0 : i32
          %dma_start3A_195 = tpu.memref_slice %arg3[%select_n3A_129, %select_n3A_145, %dma_start3A_193, %dma_start3A_194] : memref<4x56x8x64xf32, #tpu.memory_space<hbm>> -> memref<1x1x8x64xf32, #tpu.memory_space<hbm>>
          %dma_start3A_196 = tpu.memref_squeeze %dma_start3A_195 : memref<1x1x8x64xf32, #tpu.memory_space<hbm>> -> memref<8x64xf32, #tpu.memory_space<hbm>>
          tpu.enqueue_dma source(%arg6 : memref<8x64xf32, #tpu.memory_space<vmem>>) target(%dma_start3A_196 : memref<8x64xf32, #tpu.memory_space<hbm>>) target_semaphore(%run_scoped3A : memref<!tpu.dma_semaphore, #tpu.memory_space<semaphore_mem>>)
          %dma_wait3A_197 = arith.constant 0 : i32
          %dma_wait3A_198 = arith.constant 0 : i32
          %dma_wait3A_199 = tpu.memref_slice %arg3[%select_n3A_129, %select_n3A_145, %dma_wait3A_197, %dma_wait3A_198] : memref<4x56x8x64xf32, #tpu.memory_space<hbm>> -> memref<1x1x8x64xf32, #tpu.memory_space<hbm>>
          %dma_wait3A_200 = tpu.memref_squeeze %dma_wait3A_199 : memref<1x1x8x64xf32, #tpu.memory_space<hbm>> -> memref<8x64xf32, #tpu.memory_space<hbm>>
          %dma_wait3A_201 = arith.constant 0 : i32
          %dma_wait3A_202 = arith.constant 0 : i32
          %dma_wait3A_203 = tpu.memref_slice %arg3[%select_n3A_129, %select_n3A_145, %dma_wait3A_201, %dma_wait3A_202] : memref<4x56x8x64xf32, #tpu.memory_space<hbm>> -> memref<1x1x8x64xf32, #tpu.memory_space<hbm>>
          %dma_wait3A_204 = tpu.memref_squeeze %dma_wait3A_203 : memref<1x1x8x64xf32, #tpu.memory_space<hbm>> -> memref<8x64xf32, #tpu.memory_space<hbm>>
          tpu.wait_dma2 semaphore(%run_scoped3A : memref<!tpu.dma_semaphore, #tpu.memory_space<semaphore_mem>>) src(%arg6 : memref<8x64xf32, #tpu.memory_space<vmem>>) dst(%dma_wait3A_204 : memref<8x64xf32, #tpu.memory_space<hbm>>)
          tpu.yield
        }) : () -> ()
        "tpu.region"() ({
          %run_scoped3A = tpu.sem_alloc : memref<!tpu.dma_semaphore, #tpu.memory_space<semaphore_mem>>
          %dma_start3A_189 = arith.constant 0 : i32
          %dma_start3A_190 = arith.constant 0 : i32
          %dma_start3A_191 = tpu.memref_slice %arg4[%select_n3A_129, %select_n3A_145, %dma_start3A_189, %dma_start3A_190] : memref<4x56x8x64xf32, #tpu.memory_space<hbm>> -> memref<1x1x8x64xf32, #tpu.memory_space<hbm>>
          %dma_start3A_192 = tpu.memref_squeeze %dma_start3A_191 : memref<1x1x8x64xf32, #tpu.memory_space<hbm>> -> memref<8x64xf32, #tpu.memory_space<hbm>>
          %dma_start3A_193 = arith.constant 0 : i32
          %dma_start3A_194 = arith.constant 0 : i32
          %dma_start3A_195 = tpu.memref_slice %arg4[%select_n3A_129, %select_n3A_145, %dma_start3A_193, %dma_start3A_194] : memref<4x56x8x64xf32, #tpu.memory_space<hbm>> -> memref<1x1x8x64xf32, #tpu.memory_space<hbm>>
          %dma_start3A_196 = tpu.memref_squeeze %dma_start3A_195 : memref<1x1x8x64xf32, #tpu.memory_space<hbm>> -> memref<8x64xf32, #tpu.memory_space<hbm>>
          tpu.enqueue_dma source(%arg7 : memref<8x64xf32, #tpu.memory_space<vmem>>) target(%dma_start3A_196 : memref<8x64xf32, #tpu.memory_space<hbm>>) target_semaphore(%run_scoped3A : memref<!tpu.dma_semaphore, #tpu.memory_space<semaphore_mem>>)
          %dma_wait3A_197 = arith.constant 0 : i32
          %dma_wait3A_198 = arith.constant 0 : i32
          %dma_wait3A_199 = tpu.memref_slice %arg4[%select_n3A_129, %select_n3A_145, %dma_wait3A_197, %dma_wait3A_198] : memref<4x56x8x64xf32, #tpu.memory_space<hbm>> -> memref<1x1x8x64xf32, #tpu.memory_space<hbm>>
          %dma_wait3A_200 = tpu.memref_squeeze %dma_wait3A_199 : memref<1x1x8x64xf32, #tpu.memory_space<hbm>> -> memref<8x64xf32, #tpu.memory_space<hbm>>
          %dma_wait3A_201 = arith.constant 0 : i32
          %dma_wait3A_202 = arith.constant 0 : i32
          %dma_wait3A_203 = tpu.memref_slice %arg4[%select_n3A_129, %select_n3A_145, %dma_wait3A_201, %dma_wait3A_202] : memref<4x56x8x64xf32, #tpu.memory_space<hbm>> -> memref<1x1x8x64xf32, #tpu.memory_space<hbm>>
          %dma_wait3A_204 = tpu.memref_squeeze %dma_wait3A_203 : memref<1x1x8x64xf32, #tpu.memory_space<hbm>> -> memref<8x64xf32, #tpu.memory_space<hbm>>
          tpu.wait_dma2 semaphore(%run_scoped3A : memref<!tpu.dma_semaphore, #tpu.memory_space<semaphore_mem>>) src(%arg7 : memref<8x64xf32, #tpu.memory_space<vmem>>) dst(%dma_wait3A_204 : memref<8x64xf32, #tpu.memory_space<hbm>>)
          tpu.yield
        }) : () -> ()
      } else {
      }
      scf.yield %scan3A_173#0, %scan3A_173#1 : vector<16xf32>, vector<16xf32>
    }
    %scan3A_57 = arith.constant 49 : i32
    return
  }
}

</mosaic_0001>

<sc_bundles>
// kernel: kernel.3.cloned.1.call-start
scs
__scs_entry_jumppad:
0x0: {  	(pc) =	sbr.rel $0x88, $3  }
0x1: {  	(tag) =	ssettag $0x0;
	lr =	simm.s32 $0x1  }
0x2: {  	[smem:$0x3FA0] =	sst lr;
	_ =	strace $0xD0000000  }
0x3: {  	_ = 	snop  }
0x4: {  	_ = 	snop  }
0x5: {  	_ = 	snop  }
0x6: {  	_ = 	snop  }
0x7: {  	_ = 	snop  }
__scs_overlays_trampoline_lowered:
0x8: {  	[smem:$0x3FAF] =	sst s0  }
0x9: {  	[smem:$0x3FB0] =	sst s1  }
0xa: {  	[smem:$0x3FB1] =	sst s2  }
0xb: {  	[smem:$0x3FB2] =	sst s3  }
0xc: {  	[smem:$0x3FB3] =	sst s4  }
0xd: {  	[smem:$0x3FB4] =	sst s5  }
0xe: {  	[smem:$0x3FB5] =	sst s6  }
0xf: {  	[smem:$0x3FB6] =	sst s7  }
0x10: {  	[smem:$0x3FB7] =	sst s8  }
0x11: {  	[smem:$0x3FB8] =	sst s9;
	s0 =	simm.s32 @!p0 $0x0  }
0x12: {  	s1 =	sld [smem:$0x3F9E];
	s0 =	simm.s32 @p0 $0x1  }
0x13: {  	[smem:$0x3FB9] =	sst s0;
	s0 =	simm.s32 @!p1 $0x0  }
0x14: {  	s2 =	sld [smem:$0x3F9D];
	s0 =	simm.s32 @p1 $0x1  }
0x15: {  	[smem:$0x3FBA] =	sst s0;
	s0 =	simm.s32 @!p2 $0x0  }
0x16: {  	s3 =	sld [smem:$0x3FDB];
	s0 =	simm.s32 @p2 $0x1  }
0x17: {  	s4 =	simm.s32 $0x1BF5;
	[smem:$0x3FBC] =	sst s0  }
0x18: {  	s0 =	sld [smem:$0x3F9F];
	_ =	swait.ge [sflag:s4], $0x0  }
0x19: {  	s7 =	sld [smem:$0x3FA0]  }
0x1a: {  	s8 =	sadd.s32 $0xFFFFE003, lr  }
0x1b: {  	s9 =	sadd.s32 $0xFFFFFEF7, lr;
	s5 =	simm.s32 $0xFFFFFFFF;
	p2 =	slt.u32 s8, $0xFFFFF086  }
0x1c: {  	p1 =	slt.u32 s9, $0xF7A;
	s5 =	simm.s32 @!p2 $0x0  }
0x1d: {  	s5 =	simm.s32 @p1 $0x1;
	p0 =	seq.s32 s7, s2  }
0x1e: {  	s7 =	smul.u32 @!p0 $0xF7A, s2;
	p2 =	seq.s32 @!p0 s5, $0x0  }
0x1f: {  	s9 =	smul.u32 $0xF7A, s1;
	s8 =	simm.s32 @!p0 $0x1BF5;
	p2 =	por !p2, p0  }
0x20: {  	[sflag:s8] =	ssyncset.s32 @!p0 $0xFFFFF086;
	s6 =	sadd.s32 @!p0 s3, s7;
	s7 =	simm.s32 @!p0 $0x108  }
0x21: {  	s3 =	sadd.s32 s3, s9;
	s6 =	sadd.s32 @!p0 $0x88, s6;
	s7 =	simm.s32 @p2 $0x1082  }
0x22: {  	[simem:s7], [sflag:s8] =	dma.local @!p0 [hbm:s6], $0xF7A  }
0x23: {  	s9 =	sor.u32 $0xD0000000, s2;
	s6 =	simm.s32 $0x108;
	_ =	swait.ge @!p0 [sflag:s8], $0x0  }
0x24: {  	s3 =	sadd.s32 $0x88, s3;
	s6 =	simm.s32 @!p1 $0x1082;
	[sflag:s4] =	ssyncset.s32 $0xFFFFF086  }
0x25: {  	[simem:s6], [sflag:s4] =	dma.local [hbm:s3], $0xF7A  }
0x26: {  	[smem:$0x3FA0] =	sst s1;
	(tag) =	ssettag s2;
	_ =	strace s9  }
0x27: {  	s1 =	sld [smem:$0x3FB0]  }
0x28: {  	s2 =	sld [smem:$0x3FB1]  }
0x29: {  	s4 =	sld [smem:$0x3FB3]  }
0x2a: {  	p0 =	seq.s32 s5, $0x0;
	s5 =	sld [smem:$0x3FB4]  }
0x2b: {  	s6 =	sld [smem:$0x3FB5]  }
0x2c: {  	s7 =	sld [smem:$0x3FB6]  }
0x2d: {  	s3 =	simm.s32 $0x108;
	s8 =	sld [smem:$0x3FB7]  }
0x2e: {  	s3 =	simm.s32 @!p0 $0x1082;
	s9 =	sld [smem:$0x3FB8]  }
0x2f: {  	lr =	sadd.s32 s0, s3;
	s0 =	sld [smem:$0x3FAF]  }
0x30: {  	s3 =	sld [smem:$0x3FB2]  }
0x31: {  	[smem:$0x3FBB] =	sst s10  }
0x32: {  	s10 =	sld [smem:$0x3FB9];
	_ =	sdelay $0x3  }
0x33: {  	p0 =	seq.s32 s10, $0x1;
	s10 =	sld [smem:$0x3FBB];
	_ =	sdelay $0x3  }
0x34: {  	[smem:$0x3FBB] =	sst s10  }
0x35: {  	s10 =	sld [smem:$0x3FBA];
	_ =	sdelay $0x3  }
0x36: {  	p1 =	seq.s32 s10, $0x1;
	s10 =	sld [smem:$0x3FBB];
	_ =	sdelay $0x3  }
0x37: {  	[smem:$0x3FBB] =	sst s10  }
0x38: {  	s10 =	sld [smem:$0x3FBC]  }
0x39: {  	_ = 	snop;
	(pc) =	sbr.ind lr, $3  }
0x3a: {  	_ = 	snop  }
0x3b: {  	_ = 	snop  }
0x3c: {  	p2 =	seq.s32 s10, $0x1;
	s10 =	sld [smem:$0x3FBB]  }
0x3d: {  	_ =	shalt  }
0x3e: {  	_ =	shalt  }
0x3f: {  	_ =	shalt  }
0x40: {  	_ =	shalt  }
0x41: {  	_ =	shalt  }
0x42: {  	_ =	shalt  }
0x43: {  	_ =	shalt  }
0x44: {  	_ =	shalt  }
0x45: {  	_ =	shalt  }
0x46: {  	_ =	shalt  }
0x47: {  	_ =	shalt  }
0x48: {  	_ =	shalt  }
0x49: {  	_ =	shalt  }
0x4a: {  	_ =	shalt  }
0x4b: {  	_ =	shalt  }
0x4c: {  	_ =	shalt  }
0x4d: {  	_ =	shalt  }
0x4e: {  	_ =	shalt  }
0x4f: {  	_ =	shalt  }
0x50: {  	_ =	shalt  }
0x51: {  	_ =	shalt  }
0x52: {  	_ =	shalt  }
0x53: {  	_ =	shalt  }
0x54: {  	_ =	shalt  }
0x55: {  	_ =	shalt  }
0x56: {  	_ =	shalt  }
0x57: {  	_ =	shalt  }
0x58: {  	_ =	shalt  }
0x59: {  	_ =	shalt  }
0x5a: {  	_ =	shalt  }
0x5b: {  	_ =	shalt  }
0x5c: {  	_ =	shalt  }
0x5d: {  	_ =	shalt  }
0x5e: {  	_ =	shalt  }
0x5f: {  	_ =	shalt  }
0x60: {  	_ =	shalt  }
0x61: {  	_ =	shalt  }
0x62: {  	_ =	shalt  }
0x63: {  	_ =	shalt  }
0x64: {  	_ =	shalt  }
0x65: {  	_ =	shalt  }
0x66: {  	_ =	shalt  }
0x67: {  	_ =	shalt  }
0x68: {  	_ =	shalt  }
0x69: {  	_ =	shalt  }
0x6a: {  	_ =	shalt  }
0x6b: {  	_ =	shalt  }
0x6c: {  	_ =	shalt  }
0x6d: {  	_ =	shalt  }
0x6e: {  	_ =	shalt  }
0x6f: {  	_ =	shalt  }
0x70: {  	_ =	shalt  }
0x71: {  	_ =	shalt  }
0x72: {  	_ =	shalt  }
0x73: {  	_ =	shalt  }
0x74: {  	_ =	shalt  }
0x75: {  	_ =	shalt  }
0x76: {  	_ =	shalt  }
0x77: {  	_ =	shalt  }
0x78: {  	_ =	shalt  }
0x79: {  	_ =	shalt  }
0x7a: {  	_ =	shalt  }
0x7b: {  	_ =	shalt  }
0x7c: {  	_ =	shalt  }
0x7d: {  	_ =	shalt  }
0x7e: {  	_ =	shalt  }
0x7f: {  	_ =	shalt  }
0x80: {  	_ =	shalt  }
0x81: {  	_ =	shalt  }
0x82: {  	_ =	shalt  }
0x83: {  	_ =	shalt  }
0x84: {  	_ =	shalt  }
0x85: {  	_ =	shalt  }
0x86: {  	_ =	shalt  }
0x87: {  	_ =	shalt  }
.Lfunc_end0:
.L_simem_size_0:
called_computation_lowered:
.L_overlay_start_0:
0x88: {  	s2 =	sld [smem:$0x3FD9]  }
0x89: {  	s3 =	sld [smem:$0x3FFE];
	_ =	sdelay $0x1  }
0x8a: {  	s1 =	srdreg.scid  }
0x8b: {  	s0 =	sand.u32 $0x1, s1  }
0x8c: {  	s17 =	sshll.u32 s0, $0xA;
	s2 =	sadd.s32 s3, s2  }
0x8d: {  	s2 =	sadd.s32 s2, s17  }
0x8e: {  	[smem:$0x3FC7] =	sst s2  }
0x8f: {  	_ = 	snop  }
0x90: {  	s2 =	sld [smem:$0x3FC9];
	(tm) =	ssettm $0x1  }
0x91: {  	s18 =	sld [smem:$0x3FFB];
	_ =	sdelay $0x3  }
0x92: {  	_ =	strace s18  }
0x93: {  	s3 =	sld [smem:$0x3FFC];
	_ =	sdelay $0x3  }
0x94: {  	_ =	strace s3  }
0x95: {  	s3 =	sld [smem:$0x3FFD];
	_ =	sdelay $0x3  }
0x96: {  	_ =	strace s3  }
0x97: {  	_ =	strace $0x8FFFFFFF  }
0x98: {  	s19 =	sld [smem:$0x3FDB];
	_ =	sdelay $0x1  }
0x99: {  	s4 =	simm.s32 $_scs_section_size  }
0x9a: {  	s5 =	simm.s32 $_size__tile_overlayer_lowered;
	s6 =	simm.s32 $_tile_overlayer_lowered  }
0x9b: {  	s22 =	simm.s32 $0x1BFF;
	s21 =	sshll.u32 s6, $0x1;
	s3 =	sadd.s32 s4, s19  }
0x9c: {  	s7 =	simm.s32 $0x0;
	s20 =	sshll.u32 s5, $0x1;
	s5 =	sadd.s32 s21, s3  }
0x9d: {  	[timem:s7], [sflag:s22] =	dma.local [hbm:s5], s20  }
0x9e: {  	_ =	swait.ge [sflag:s22], s20  }
0x9f: {  	s4 =	ssub.s32 $0x0, s20;
	[sflag:s22] =	ssyncset.done $0x0  }
0xa0: {  	[sflag:s22] =	ssyncadd.s32 s4;
	_ =	sdelay $0x1  }
0xa1: {  	s23 =	simm.s32 $0x1B8B  }
0xa2: {  	_ =	swait.ge [sflag:s23], $0x1  }
0xa3: {  	[sflag:s23] =	ssyncset.done $0x0  }
0xa4: {  	s25 =	simm.s32 $0x1B8E;
	s24 =	sld [smem:$0x3FFE];
	[sflag:s23] =	ssyncadd.s32 $0xFFFFFFFF  }
0xa5: {  	s26 =	simm.s32 $execute0_lowered;
	[smem:$0x3FD2] =	sst s25  }
0xa6: {  	s5 =	sshll.u32 s26, $0x1;
	_ =	strace $0x80000046;
	[dreg:$0x1] =	wrdreg $0xFFFFFFFF  }
0xa7: {  	s28 =	simm.s32 $_size_execute0_lowered;
	s3 =	sadd.s32 s3, s5;
	[dreg:$0x0] =	wrdreg $0x0  }
0xa8: {  	s5 =	sshll.u32 s28, $0x1;
	[dreg:$0x2] =	wrdreg s3  }
0xa9: {  	[dreg:$0x3] =	wrdreg s5  }
0xaa: {  	[dreg:$0x4] =	wrdreg $0xC0  }
0xab: {  	_ =	task [dreg:s7], $0x5FFFF  }
0xac: {  	[dreg:$0x1] =	wrdreg $0xFFFFFFFF  }
0xad: {  	[dreg:$0x0] =	wrdreg $0x60  }
0xae: {  	[dreg:$0x2] =	wrdreg s2  }
0xaf: {  	[dreg:$0x3] =	wrdreg s24  }
0xb0: {  	[dreg:$0x4] =	wrdreg $0x9  }
0xb1: {  	_ =	task.clear_ibuf [dreg:s7], $0x5FFFF;
	_ =	strace $0x90000046  }
0xb2: {  	s29 =	simm.s32 $0x9;
	_ =	strace $0x80000048  }
0xb3: {  	_ =	swait.ge [sflag:s29], $0x1  }
0xb4: {  	[sflag:s29] =	ssyncadd.s32 $0xFFFFFFFF  }
0xb5: {  	_ =	strace $0x90000048  }
0xb6: {  	_ =	sfence  }
0xb7: {  	s30 =	sld [smem:$0x0];
	_ =	sdelay $0x2  }
0xb8: {  	s31 =	sshll.u32 s1, $0xD;
	s1 =	sshrl.u32 s1, $0x2  }
0xb9: {  	s3 =	sand.u32 $0x4000, s31;
	s1 =	sadd.s32 s1, s30  }
0xba: {  	s0 =	sor.u32 s3, s0;
	s1 =	sshll.u32 s1, $0x11  }
0xbb: {  	s0 =	sor.u32 s1, s0  }
0xbc: {  	s0 =	sadd.s32 $0x8F2B, s0  }
0xbd: {  	[sflag:s0] =	ssyncadd.remote.s32 $0x1  }
0xbe: {  	_ =	sfence.sel $0xFFFF  }
0xbf: {  	[dreg:$0x0] =	wrdreg $0xFFFFFFFF;
	(pc) =	sbr.abs _section_cstart, $3  }
0xc0: {  	[dreg:$0x1] =	wrdreg $0xFFFFFFFF  }
0xc1: {  	_ =	task.clear_ibuf [dreg:s7], $0x2FFFF;
	_ =	strace $0x9FFFFFFF  }
0xc2: {  	(tm) =	ssettm $0x7FFFFFFF  }
0xc3: {  	_ =	shalt  }
tec
execute0_lowered:
.L_overlay_start_1:
0x0: {  	(tag) =	ssettag $0x1  }
0x1: {  	s2 =	rddreg [dreg:$0x0]  }
0x2: {  	s6 =	rddreg [dreg:$0x1]  }
0x3: {  	s0 =	rddreg [dreg:$0x2]  }
0x4: {  	s4 =	srdreg.scid;
	s1 =	stileid.u32  }
0x5: {  	s3 =	simm.s32 $0x0;
	s10 =	simm.s32 $0x62000;
	s11 =	simm.s32 $0x1  }
0x6: {  	s12 =	simm.s32 $0x0;
	s4 =	sand.u32 $0x1, s4;
	s5 =	sshll.u32 s1, $0x1  }
0x7: {  	v0 =	vlaneseq.u32;
	[smem:$0x7FF] =	sst s3;
	s7 =	ssub.s32 $0x2, s4;
	s4 =	sor.u32 s4, s5  }
0x8: {  	v0 =	vmul.u32 $0xFFFFFFFF, v0;
	_ =	strace $0x80000047;
	s8 =	sshrl.u32 s7, $0x1;
	s9 =	smul.u32 $0x380, s4  }
0x9: {  	s5 =	sadd.s32 $0x800, s6;
	s6 =	sadd.s32 $0x7800, s6;
	s8 =	ssub.s32 s7, s8  }
0xa: {  	vm0 =	vmmov $0xff;
	vm1 =	vmmov $0x1;
	v42 =	vadd.s32 $0xF, v0;
	s7 =	sadd.s32 s2, s9;
	s8 =	smax.u32 s8, $0x1;
	s9 =	simm.s32 $0x400  }
.LBB2_1:
0xb: {  	[tilespmem:s3], [sflag:$0x1] =	stream.strided.gather [hbm4b:s7+s9], $0x4000, s10, s9, $0x38;
	[tilespmem:$0x8800] =	vst v63  }
0xc: {  	v0 =	vimm.f32 $0.0e+00;
	s13 =	simm.s32 $0x0;
	s14 =	simm.s32 $0x0;
	v3 =	vimm.f32 $0.0e+00;
	s15 =	simm.s32 $0x0  }
.LBB2_2:
0xd: {  	p0 =	seq.s32 s15, $0x30  }
0xe: {  	s17 =	sadd.s32 @!p0 $0x1, s15  }
0xf: {  	s16 =	sand.u32 @!p0 $0xFF, s17  }
0x10: {  	s18 =	sand.u32 $0xFF, s15;
	s16 =	smul.u32 @!p0 $0x25, s16  }
0x11: {  	s18 =	smul.u32 $0x25, s18  }
0x12: {  	s16 =	sshrl.u32 @!p0 s16, $0x8  }
0x13: {  	s21 =	sand.u32 $0xFF, s13;
	s18 =	sshrl.u32 s18, $0x8;
	s19 =	ssub.s32 @!p0 s17, s16  }
0x14: {  	s21 =	smul.u32 $0x25, s21;
	s20 =	ssub.s32 s15, s18;
	s19 =	sand.u32 @!p0 $0xFE, s19  }
0x15: {  	s20 =	sand.u32 $0xFE, s20;
	s19 =	sshrl.u32 @!p0 s19, $0x1  }
0x16: {  	s30 =	sshrl.u32 s21, $0x8;
	s20 =	sshrl.u32 s20, $0x1;
	s16 =	sadd.s32 @!p0 s16, s19  }
0x17: {  	s21 =	ssub.s32 s13, s30;
	s18 =	sadd.s32 s18, s20;
	s19 =	sshrl.u32 @!p0 s16, $0x2  }
0x18: {  	s21 =	sshrl.u32 s21, $0x1;
	s18 =	sshrl.u32 s18, $0x2;
	s20 =	sshll.u32 @!p0 s19, $0x5  }
0x19: {  	s22 =	sshll.u32 s18, $0x5;
	s18 =	smul.u32 $0x7, s18;
	s20 =	sor.u32 @!p0 s4, s20  }
0x1a: {  	_ =	swait.ge [sflag:s11], $0x4000;
	s21 =	sadd.s32 s30, s21;
	s23 =	smulhi.u32 @!p0 $0x4924925, s20  }
0x1b: {  	[sflag:s11] =	ssyncset.done $0x0;
	s21 =	sshll.u32 s21, $0x1;
	s19 =	smul.u32 @!p0 $0x7, s19  }
0x1c: {  	s21 =	sand.u32 $0x8, s21;
	s22 =	sor.u32 s4, s22;
	s24 =	smul.u32 @!p0 $0x38, s23  }
0x1d: {  	[sflag:s11] =	ssyncadd.s32 $0xFFFFC000;
	s21 =	sadd.s32 s21, s14;
	s16 =	smulhi.u32 $0x4924925, s22  }
0x1e: {  	s18 =	ssub.s32 s15, s18;
	s19 =	ssub.s32 @!p0 s17, s19;
	s20 =	ssub.s32 @!p0 s20, s24  }
0x1f: {  	s31 =	sshll.u32 s18, $0x3;
	s19 =	sand.u32 @!p0 $0xFF, s19;
	s20 =	smul.u32 @!p0 $0x1C00, s20  }
0x20: {  	s17 =	sand.u32 $0x8, s21;
	s21 =	smul.u32 @!p0 $0x620000, s23;
	s19 =	sshll.u32 @!p0 s19, $0xA  }
0x21: {  	s25 =	smul.u32 $0x38, s16;
	s19 =	sadd.s32 @!p0 s19, s20;
	s20 =	sshll.u32 @!p0 s15, $0xE  }
0x22: {  	s23 =	simm.s32 @!p0 $0x400;
	s19 =	sadd.s32 @!p0 s21, s19;
	s21 =	sand.u32 @!p0 $0x4000, s20  }
0x23: {  	s20 =	sxor.u32 @!p0 $0x4000, s21;
	s19 =	sshrl.u32 @!p0 s19, $0x3;
	s21 =	simm.s32 @p0 $0x0  }
0x24: {  	s24 =	simm.s32 @!p0 $0x62000;
	s19 =	sadd.s32 @!p0 s2, s19;
	s21 =	sadd.s32 $0x2000, s21  }
0x25: {  	[tilespmem:s20], [sflag:$0x1] =	stream.strided.gather @!p0 [hbm4b:s19+s23], $0x4000, s24, s23, $0x38;
	[tilespmem:$0x8800] =	vst v63  }
0x26: {  	s19 =	ssub.s32 s22, s25;
	s20 =	sand.u32 $0xF8, s31;
	s22 =	simm.s32 $0x0  }
.LBB2_3:
0x27: {  	v2 =	vld [tilespmem:s21+$0xFFFFE000]  }
0x28: {  	v1 =	vld [tilespmem:s21+$0xFFFFE400]  }
0x29: {  	v4 =	vld [tilespmem:s21+$0xFFFFE800]  }
0x2a: {  	[tilespmem:$0x1FFE0] =	vst v3;
	v3 =	vld [tilespmem:s21+$0xFFFFEC00]  }
0x2b: {  	v6 =	vld [tilespmem:s21+$0xFFFFF000]  }
0x2c: {  	v5 =	vld [tilespmem:s21+$0xFFFFF400]  }
0x2d: {  	v8 =	vld [tilespmem:s21+$0xFFFFF800]  }
0x2e: {  	v7 =	vld [tilespmem:s21+$0xFFFFFC00]  }
0x2f: {  	v10 =	vld [tilespmem:s21+$0x0]  }
0x30: {  	v11 =	vld [tilespmem:s21+$0x400]  }
0x31: {  	v12 =	vld [tilespmem:s21+$0x800]  }
0x32: {  	v13 =	vld [tilespmem:s21+$0xC00]  }
0x33: {  	[tilespmem:$0x1FFF0] =	vst v0;
	v14 =	vld [tilespmem:s21+$0x1000]  }
0x34: {  	v15 =	vld [tilespmem:s21+$0x1400];
	[tilespmem:$0x1F9E0] =	vst v2  }
0x35: {  	v16 =	vld [tilespmem:s21+$0x1800];
	[tilespmem:$0x1F9D0] =	vst v1  }
0x36: {  	v17 =	vld [tilespmem:s21+$0x1C00];
	[tilespmem:$0x1FA00] =	vst v4  }
0x37: {  	[tilespmem:$0x1F9F0] =	vst v3;
	v0 =	vmax.f32 v2, v1;
	v1 =	vmin.f32 v2, v1;
	v2 =	vmax.f32 v4, v3  }
0x38: {  	[tilespmem:$0x1FA10] =	vst v5;
	v3 =	vmin.f32 v4, v3;
	v4 =	vmax.f32 v6, v5;
	v5 =	vmin.f32 v6, v5  }
0x39: {  	[tilespmem:$0x1FA30] =	vst v7;
	v20 =	vmax.f32 v8, v7;
	v7 =	vmin.f32 v8, v7;
	v29 =	vmax.f32 v10, v11  }
0x3a: {  	v9 =	vmin.f32 v10, v11;
	v30 =	vmax.f32 v12, v13;
	v31 =	vmin.f32 v12, v13  }
0x3b: {  	v61 =	vld [tilespmem:s21+$0xFFFFF010];
	v32 =	vmax.f32 v14, v15;
	v33 =	vmin.f32 v14, v15;
	v34 =	vmax.f32 v16, v17  }
0x3c: {  	v63 =	vld [tilespmem:s21+$0xFFFFF410];
	v35 =	vmin.f32 v16, v17;
	v21 =	vmax.f32 v0, v2;
	v0 =	vmin.f32 v0, v2  }
0x3d: {  	v2 =	vmax.f32 v1, v3;
	v1 =	vmin.f32 v1, v3;
	v3 =	vmax.f32 v4, v20  }
0x3e: {  	v4 =	vmin.f32 v4, v20;
	v22 =	vmax.f32 v5, v7;
	v5 =	vmin.f32 v5, v7  }
0x3f: {  	v36 =	vmax.f32 v29, v30;
	v7 =	vmin.f32 v29, v30;
	v37 =	vmax.f32 v9, v31  }
0x40: {  	[tilespmem:$0x1FA80] =	vst v12;
	v9 =	vmin.f32 v9, v31;
	v38 =	vmax.f32 v32, v34;
	v12 =	vmin.f32 v32, v34  }
0x41: {  	[tilespmem:$0x1FA70] =	vst v13;
	v39 =	vmax.f32 v33, v35;
	v13 =	vmin.f32 v33, v35;
	v29 =	vmin.f32 v61, v63  }
0x42: {  	v23 =	vmax.f32 v2, v0;
	v0 =	vmin.f32 v2, v0;
	v2 =	vmax.f32 v22, v4  }
0x43: {  	v4 =	vmin.f32 v22, v4;
	v24 =	vmax.f32 v21, v3;
	v3 =	vmin.f32 v21, v3  }
0x44: {  	v25 =	vmax.f32 v1, v5;
	v1 =	vmin.f32 v1, v5;
	v40 =	vmax.f32 v37, v7  }
0x45: {  	v7 =	vmin.f32 v37, v7;
	v41 =	vmax.f32 v39, v12;
	v12 =	vmin.f32 v39, v12  }
0x46: {  	[tilespmem:$0x1FA50] =	vst v11;
	v43 =	vmax.f32 v36, v38;
	v11 =	vmin.f32 v36, v38;
	v44 =	vmax.f32 v9, v13  }
0x47: {  	v54 =	vld [tilespmem:s21+$0xFFFFE010];
	v9 =	vmin.f32 v9, v13;
	v5 =	vmax.f32 v23, v2;
	v2 =	vmin.f32 v23, v2  }
0x48: {  	v55 =	vld [tilespmem:s21+$0xFFFFE410];
	v26 =	vmax.f32 v0, v4;
	v0 =	vmin.f32 v0, v4;
	v45 =	vmax.f32 v40, v41  }
0x49: {  	[tilespmem:$0x1FA60] =	vst v10;
	v10 =	vmin.f32 v40, v41;
	v46 =	vmax.f32 v7, v12;
	v7 =	vmin.f32 v7, v12  }
0x4a: {  	[tilespmem:$0x1FA20] =	vst v6;
	v6 =	vmax.f32 v24, v9;
	v1 =	vmax.f32 v1, v43;
	v4 =	vmax.f32 v5, v3  }
0x4b: {  	v58 =	vld [tilespmem:s21+$0xFFFFE810];
	v3 =	vmin.f32 v5, v3;
	v5 =	vmax.f32 v25, v0;
	v0 =	vmin.f32 v25, v0  }
0x4c: {  	v59 =	vld [tilespmem:s21+$0xFFFFEC10];
	v47 =	vmax.f32 v45, v11;
	v11 =	vmin.f32 v45, v11;
	v48 =	vmax.f32 v44, v7  }
0x4d: {  	v7 =	vmin.f32 v44, v7;
	v25 =	vmin.f32 v54, v55;
	v27 =	vmax.f32 v26, v3  }
0x4e: {  	v19 =	vld [tilespmem:s21+$0x10];
	v3 =	vmin.f32 v26, v3;
	v28 =	vmax.f32 v5, v2;
	v2 =	vmin.f32 v5, v2  }
0x4f: {  	v33 =	vld [tilespmem:s21+$0x410];
	v49 =	vmin.f32 v46, v11;
	v50 =	vmax.f32 v48, v10;
	v11 =	vmax.f32 v46, v11  }
0x50: {  	v10 =	vmin.f32 v48, v10;
	v4 =	vmax.f32 v4, v7;
	v0 =	vmax.f32 v0, v47  }
0x51: {  	v26 =	vmax.f32 v58, v59;
	v5 =	vmax.f32 v28, v3;
	v3 =	vmin.f32 v28, v3  }
0x52: {  	v18 =	vld [tilespmem:s21+$0xFFFFFC10];
	v51 =	vmax.f32 v50, v49;
	v52 =	vmin.f32 v50, v49;
	v53 =	vmax.f32 v27, v10  }
0x53: {  	v24 =	vld [tilespmem:s21+$0xFFFFF810];
	v2 =	vmax.f32 v2, v11;
	v27 =	vmin.f32 v58, v59;
	v28 =	vmax.f32 v61, v63  }
0x54: {  	[tilespmem:$0x1FAB0] =	vst v17;
	v49 =	vmax.f32 v19, v33;
	v17 =	vmin.f32 v19, v33;
	v5 =	vmax.f32 v5, v52  }
0x55: {  	v3 =	vmax.f32 v3, v51;
	v57 =	vmax.f32 v4, v2;
	v2 =	vmin.f32 v4, v2  }
0x56: {  	v4 =	vmax.f32 v53, v0;
	v0 =	vmin.f32 v53, v0;
	v34 =	vmax.f32 v25, v27  }
0x57: {  	v9 =	vmin.f32 v25, v27;
	v56 =	vmax.f32 v6, v3;
	v3 =	vmin.f32 v6, v3  }
0x58: {  	v60 =	vmax.f32 v5, v1;
	v1 =	vmin.f32 v5, v1;
	v30 =	vmax.f32 v24, v18  }
0x59: {  	v31 =	vmin.f32 v24, v18;
	v5 =	vmax.f32 v56, v4;
	v4 =	vmin.f32 v56, v4  }
0x5a: {  	v62 =	vmax.f32 v57, v60;
	v6 =	vmin.f32 v57, v60;
	v21 =	vmax.f32 v3, v0  }
0x5b: {  	v22 =	vmin.f32 v3, v0;
	v23 =	vmax.f32 v2, v1;
	v1 =	vmin.f32 v2, v1  }
0x5c: {  	v35 =	vmax.f32 v28, v30;
	v12 =	vmin.f32 v28, v30;
	v36 =	vmax.f32 v29, v31  }
0x5d: {  	v13 =	vmin.f32 v29, v31;
	v0 =	vmax.f32 v5, v62;
	v2 =	vmin.f32 v5, v62  }
0x5e: {  	v3 =	vmax.f32 v4, v6;
	v4 =	vmin.f32 v4, v6;
	v5 =	vmax.f32 v21, v23  }
0x5f: {  	[tilespmem:$0x1FA40] =	vst v8;
	v25 =	vld [tilespmem:s21+$0x1C10];
	v6 =	vmin.f32 v21, v23;
	v7 =	vmax.f32 v22, v1;
	v8 =	vmin.f32 v22, v1  }
0x60: {  	[tilespmem:$0x1FB40] =	vst v24;
	v24 =	vld [tilespmem:s21+$0x1810];
	v1 =	vmax.f32 v54, v55;
	v38 =	vmax.f32 v36, v12;
	v12 =	vmin.f32 v36, v12  }
0x61: {  	v20 =	vld [tilespmem:s21+$0x810];
	v40 =	vmax.f32 v9, v13;
	v32 =	vmax.f32 v1, v26;
	v1 =	vmin.f32 v1, v26  }
0x62: {  	v21 =	vld [tilespmem:s21+$0xC10];
	v9 =	vmin.f32 v9, v13;
	v37 =	vmax.f32 v34, v1;
	v1 =	vmin.f32 v34, v1  }
0x63: {  	v22 =	vld [tilespmem:s21+$0x1010];
	v39 =	vmax.f32 v32, v35;
	v11 =	vmin.f32 v32, v35;
	v41 =	vmax.f32 v37, v38  }
0x64: {  	[tilespmem:$0x1FAE0] =	vst v54;
	v23 =	vld [tilespmem:s21+$0x1410];
	v10 =	vmin.f32 v37, v38;
	v43 =	vmax.f32 v1, v12;
	v1 =	vmin.f32 v1, v12  }
0x65: {  	[tilespmem:$0x1FAD0] =	vst v55;
	v54 =	vmax.f32 v24, v25;
	v55 =	vmin.f32 v24, v25;
	v44 =	vmax.f32 v41, v11  }
0x66: {  	v11 =	vmin.f32 v41, v11;
	v45 =	vmax.f32 v40, v1;
	v1 =	vmin.f32 v40, v1  }
0x67: {  	v46 =	vmax.f32 v43, v11;
	v11 =	vmin.f32 v43, v11;
	v47 =	vmax.f32 v45, v10  }
0x68: {  	[tilespmem:$0x1FA90] =	vst v15;
	v10 =	vmin.f32 v45, v10;
	v50 =	vmax.f32 v20, v21;
	v51 =	vmin.f32 v20, v21  }
0x69: {  	[tilespmem:$0x1FB00] =	vst v58;
	v52 =	vmax.f32 v22, v23;
	v53 =	vmin.f32 v22, v23;
	v48 =	vmax.f32 v47, v11  }
0x6a: {  	[tilespmem:$0x1FAF0] =	vst v59;
	v11 =	vmin.f32 v47, v11;
	v56 =	vmax.f32 v49, v50;
	v15 =	vmin.f32 v49, v50  }
0x6b: {  	[tilespmem:$0x1FB80] =	vst v20;
	v57 =	vmax.f32 v17, v51;
	v17 =	vmin.f32 v17, v51;
	v58 =	vmax.f32 v52, v54  }
0x6c: {  	[tilespmem:$0x1FB70] =	vst v21;
	v20 =	vmin.f32 v52, v54;
	v59 =	vmax.f32 v53, v55;
	v21 =	vmin.f32 v53, v55  }
0x6d: {  	[tilespmem:$0x1FB20] =	vst v61;
	v26 =	vld [tilespmem:s21+$0xFFFFFC20];
	v60 =	vmax.f32 v57, v15;
	v15 =	vmin.f32 v57, v15;
	v61 =	vmax.f32 v59, v20  }
0x6e: {  	[tilespmem:$0x1FB60] =	vst v19;
	v41 =	vld [tilespmem:s21+$0xFFFFE820];
	v20 =	vmin.f32 v59, v20;
	v62 =	vmax.f32 v56, v58;
	v19 =	vmin.f32 v56, v58  }
0x6f: {  	[tilespmem:$0x1FB10] =	vst v63;
	v45 =	vld [tilespmem:s21+$0xFFFFEC20];
	v63 =	vmax.f32 v17, v21;
	v17 =	vmin.f32 v17, v21;
	v27 =	vmax.f32 v60, v61  }
0x70: {  	[tilespmem:$0x1FB30] =	vst v18;
	v47 =	vld [tilespmem:s21+$0xFFFFF020];
	v18 =	vmin.f32 v60, v61;
	v28 =	vmax.f32 v15, v20;
	v15 =	vmin.f32 v15, v20  }
0x71: {  	[tilespmem:$0x1FAA0] =	vst v14;
	v50 =	vld [tilespmem:s21+$0xFFFFF420];
	v14 =	vmax.f32 v39, v17;
	v9 =	vmax.f32 v9, v62;
	v29 =	vmax.f32 v27, v19  }
0x72: {  	v52 =	vld [tilespmem:s21+$0xFFFFF820];
	v19 =	vmin.f32 v27, v19;
	v30 =	vmax.f32 v63, v15;
	v15 =	vmin.f32 v63, v15  }
0x73: {  	v31 =	vmin.f32 v28, v19;
	v32 =	vmax.f32 v30, v18;
	v19 =	vmax.f32 v28, v19  }
0x74: {  	v18 =	vmin.f32 v30, v18;
	v12 =	vmax.f32 v44, v15;
	v1 =	vmax.f32 v1, v29  }
0x75: {  	[tilespmem:$0x1FB50] =	vst v33;
	v54 =	vmax.f32 v41, v45;
	v55 =	vmin.f32 v41, v45;
	v33 =	vmax.f32 v32, v31  }
0x76: {  	v36 =	vld [tilespmem:s21+$0xFFFFE020];
	v34 =	vmin.f32 v32, v31;
	v35 =	vmax.f32 v46, v18;
	v10 =	vmax.f32 v10, v19  }
0x77: {  	v39 =	vld [tilespmem:s21+$0xFFFFE420];
	v56 =	vmax.f32 v47, v50;
	v59 =	vmin.f32 v47, v50;
	v60 =	vmax.f32 v52, v26  }
0x78: {  	v61 =	vmin.f32 v52, v26;
	v13 =	vmax.f32 v48, v34;
	v11 =	vmax.f32 v11, v33  }
0x79: {  	v38 =	vmax.f32 v12, v10;
	v10 =	vmin.f32 v12, v10;
	v40 =	vmax.f32 v35, v1  }
0x7a: {  	v27 =	vld [tilespmem:s21+$0x20];
	v1 =	vmin.f32 v35, v1;
	v62 =	vmax.f32 v56, v60;
	v20 =	vmin.f32 v56, v60  }
0x7b: {  	v63 =	vld [tilespmem:s21+$0x420];
	v19 =	vmin.f32 v59, v61;
	v37 =	vmax.f32 v14, v11;
	v11 =	vmin.f32 v14, v11  }
0x7c: {  	v43 =	vmax.f32 v13, v9;
	v9 =	vmin.f32 v13, v9;
	v53 =	vmin.f32 v36, v39  }
0x7d: {  	v44 =	vmax.f32 v37, v40;
	v12 =	vmin.f32 v37, v40;
	v46 =	vmax.f32 v38, v43  }
0x7e: {  	v14 =	vmin.f32 v38, v43;
	v48 =	vmax.f32 v11, v1;
	v1 =	vmin.f32 v11, v1  }
0x7f: {  	v28 =	vld [tilespmem:s21+$0x820];
	v49 =	vmax.f32 v10, v9;
	v51 =	vmin.f32 v10, v9;
	v58 =	vmax.f32 v53, v55  }
0x80: {  	[tilespmem:$0x1FBB0] =	vst v25;
	v29 =	vld [tilespmem:s21+$0xC20];
	v17 =	vmin.f32 v53, v55;
	v25 =	vmin.f32 v27, v63;
	v9 =	vmax.f32 v44, v46  }
0x81: {  	v10 =	vmin.f32 v44, v46;
	v11 =	vmax.f32 v12, v14;
	v12 =	vmin.f32 v12, v14  }
0x82: {  	[tilespmem:$0x1FAC0] =	vst v16;
	v31 =	vld [tilespmem:s21+$0x1020];
	v13 =	vmax.f32 v48, v49;
	v14 =	vmin.f32 v48, v49;
	v15 =	vmax.f32 v1, v51  }
0x83: {  	[tilespmem:$0x1FBE0] =	vst v36;
	v32 =	vld [tilespmem:s21+$0x1420];
	v16 =	vmin.f32 v1, v51;
	v1 =	vmax.f32 v36, v39;
	v36 =	vmax.f32 v59, v61  }
0x84: {  	[tilespmem:$0x1FBD0] =	vst v39;
	v39 =	vmax.f32 v17, v19;
	v17 =	vmin.f32 v17, v19;
	v48 =	vmax.f32 v27, v63  }
0x85: {  	[tilespmem:$0x1FC10] =	vst v50;
	v49 =	vmax.f32 v28, v29;
	v50 =	vmin.f32 v28, v29;
	v57 =	vmax.f32 v1, v54  }
0x86: {  	[tilespmem:$0x1FB90] =	vst v23;
	v1 =	vmin.f32 v1, v54;
	v38 =	vmax.f32 v36, v20;
	v20 =	vmin.f32 v36, v20  }
0x87: {  	[tilespmem:$0x1FC40] =	vst v52;
	v33 =	vld [tilespmem:s21+$0x1820];
	v51 =	vmax.f32 v48, v49;
	v23 =	vmin.f32 v48, v49;
	v52 =	vmax.f32 v25, v50  }
0x88: {  	v34 =	vld [tilespmem:s21+$0x1C20];
	v25 =	vmin.f32 v25, v50;
	v53 =	vmax.f32 v31, v32;
	v30 =	vmin.f32 v31, v32  }
0x89: {  	v0 =	vmax.f32 v0, v16;
	v2 =	vmax.f32 v2, v15;
	v3 =	vmax.f32 v3, v14  }
0x8a: {  	v4 =	vmax.f32 v4, v13;
	v5 =	vmax.f32 v5, v12;
	v6 =	vmax.f32 v6, v11  }
0x8b: {  	v7 =	vmax.f32 v7, v10;
	v8 =	vmax.f32 v8, v9;
	v37 =	vmax.f32 v58, v1  }
0x8c: {  	[tilespmem:$0x1FBA0] =	vst v22;
	v1 =	vmin.f32 v58, v1;
	v22 =	vmax.f32 v57, v62;
	v21 =	vmin.f32 v57, v62  }
0x8d: {  	v54 =	vmax.f32 v33, v34;
	v55 =	vmin.f32 v33, v34;
	v58 =	vmax.f32 v52, v23  }
0x8e: {  	v23 =	vmin.f32 v52, v23;
	v40 =	vmax.f32 v37, v38;
	v18 =	vmin.f32 v37, v38  }
0x8f: {  	[tilespmem:$0x1FC00] =	vst v41;
	v41 =	vmax.f32 v1, v20;
	v1 =	vmin.f32 v1, v20;
	v56 =	vmax.f32 v53, v54  }
0x90: {  	[tilespmem:$0x1FC60] =	vst v27;
	v27 =	vmin.f32 v53, v54;
	v57 =	vmax.f32 v30, v55;
	v30 =	vmin.f32 v30, v55  }
0x91: {  	v43 =	vmax.f32 v40, v21;
	v19 =	vmin.f32 v40, v21;
	v44 =	vmax.f32 v39, v1  }
0x92: {  	v1 =	vmin.f32 v39, v1;
	v59 =	vmax.f32 v57, v27;
	v27 =	vmin.f32 v57, v27  }
0x93: {  	[tilespmem:$0x1FC80] =	vst v28;
	v60 =	vmax.f32 v51, v56;
	v28 =	vmin.f32 v51, v56;
	v61 =	vmax.f32 v25, v30  }
0x94: {  	[tilespmem:$0x1FBF0] =	vst v45;
	v25 =	vmin.f32 v25, v30;
	v45 =	vmax.f32 v41, v19;
	v19 =	vmin.f32 v41, v19  }
0x95: {  	[tilespmem:$0x1FC30] =	vst v26;
	v49 =	vld [tilespmem:s21+$0xFFFFE830];
	v46 =	vmax.f32 v44, v18;
	v18 =	vmin.f32 v44, v18;
	v62 =	vmax.f32 v58, v59  }
0x96: {  	[tilespmem:$0x1FC50] =	vst v63;
	v52 =	vld [tilespmem:s21+$0xFFFFEC30];
	v26 =	vmin.f32 v58, v59;
	v63 =	vmax.f32 v23, v27;
	v23 =	vmin.f32 v23, v27  }
0x97: {  	[tilespmem:$0x1FC20] =	vst v47;
	v22 =	vmax.f32 v22, v25;
	v17 =	vmax.f32 v17, v60;
	v47 =	vmax.f32 v46, v19  }
0x98: {  	v19 =	vmin.f32 v46, v19;
	v36 =	vmax.f32 v62, v28;
	v28 =	vmin.f32 v62, v28  }
0x99: {  	v37 =	vmax.f32 v61, v23;
	v23 =	vmin.f32 v61, v23;
	v38 =	vmin.f32 v63, v28  }
0x9a: {  	v39 =	vmax.f32 v37, v26;
	v28 =	vmax.f32 v63, v28;
	v26 =	vmin.f32 v37, v26  }
0x9b: {  	v54 =	vld [tilespmem:s21+$0xFFFFF030];
	v20 =	vmax.f32 v43, v23;
	v1 =	vmax.f32 v1, v36;
	v62 =	vmax.f32 v49, v52  }
0x9c: {  	v58 =	vld [tilespmem:s21+$0xFFFFF430];
	v40 =	vmax.f32 v39, v38;
	v41 =	vmin.f32 v39, v38;
	v43 =	vmax.f32 v45, v26  }
0x9d: {  	v18 =	vmax.f32 v18, v28;
	v21 =	vmax.f32 v47, v41;
	v19 =	vmax.f32 v19, v40  }
0x9e: {  	v35 =	vld [tilespmem:s21+$0xFFFFFC30];
	v46 =	vmax.f32 v20, v18;
	v18 =	vmin.f32 v20, v18;
	v48 =	vmax.f32 v43, v1  }
0x9f: {  	v60 =	vld [tilespmem:s21+$0xFFFFF830];
	v1 =	vmin.f32 v43, v1;
	v41 =	vmin.f32 v49, v52;
	v45 =	vmax.f32 v22, v19  }
0xa0: {  	v44 =	vld [tilespmem:s21+$0xFFFFE030];
	v19 =	vmin.f32 v22, v19;
	v50 =	vmax.f32 v21, v17;
	v17 =	vmin.f32 v21, v17  }
0xa1: {  	v37 =	vld [tilespmem:s21+$0x830];
	v43 =	vmax.f32 v54, v58;
	v51 =	vmax.f32 v45, v48;
	v20 =	vmin.f32 v45, v48  }
0xa2: {  	v38 =	vld [tilespmem:s21+$0xC30];
	v53 =	vmax.f32 v46, v50;
	v22 =	vmin.f32 v46, v50;
	v55 =	vmax.f32 v19, v1  }
0xa3: {  	v47 =	vld [tilespmem:s21+$0xFFFFE430];
	v56 =	vmin.f32 v19, v1;
	v57 =	vmax.f32 v18, v17;
	v59 =	vmin.f32 v18, v17  }
0xa4: {  	v45 =	vmax.f32 v60, v35;
	v46 =	vmin.f32 v60, v35;
	v17 =	vmax.f32 v51, v53  }
0xa5: {  	v18 =	vmin.f32 v51, v53;
	v1 =	vmax.f32 v20, v22;
	v19 =	vmin.f32 v20, v22  }
0xa6: {  	[tilespmem:$0x1FBC0] =	vst v24;
	v20 =	vmax.f32 v55, v57;
	v21 =	vmin.f32 v55, v57;
	v22 =	vmax.f32 v56, v59  }
0xa7: {  	[tilespmem:$0x1FCE0] =	vst v44;
	v23 =	vmin.f32 v56, v59;
	v27 =	vmin.f32 v43, v45;
	v59 =	vmax.f32 v37, v38  }
0xa8: {  	v36 =	vld [tilespmem:s21+$0x30];
	[tilespmem:$0x1FD40] =	vst v60;
	v60 =	vmin.f32 v37, v38;
	v61 =	vmax.f32 v44, v47;
	v40 =	vmin.f32 v44, v47  }
0xa9: {  	v48 =	vld [tilespmem:s21+$0x430];
	[tilespmem:$0x1FCD0] =	vst v47;
	v44 =	vmin.f32 v54, v58;
	v47 =	vmax.f32 v43, v45;
	v63 =	vmax.f32 v61, v62  }
0xaa: {  	[tilespmem:$0x1FC70] =	vst v29;
	v24 =	vmin.f32 v61, v62;
	v28 =	vmax.f32 v40, v41;
	v26 =	vmin.f32 v40, v41  }
0xab: {  	[tilespmem:$0x1FD00] =	vst v49;
	v49 =	vmax.f32 v44, v46;
	v29 =	vmin.f32 v44, v46;
	v50 =	vmax.f32 v28, v24  }
0xac: {  	v24 =	vmin.f32 v28, v24;
	v51 =	vmax.f32 v49, v27;
	v27 =	vmin.f32 v49, v27  }
0xad: {  	[tilespmem:$0x1FCF0] =	vst v52;
	v30 =	vmax.f32 v63, v47;
	v25 =	vmin.f32 v63, v47;
	v52 =	vmax.f32 v26, v29  }
0xae: {  	v39 =	vld [tilespmem:s21+$0x1030];
	[tilespmem:$0x1FD10] =	vst v58;
	v26 =	vmin.f32 v26, v29;
	v57 =	vmax.f32 v36, v48;
	v58 =	vmin.f32 v36, v48  }
0xaf: {  	[tilespmem:$0x1FD20] =	vst v54;
	v43 =	vld [tilespmem:s21+$0x1C30];
	v53 =	vmax.f32 v50, v51;
	v28 =	vmin.f32 v50, v51;
	v54 =	vmax.f32 v24, v27  }
0xb0: {  	[tilespmem:$0x1FCA0] =	vst v31;
	v40 =	vld [tilespmem:s21+$0x1430];
	v24 =	vmin.f32 v24, v27;
	v61 =	vmax.f32 v57, v59;
	v31 =	vmin.f32 v57, v59  }
0xb1: {  	[tilespmem:$0x1FCC0] =	vst v33;
	v41 =	vld [tilespmem:s21+$0x1830];
	v62 =	vmax.f32 v58, v60;
	v33 =	vmin.f32 v58, v60;
	v27 =	vmax.f32 v53, v25  }
0xb2: {  	v25 =	vmin.f32 v53, v25;
	v55 =	vmax.f32 v52, v24;
	v24 =	vmin.f32 v52, v24  }
0xb3: {  	[tilespmem:$0x1FC90] =	vst v32;
	v49 =	vmax.f32 v62, v31;
	v31 =	vmin.f32 v62, v31;
	v32 =	vmax.f32 v54, v25  }
0xb4: {  	v25 =	vmin.f32 v54, v25;
	v56 =	vmax.f32 v55, v28;
	v28 =	vmin.f32 v55, v28  }
0xb5: {  	v29 =	vmax.f32 v56, v25;
	v25 =	vmin.f32 v56, v25;
	v63 =	vmax.f32 v39, v40  }
0xb6: {  	[tilespmem:$0x1FD30] =	vst v35;
	v44 =	vmax.f32 v41, v43;
	v45 =	vmin.f32 v39, v40;
	v46 =	vmin.f32 v41, v43  }
0xb7: {  	[tilespmem:$0x1FD50] =	vst v48;
	v47 =	vmax.f32 v63, v44;
	v35 =	vmin.f32 v63, v44;
	v48 =	vmax.f32 v45, v46  }
0xb8: {  	[tilespmem:$0x1FD70] =	vst v38;
	v38 =	vmin.f32 v45, v46;
	v50 =	vmax.f32 v48, v35;
	v35 =	vmin.f32 v48, v35  }
0xb9: {  	[tilespmem:$0x1FD60] =	vst v36;
	v51 =	vmax.f32 v61, v47;
	v36 =	vmin.f32 v61, v47;
	v52 =	vmax.f32 v33, v38  }
0xba: {  	v33 =	vmin.f32 v33, v38;
	v47 =	vmax.f32 v0, v5;
	v48 =	vmax.f32 v2, v6  }
0xbb: {  	[tilespmem:$0x1FCB0] =	vst v34;
	v53 =	vmax.f32 v49, v50;
	v34 =	vmin.f32 v49, v50;
	v54 =	vmax.f32 v31, v35  }
0xbc: {  	v31 =	vmin.f32 v31, v35;
	v30 =	vmax.f32 v30, v33;
	v26 =	vmax.f32 v26, v51  }
0xbd: {  	v49 =	vmax.f32 v3, v7;
	v50 =	vmax.f32 v4, v8;
	v55 =	vmax.f32 v53, v36  }
0xbe: {  	v36 =	vmin.f32 v53, v36;
	v56 =	vmax.f32 v52, v31;
	v31 =	vmin.f32 v52, v31  }
0xbf: {  	v51 =	vmax.f32 v47, v49;
	v9 =	vmin.f32 v47, v49;
	v52 =	vmax.f32 v48, v50  }
0xc0: {  	v10 =	vmin.f32 v48, v50;
	v57 =	vmin.f32 v54, v36;
	v58 =	vmax.f32 v56, v34  }
0xc1: {  	v36 =	vmax.f32 v54, v36;
	v34 =	vmin.f32 v56, v34;
	v27 =	vmax.f32 v27, v31  }
0xc2: {  	v24 =	vmax.f32 v24, v55;
	v53 =	vmax.f32 v51, v52;
	v11 =	vmin.f32 v51, v52  }
0xc3: {  	v59 =	vmax.f32 v58, v57;
	v60 =	vmin.f32 v58, v57;
	v61 =	vmax.f32 v32, v34  }
0xc4: {  	v28 =	vmax.f32 v28, v36;
	v29 =	vmax.f32 v29, v60;
	v25 =	vmax.f32 v25, v59  }
0xc5: {  	v63 =	vmax.f32 v27, v28;
	v27 =	vmin.f32 v27, v28;
	v36 =	vmax.f32 v61, v24  }
0xc6: {  	[tilespmem:$0x1FD80] =	vst v37;
	v24 =	vmin.f32 v61, v24;
	v62 =	vmax.f32 v30, v25;
	v25 =	vmin.f32 v30, v25  }
0xc7: {  	[tilespmem:$0x1FDA0] =	vst v39;
	v37 =	vmax.f32 v29, v26;
	v26 =	vmin.f32 v29, v26;
	v38 =	vmax.f32 v62, v36  }
0xc8: {  	[tilespmem:$0x1FD90] =	vst v40;
	v28 =	vmin.f32 v62, v36;
	v39 =	vmax.f32 v63, v37;
	v30 =	vmin.f32 v63, v37  }
0xc9: {  	[tilespmem:$0x1FDC0] =	vst v41;
	v40 =	vmax.f32 v25, v24;
	v24 =	vmin.f32 v25, v24;
	v41 =	vmax.f32 v27, v26  }
0xca: {  	[tilespmem:$0x1FDB0] =	vst v43;
	v26 =	vmin.f32 v27, v26;
	v43 =	vmax.f32 v38, v39;
	v29 =	vmin.f32 v38, v39  }
0xcb: {  	v44 =	vmax.f32 v28, v30;
	v28 =	vmin.f32 v28, v30;
	v45 =	vmax.f32 v40, v41  }
0xcc: {  	v25 =	vmin.f32 v40, v41;
	v46 =	vmax.f32 v24, v26;
	v24 =	vmin.f32 v24, v26  }
0xcd: {  	v54 =	vmax.f32 v17, v24;
	v55 =	vmax.f32 v18, v46;
	v1 =	vmax.f32 v1, v25  }
0xce: {  	v56 =	vmax.f32 v19, v45;
	v57 =	vmax.f32 v20, v28;
	v58 =	vmax.f32 v21, v44  }
0xcf: {  	v59 =	vmax.f32 v22, v29;
	v60 =	vmax.f32 v23, v43;
	v20 =	vmin.f32 v54, v57  }
0xd0: {  	v21 =	vmin.f32 v55, v58;
	v22 =	vmin.f32 v1, v59;
	v23 =	vmin.f32 v56, v60  }
0xd1: {  	v61 =	vmax.f32 v9, v10;
	v62 =	vmin.f32 v20, v22;
	v63 =	vmin.f32 v21, v23  }
0xd2: {  	v9 =	vmin.f32 v9, v10;
	v27 =	vmax.f32 v20, v22;
	v28 =	vmin.f32 v62, v63  }
0xd3: {  	v21 =	vmax.f32 v21, v23;
	v29 =	vmax.f32 v62, v63;
	v12 =	vmax.f32 v53, v28  }
0xd4: {  	v30 =	vmin.f32 v27, v21;
	v11 =	vmax.f32 v11, v29;
	(xrf1) =	vsort.ascd.msk.f32 $0xffff, v12, v12  }
0xd5: {  	v10 =	vmax.f32 v27, v21;
	v12 =	vmax.f32 v61, v30;
	(xrf1) =	vsort.ascd.msk.f32 $0xffff, v11, v11  }
0xd6: {  	v9 =	vmax.f32 v9, v10;
	(xrf1) =	vsort.ascd.msk.f32 $0xffff, v12, v12  }
0xd7: {  	(xrf1) =	vsort.ascd.msk.f32 $0xffff, v9, v9;
	_ =	sdelay $0x1  }
0xd8: {  	v0 =	vmin.f32 v0, v5  }
0xd9: {  	v2 =	vmin.f32 v2, v6;
	v3 =	vmin.f32 v3, v7;
	v4 =	vmin.f32 v4, v8  }
0xda: {  	v5 =	vmax.f32 v0, v3;
	v6 =	vmax.f32 v2, v4  }
0xdb: {  	v0 =	vmin.f32 v0, v3;
	v2 =	vmin.f32 v2, v4;
	v3 =	vmax.f32 v5, v6  }
0xdc: {  	v4 =	vmin.f32 v5, v6;
	v33 =	vmax.f32 v0, v2;
	v5 =	vmax.f32 v54, v57  }
0xdd: {  	v31 =	vmax.f32 v55, v58;
	v1 =	vmax.f32 v1, v59;
	v32 =	vmax.f32 v56, v60  }
0xde: {  	v0 =	vmin.f32 v0, v2;
	v2 =	vmin.f32 v5, v1;
	v34 =	vmin.f32 v31, v32  }
0xdf: {  	v35 =	vmin.f32 v2, v34  }
0xe0: {  	v3 =	vmax.f32 v3, v35  }
0xe1: {  	v1 =	vmax.f32 v5, v1;
	v5 =	vmax.f32 v31, v32;
	v36, _, _ =	vpop (xrf1)  }
0xe2: {  	v2 =	vmax.f32 v2, v34;
	v37 =	vmax.f32 v1, v5;
	v38, _, _ =	vpop (xrf1)  }
0xe3: {  	v1 =	vmin.f32 v1, v5;
	v2 =	vmax.f32 v4, v2;
	(xrf1) =	vsort.ascd.msk.f32 $0xffff, v3, v3;
	v3, _, _ =	vpop (xrf1)  }
0xe4: {  	v1 =	vmax.f32 v33, v1;
	(xrf1) =	vsort.ascd.msk.f32 $0xffff, v2, v2;
	v2 =	vperm.xlane v38, v42;
	v4, _, _ =	vpop (xrf1)  }
0xe5: {  	v0 =	vmax.f32 v0, v37;
	(xrf1) =	vsort.ascd.msk.f32 $0xffff, v1, v1;
	v1 =	vperm.xlane v4, v42  }
0xe6: {  	(xrf1) =	vsort.ascd.msk.f32 $0xffff, v0, v0;
	v0 =	vmax.f32 v36, v2  }
0xe7: {  	(xrf1) =	vsort.ascd.msk.f32 $0xffff, v0, v0;
	v0 =	vmax.f32 v3, v1  }
0xe8: {  	(xrf1) =	vsort.ascd.msk.f32 $0xffff, v0, v0;
	_ =	sdelay $0x8  }
0xe9: {  	v0, _, _ =	vpop (xrf1)  }
0xea: {  	v1, _, _ =	vpop (xrf1)  }
0xeb: {  	v2, _, _ =	vpop (xrf1)  }
0xec: {  	v3, _, _ =	vpop (xrf1)  }
0xed: {  	v4, _, _ =	vpop (xrf1)  }
0xee: {  	v5, _, _ =	vpop (xrf1)  }
0xef: {  	v5 =	vperm.xlane v5, v42  }
0xf0: {  	v1 =	vperm.xlane v1, v42  }
0xf1: {  	v3 =	vperm.xlane v3, v42;
	v4 =	vmax.f32 v4, v5  }
0xf2: {  	v0 =	vmax.f32 v0, v1;
	(xrf1) =	vsort.ascd.msk.f32 $0xffff, v4, v4  }
0xf3: {  	(xrf1) =	vsort.ascd.msk.f32 $0xffff, v0, v0;
	v0 =	vmax.f32 v2, v3  }
0xf4: {  	(xrf1) =	vsort.ascd.msk.f32 $0xffff, v0, v0;
	_ =	sdelay $0x9  }
0xf5: {  	v49 =	vld [tilespmem:s21+$0x480]  }
0xf6: {  	v43 =	vld [tilespmem:s21+$0xFFFFF880]  }
0xf7: {  	v44 =	vld [tilespmem:s21+$0xFFFFFC80];
	v0, _, _ =	vpop (xrf1)  }
0xf8: {  	v45 =	vld [tilespmem:s21+$0x80];
	v1, _, _ =	vpop (xrf1)  }
0xf9: {  	v56 =	vld [tilespmem:s21+$0x1080];
	v2, _, _ =	vpop (xrf1)  }
0xfa: {  	v57 =	vld [tilespmem:s21+$0x1480];
	v2 =	vperm.xlane v2, v42  }
0xfb: {  	v59 =	vld [tilespmem:s21+$0x1880]  }
0xfc: {  	v60 =	vld [tilespmem:s21+$0x1C80];
	v1 =	vmax.f32 v1, v2  }
0xfd: {  	(xrf1) =	vsort.ascd.msk.f32 $0xffff, v1, v1  }
0xfe: {  	v52 =	vld [tilespmem:s21+$0x880]  }
0xff: {  	v53 =	vld [tilespmem:s21+$0xC80]  }
0x100: {  	v46 =	vmax.f32 v43, v44;
	v47 =	vmin.f32 v43, v44;
	v63 =	vmax.f32 v45, v49  }
0x101: {  	v23 =	vmax.f32 v56, v57;
	v24 =	vmax.f32 v59, v60;
	v25 =	vmin.f32 v56, v57  }
0x102: {  	v39 =	vld [tilespmem:s21+$0xFFFFEC80];
	v26 =	vmin.f32 v59, v60;
	v27 =	vmax.f32 v23, v24;
	v11 =	vmin.f32 v23, v24  }
0x103: {  	[tilespmem:$0x1FEA0] =	vst v56;
	v56 =	vld [tilespmem:s21+$0x90];
	v28 =	vmax.f32 v25, v26;
	v14 =	vmin.f32 v25, v26;
	v9 =	vmin.f32 v45, v49  }
0x104: {  	[tilespmem:$0x1FEB0] =	vst v60;
	v60 =	vld [tilespmem:s21+$0x490];
	v30 =	vmax.f32 v28, v11;
	v11 =	vmin.f32 v28, v11;
	v19 =	vmax.f32 v52, v53  }
0x105: {  	v20 =	vmin.f32 v52, v53;
	v21 =	vmax.f32 v63, v19;
	v7 =	vmin.f32 v63, v19;
	v63 =	vld [tilespmem:s21+$0x890]  }
0x106: {  	v22 =	vmax.f32 v9, v20;
	v31 =	vmax.f32 v21, v27;
	v12 =	vmin.f32 v21, v27;
	v21 =	vld [tilespmem:s21+$0xC90]  }
0x107: {  	v9 =	vmin.f32 v9, v20;
	v29 =	vmax.f32 v22, v7;
	v7 =	vmin.f32 v22, v7;
	v5 =	vld [tilespmem:s21+$0xFFFFE880]  }
0x108: {  	v32 =	vmax.f32 v9, v14;
	v9 =	vmin.f32 v9, v14;
	v33 =	vmax.f32 v29, v30;
	v4 =	vld [tilespmem:s21+$0xFFFFE480]  }
0x109: {  	v34 =	vmax.f32 v7, v11;
	v35 =	vmax.f32 v33, v12;
	v12 =	vmin.f32 v33, v12;
	v3 =	vld [tilespmem:s21+$0xFFFFE080]  }
0x10a: {  	v40 =	vld [tilespmem:s21+$0xFFFFF080];
	v10 =	vmin.f32 v29, v30;
	v7 =	vmin.f32 v7, v11;
	v37 =	vmin.f32 v34, v12  }
0x10b: {  	v41 =	vld [tilespmem:s21+$0xFFFFF480];
	v12 =	vmax.f32 v34, v12;
	v33 =	vmax.f32 v63, v21;
	v34 =	vmin.f32 v63, v21;
	v1, _, _ =	vpop (xrf1)  }
0x10c: {  	v24 =	vld [tilespmem:s21+$0x1090];
	v36 =	vmax.f32 v32, v7;
	v7 =	vmin.f32 v32, v7;
	v1 =	vperm.xlane v1, v42  }
0x10d: {  	v25 =	vld [tilespmem:s21+$0x1490];
	v32 =	vmin.f32 v56, v60;
	v38 =	vmax.f32 v36, v10;
	v10 =	vmin.f32 v36, v10  }
0x10e: {  	[tilespmem:$0x1FDF0] =	vst v39;
	v28 =	vld [tilespmem:s21+$0x1C90];
	v2 =	vmax.f32 v5, v39;
	v0 =	vmax.f32 v0, v1;
	v1 =	vmax.f32 v3, v4  }
0x10f: {  	v27 =	vld [tilespmem:s21+$0x1890];
	v36 =	vmax.f32 v32, v34;
	[tilespmem:$0x1FE00] =	vst v5;
	(xrf1) =	vsort.ascd.msk.f32 $0xffff, v0, v0;
	v0 =	vmax.f32 v1, v2  }
0x110: {  	[tilespmem:$0x1FDE0] =	vst v3;
	v1 =	vmin.f32 v1, v2;
	v2 =	vmin.f32 v3, v4;
	v3 =	vmin.f32 v5, v39  }
0x111: {  	[tilespmem:$0x1FDD0] =	vst v4;
	v5 =	vmin.f32 v40, v41;
	v39 =	vmax.f32 v38, v37;
	v4 =	vmax.f32 v2, v3  }
0x112: {  	v2 =	vmin.f32 v2, v3;
	v3 =	vmax.f32 v40, v41;
	v50 =	vmax.f32 v5, v47  }
0x113: {  	[tilespmem:$0x1FE20] =	vst v40;
	v5 =	vmin.f32 v5, v47;
	v40 =	vmin.f32 v38, v37;
	v37 =	vmax.f32 v24, v25  }
0x114: {  	v38 =	vmax.f32 v27, v28;
	v48 =	vmax.f32 v3, v46;
	v3 =	vmin.f32 v3, v46  }
0x115: {  	v51 =	vmax.f32 v4, v1;
	v1 =	vmin.f32 v4, v1;
	v55 =	vmax.f32 v2, v5  }
0x116: {  	v2 =	vmin.f32 v2, v5;
	v11 =	vmin.f32 v37, v38;
	v4 =	vmax.f32 v50, v3  }
0x117: {  	v3 =	vmin.f32 v50, v3;
	v54 =	vmax.f32 v0, v48;
	v0 =	vmin.f32 v0, v48  }
0x118: {  	v2 =	vmax.f32 v2, v31;
	v31 =	vmax.f32 v56, v60;
	v5 =	vmax.f32 v51, v4  }
0x119: {  	v4 =	vmin.f32 v51, v4;
	v58 =	vmax.f32 v1, v3;
	v1 =	vmin.f32 v1, v3  }
0x11a: {  	[tilespmem:$0x1FE50] =	vst v49;
	v6 =	vmax.f32 v54, v9;
	v9 =	vmin.f32 v32, v34;
	v3 =	vmax.f32 v5, v0  }
0x11b: {  	[tilespmem:$0x1FE80] =	vst v52;
	v0 =	vmin.f32 v5, v0;
	v5 =	vmax.f32 v55, v1;
	v1 =	vmin.f32 v55, v1  }
0x11c: {  	[tilespmem:$0x1FE10] =	vst v41;
	v61 =	vmax.f32 v58, v0;
	v0 =	vmin.f32 v58, v0;
	v62 =	vmax.f32 v5, v4  }
0x11d: {  	[tilespmem:$0x1FE40] =	vst v43;
	v43 =	vld [tilespmem:s21+$0xFFFFE090];
	v4 =	vmin.f32 v5, v4;
	v3 =	vmax.f32 v3, v7;
	v1 =	vmax.f32 v1, v35  }
0x11e: {  	[tilespmem:$0x1FE30] =	vst v44;
	v35 =	vmax.f32 v31, v33;
	v7 =	vmin.f32 v31, v33;
	v5 =	vmax.f32 v62, v0  }
0x11f: {  	[tilespmem:$0x1FE60] =	vst v45;
	v0 =	vmin.f32 v62, v0;
	v41 =	vmax.f32 v61, v10;
	v4 =	vmax.f32 v4, v12  }
0x120: {  	[tilespmem:$0x1FE70] =	vst v53;
	v53 =	vld [tilespmem:s21+$0xFFFFF490];
	v5 =	vmax.f32 v5, v40;
	v0 =	vmax.f32 v0, v39;
	v45 =	vmax.f32 v3, v4  }
0x121: {  	[tilespmem:$0x1FE90] =	vst v57;
	v46 =	vld [tilespmem:s21+$0xFFFFE490];
	v3 =	vmin.f32 v3, v4;
	v4 =	vmax.f32 v41, v1;
	v1 =	vmin.f32 v41, v1  }
0x122: {  	[tilespmem:$0x1FEE0] =	vst v43;
	v54 =	vld [tilespmem:s21+$0xFFFFF890];
	v39 =	vmin.f32 v24, v25;
	v40 =	vmin.f32 v27, v28;
	v41 =	vmax.f32 v37, v38  }
0x123: {  	[tilespmem:$0x1FFA0] =	vst v24;
	v55 =	vld [tilespmem:s21+$0xFFFFFC90];
	v44 =	vmax.f32 v6, v0;
	v0 =	vmin.f32 v6, v0;
	v48 =	vmax.f32 v5, v2  }
0x124: {  	[tilespmem:$0x1FFB0] =	vst v28;
	v51 =	vld [tilespmem:s21+$0xFFFFF090];
	v2 =	vmin.f32 v5, v2;
	v14 =	vmin.f32 v39, v40;
	v12 =	vmin.f32 v35, v41  }
0x125: {  	[tilespmem:$0x1FF80] =	vst v63;
	v31 =	vld [tilespmem:s21+$0xFFFFF8A0];
	v5 =	vmax.f32 v44, v4;
	v4 =	vmin.f32 v44, v4;
	v50 =	vmax.f32 v45, v48  }
0x126: {  	[tilespmem:$0x1FFC0] =	vst v27;
	v28 =	vld [tilespmem:s21+$0xFFFFFCA0];
	v6 =	vmin.f32 v45, v48;
	v52 =	vmax.f32 v0, v1;
	v0 =	vmin.f32 v0, v1  }
0x127: {  	v49 =	vld [tilespmem:s21+$0xFFFFEC90];
	[tilespmem:$0x1FED0] =	vst v46;
	v1 =	vmax.f32 v3, v2;
	v2 =	vmin.f32 v3, v2;
	v3 =	vmax.f32 v5, v50  }
0x128: {  	v47 =	vld [tilespmem:s21+$0xFFFFE890];
	v57 =	vmax.f32 v54, v55;
	v58 =	vmin.f32 v54, v55;
	[tilespmem:$0x1F930] =	vst v3;
	v3 =	vmin.f32 v5, v50  }
0x129: {  	v44 =	vmax.f32 v36, v7;
	v5 =	vmin.f32 v51, v53;
	[tilespmem:$0x1F940] =	vst v3;
	v3 =	vmax.f32 v4, v6  }
0x12a: {  	v7 =	vmin.f32 v36, v7;
	v61 =	vmax.f32 v5, v58;
	[tilespmem:$0x1F950] =	vst v3;
	v3 =	vmin.f32 v4, v6  }
0x12b: {  	v5 =	vmin.f32 v5, v58;
	v63 =	vmax.f32 v31, v28;
	[tilespmem:$0x1F960] =	vst v3;
	v3 =	vmax.f32 v52, v1  }
0x12c: {  	v4 =	vmax.f32 v0, v2;
	v0 =	vmin.f32 v0, v2;
	v1 =	vmin.f32 v52, v1;
	[tilespmem:$0x1F970] =	vst v3  }
0x12d: {  	v27 =	vld [tilespmem:s21+$0x8A0];
	v2 =	vmin.f32 v43, v46;
	[tilespmem:$0x1F980] =	vst v1;
	v1 =	vmax.f32 v43, v46;
	v3 =	vmax.f32 v47, v49  }
0x12e: {  	v24 =	vld [tilespmem:s21+$0xCA0];
	[tilespmem:$0x1F9B0] =	vst v0;
	v43 =	vmax.f32 v39, v40;
	v46 =	vmax.f32 v35, v41;
	v0 =	vmax.f32 v1, v3  }
0x12f: {  	v1 =	vmin.f32 v1, v3;
	v3 =	vmin.f32 v47, v49;
	v45 =	vmax.f32 v43, v11  }
0x130: {  	[tilespmem:$0x1FF00] =	vst v47;
	v11 =	vmin.f32 v43, v11;
	v47 =	vmax.f32 v9, v14;
	v9 =	vmin.f32 v9, v14  }
0x131: {  	[tilespmem:$0x1F990] =	vst v4;
	v4 =	vmax.f32 v2, v3;
	v2 =	vmin.f32 v2, v3;
	v3 =	vmax.f32 v51, v53  }
0x132: {  	[tilespmem:$0x1FEF0] =	vst v49;
	v48 =	vmax.f32 v44, v45;
	v10 =	vmin.f32 v44, v45;
	v49 =	vmax.f32 v7, v11  }
0x133: {  	v7 =	vmin.f32 v7, v11;
	v44 =	vmax.f32 v27, v24;
	v45 =	vmin.f32 v27, v24  }
0x134: {  	[tilespmem:$0x1FEC0] =	vst v59;
	v20 =	vld [tilespmem:s21+$0x1CA0];
	v59 =	vmax.f32 v3, v57;
	v3 =	vmin.f32 v3, v57;
	v62 =	vmax.f32 v4, v1  }
0x135: {  	[tilespmem:$0x1FF70] =	vst v21;
	v21 =	vld [tilespmem:s21+$0x18A0];
	v1 =	vmin.f32 v4, v1;
	v23 =	vmax.f32 v2, v5;
	v2 =	vmin.f32 v2, v5  }
0x136: {  	[tilespmem:$0x1FF20] =	vst v51;
	v50 =	vmax.f32 v48, v12;
	v12 =	vmin.f32 v48, v12;
	v51 =	vmax.f32 v47, v7  }
0x137: {  	v7 =	vmin.f32 v47, v7;
	v4 =	vmax.f32 v61, v3;
	v3 =	vmin.f32 v61, v3  }
0x138: {  	v22 =	vmax.f32 v0, v59;
	v0 =	vmin.f32 v0, v59;
	v52 =	vmin.f32 v49, v12  }
0x139: {  	[tilespmem:$0x1FF10] =	vst v53;
	v53 =	vmax.f32 v51, v10;
	v12 =	vmax.f32 v49, v12;
	v10 =	vmin.f32 v51, v10  }
0x13a: {  	v2 =	vmax.f32 v2, v46;
	v49 =	vmax.f32 v21, v20;
	v51 =	vmin.f32 v21, v20  }
0x13b: {  	[tilespmem:$0x1FF40] =	vst v54;
	v5 =	vmax.f32 v62, v4;
	v4 =	vmin.f32 v62, v4;
	v26 =	vmax.f32 v1, v3  }
0x13c: {  	[tilespmem:$0x1FF30] =	vst v55;
	v1 =	vmin.f32 v1, v3;
	v54 =	vmax.f32 v53, v52;
	v55 =	vmin.f32 v53, v52  }
0x13d: {  	v6 =	vmax.f32 v22, v9;
	v3 =	vmax.f32 v5, v0;
	v0 =	vmin.f32 v5, v0  }
0x13e: {  	v5 =	vmax.f32 v23, v1;
	v1 =	vmin.f32 v23, v1;
	v29 =	vmax.f32 v26, v0  }
0x13f: {  	[tilespmem:$0x1FF90] =	vst v25;
	v25 =	vld [tilespmem:s21+$0x10A0];
	v0 =	vmin.f32 v26, v0;
	v30 =	vmax.f32 v5, v4;
	v4 =	vmin.f32 v5, v4  }
0x140: {  	v22 =	vld [tilespmem:s21+$0x14A0];
	v3 =	vmax.f32 v3, v7;
	v1 =	vmax.f32 v1, v50;
	v5 =	vmax.f32 v30, v0  }
0x141: {  	[tilespmem:$0x1FF60] =	vst v56;
	v0 =	vmin.f32 v30, v0;
	v56 =	vmax.f32 v29, v10;
	v4 =	vmax.f32 v4, v12  }
0x142: {  	v12 =	vmin.f32 v31, v28;
	v5 =	vmax.f32 v5, v55;
	v0 =	vmax.f32 v0, v54  }
0x143: {  	v34 =	vld [tilespmem:s21+$0xFFFFE8A0];
	v59 =	vmax.f32 v3, v4;
	v3 =	vmin.f32 v3, v4;
	v4 =	vmax.f32 v56, v1  }
0x144: {  	v32 =	vld [tilespmem:s21+$0xFFFFF0A0];
	v1 =	vmin.f32 v56, v1;
	v58 =	vmax.f32 v6, v0;
	v0 =	vmin.f32 v6, v0  }
0x145: {  	[tilespmem:$0x1FF50] =	vst v60;
	v35 =	vld [tilespmem:s21+$0xFFFFE4A0];
	v60 =	vmax.f32 v5, v2;
	v2 =	vmin.f32 v5, v2;
	v48 =	vmax.f32 v25, v22  }
0x146: {  	v57 =	vld [tilespmem:s21+$0xFFFFE0A0];
	v50 =	vmin.f32 v25, v22;
	v5 =	vmax.f32 v58, v4;
	v4 =	vmin.f32 v58, v4  }
0x147: {  	v26 =	vld [tilespmem:s21+$0x4A0];
	v61 =	vmax.f32 v59, v60;
	v6 =	vmin.f32 v59, v60;
	v62 =	vmax.f32 v0, v1  }
0x148: {  	v30 =	vld [tilespmem:s21+$0xFFFFF4A0];
	v0 =	vmin.f32 v0, v1;
	v1 =	vmax.f32 v3, v2;
	v2 =	vmin.f32 v3, v2  }
0x149: {  	v29 =	vld [tilespmem:s21+$0xA0];
	v52 =	vmax.f32 v48, v49;
	v11 =	vmin.f32 v48, v49;
	v53 =	vmax.f32 v50, v51  }
0x14a: {  	v33 =	vld [tilespmem:s21+$0xFFFFECA0];
	v3 =	vmax.f32 v5, v61;
	v41 =	vmax.f32 v4, v6;
	v40 =	vmin.f32 v4, v6  }
0x14b: {  	v39 =	vmax.f32 v62, v1;
	v38 =	vmin.f32 v62, v1;
	v1 =	vmax.f32 v57, v35  }
0x14c: {  	v37 =	vmax.f32 v0, v2;
	v36 =	vmin.f32 v0, v2;
	v2 =	vmin.f32 v57, v35  }
0x14d: {  	v55 =	vmax.f32 v53, v11;
	v11 =	vmin.f32 v53, v11;
	[tilespmem:$0x1F9C0] =	vst v3;
	v3 =	vmin.f32 v5, v61  }
0x14e: {  	v5 =	vmin.f32 v32, v30;
	v23 =	vmax.f32 v29, v26;
	v43 =	vmin.f32 v29, v26  }
0x14f: {  	[tilespmem:$0x1F9A0] =	vst v3;
	v3 =	vmax.f32 v34, v33;
	v14 =	vmax.f32 v5, v12;
	v5 =	vmin.f32 v5, v12  }
0x150: {  	v46 =	vmax.f32 v23, v44;
	v7 =	vmin.f32 v23, v44;
	v47 =	vmax.f32 v43, v45  }
0x151: {  	v9 =	vmin.f32 v43, v45;
	v0 =	vmax.f32 v1, v3;
	v1 =	vmin.f32 v1, v3  }
0x152: {  	v3 =	vmin.f32 v34, v33;
	v54 =	vmax.f32 v47, v7;
	v7 =	vmin.f32 v47, v7  }
0x153: {  	v56 =	vmax.f32 v46, v52;
	v12 =	vmin.f32 v46, v52;
	v4 =	vmax.f32 v2, v3  }
0x154: {  	v2 =	vmin.f32 v2, v3;
	v3 =	vmax.f32 v32, v30;
	v58 =	vmax.f32 v54, v55  }
0x155: {  	v10 =	vmin.f32 v54, v55;
	v59 =	vmax.f32 v7, v11;
	v7 =	vmin.f32 v7, v11  }
0x156: {  	v13 =	vmax.f32 v3, v63;
	v3 =	vmin.f32 v3, v63;
	v15 =	vmax.f32 v4, v1  }
0x157: {  	v1 =	vmin.f32 v4, v1;
	v16 =	vmax.f32 v2, v5;
	v2 =	vmin.f32 v2, v5  }
0x158: {  	v60 =	vmax.f32 v58, v12;
	v12 =	vmin.f32 v58, v12;
	v4 =	vmax.f32 v14, v3  }
0x159: {  	v3 =	vmin.f32 v14, v3;
	v6 =	vmax.f32 v0, v13;
	v0 =	vmin.f32 v0, v13  }
0x15a: {  	v14 =	vmin.f32 v50, v51;
	v62 =	vmin.f32 v59, v12;
	v12 =	vmax.f32 v59, v12  }
0x15b: {  	v2 =	vmax.f32 v2, v56;
	v5 =	vmax.f32 v15, v4;
	v4 =	vmin.f32 v15, v4  }
0x15c: {  	[tilespmem:$0x1FFD0] =	vst v57;
	v17 =	vmax.f32 v1, v3;
	v1 =	vmin.f32 v1, v3;
	v57 =	vmax.f32 v9, v14  }
0x15d: {  	v9 =	vmin.f32 v9, v14;
	v3 =	vmax.f32 v5, v0;
	v0 =	vmin.f32 v5, v0  }
0x15e: {  	v5 =	vmax.f32 v16, v1;
	v1 =	vmin.f32 v16, v1;
	v61 =	vmax.f32 v57, v7  }
0x15f: {  	v7 =	vmin.f32 v57, v7;
	v6 =	vmax.f32 v6, v9;
	v8 =	vmax.f32 v17, v0  }
0x160: {  	v0 =	vmin.f32 v17, v0;
	v19 =	vmax.f32 v5, v4;
	v4 =	vmin.f32 v5, v4  }
0x161: {  	v18 =	vld [tilespmem:s21+$0xFFFFE8B0];
	v63 =	vmax.f32 v61, v10;
	v10 =	vmin.f32 v61, v10;
	v3 =	vmax.f32 v3, v7  }
0x162: {  	v13 =	vld [tilespmem:s21+$0xB0];
	v1 =	vmax.f32 v1, v60;
	v5 =	vmax.f32 v19, v0;
	v0 =	vmin.f32 v19, v0  }
0x163: {  	v14 =	vld [tilespmem:s21+$0xFFFFF4B0];
	v23 =	vmax.f32 v63, v62;
	v43 =	vmin.f32 v63, v62;
	v44 =	vmax.f32 v8, v10  }
0x164: {  	v15 =	vld [tilespmem:s21+$0xFFFFF8B0];
	v4 =	vmax.f32 v4, v12;
	v5 =	vmax.f32 v5, v43;
	v0 =	vmax.f32 v0, v23  }
0x165: {  	v16 =	vld [tilespmem:s21+$0xFFFFF0B0];
	v46 =	vmax.f32 v3, v4;
	v3 =	vmin.f32 v3, v4;
	v4 =	vmax.f32 v44, v1  }
0x166: {  	v17 =	vld [tilespmem:s21+$0xFFFFECB0];
	v1 =	vmin.f32 v44, v1;
	v45 =	vmax.f32 v6, v0;
	v0 =	vmin.f32 v6, v0  }
0x167: {  	v19 =	vld [tilespmem:s21+$0xFFFFE4B0];
	v47 =	vmax.f32 v5, v2;
	v2 =	vmin.f32 v5, v2;
	v5 =	vmax.f32 v45, v4  }
0x168: {  	v12 =	vld [tilespmem:s21+$0xFFFFFCB0];
	v4 =	vmin.f32 v45, v4;
	v48 =	vmax.f32 v46, v47;
	v6 =	vmin.f32 v46, v47  }
0x169: {  	v8 =	vld [tilespmem:s21+$0x4B0];
	v49 =	vmax.f32 v0, v1;
	v50 =	vmin.f32 v0, v1;
	v58 =	vmax.f32 v3, v2  }
0x16a: {  	v23 =	vld [tilespmem:s21+$0xFFFFE0B0];
	v2 =	vmin.f32 v3, v2;
	v43 =	vmin.f32 v16, v14;
	v10 =	vmax.f32 v5, v48  }
0x16b: {  	v11 =	vmin.f32 v5, v48;
	v63 =	vmax.f32 v4, v6;
	v62 =	vmin.f32 v4, v6  }
0x16c: {  	v61 =	vmax.f32 v49, v58;
	v60 =	vmin.f32 v49, v58;
	v4 =	vmax.f32 v18, v17  }
0x16d: {  	v59 =	vmax.f32 v50, v2;
	v58 =	vmin.f32 v50, v2;
	v5 =	vmin.f32 v18, v17  }
0x16e: {  	v44 =	vmax.f32 v15, v12;
	v57 =	vmin.f32 v15, v12;
	v48 =	vmin.f32 v13, v8  }
0x16f: {  	v3 =	vmax.f32 v23, v19;
	v55 =	vmax.f32 v43, v57;
	v57 =	vmin.f32 v43, v57  }
0x170: {  	v2 =	vmax.f32 v3, v4;
	v3 =	vmin.f32 v3, v4;
	v4 =	vmin.f32 v23, v19  }
0x171: {  	v51 =	vmax.f32 v4, v5;
	v4 =	vmin.f32 v4, v5;
	v5 =	vmax.f32 v16, v14  }
0x172: {  	v9 =	vld [tilespmem:s21+$0x1CB0];
	v43 =	vmax.f32 v13, v8;
	v56 =	vmax.f32 v5, v44;
	v5 =	vmin.f32 v5, v44  }
0x173: {  	v7 =	vld [tilespmem:s21+$0x8B0];
	v54 =	vmax.f32 v51, v3;
	v3 =	vmin.f32 v51, v3;
	v46 =	vmax.f32 v4, v57  }
0x174: {  	v6 =	vld [tilespmem:s21+$0x14B0];
	v4 =	vmin.f32 v4, v57;
	v45 =	vmax.f32 v55, v5;
	v5 =	vmin.f32 v55, v5  }
0x175: {  	v55 =	vld [tilespmem:s21+$0xCB0];
	v53 =	vmax.f32 v2, v56;
	v2 =	vmin.f32 v2, v56;
	v52 =	vmax.f32 v54, v45  }
0x176: {  	v57 =	vld [tilespmem:s21+$0x10B0];
	v54 =	vmin.f32 v54, v45;
	v51 =	vmax.f32 v3, v5;
	v5 =	vmin.f32 v3, v5  }
0x177: {  	v3 =	vmax.f32 v52, v2;
	v2 =	vmin.f32 v52, v2;
	v52 =	vld [tilespmem:s21+$0x18B0];
	v50 =	vmax.f32 v46, v5  }
0x178: {  	v49 =	vmax.f32 v51, v2;
	v2 =	vmin.f32 v51, v2;
	v47 =	vmax.f32 v50, v54  }
0x179: {  	v56 =	vmin.f32 v46, v5;
	v50 =	vmin.f32 v50, v54;
	v54 =	vmax.f32 v47, v2  }
0x17a: {  	v2 =	vmin.f32 v47, v2;
	v47 =	vmax.f32 v7, v55;
	v46 =	vmin.f32 v7, v55  }
0x17b: {  	v45 =	vmax.f32 v43, v47;
	v47 =	vmin.f32 v43, v47;
	v51 =	vmax.f32 v48, v46  }
0x17c: {  	v46 =	vmin.f32 v48, v46;
	v48 =	vmax.f32 v57, v6;
	v44 =	vmax.f32 v52, v9  }
0x17d: {  	v5 =	vmovc v42;
	v43 =	vmin.f32 v57, v6;
	v42 =	vmin.f32 v52, v9;
	v0 =	vmax.f32 v48, v44  }
0x17e: {  	v44 =	vmin.f32 v48, v44;
	v48 =	vmax.f32 v43, v42;
	v42 =	vmin.f32 v43, v42  }
0x17f: {  	v43 =	vmax.f32 v51, v47;
	v47 =	vmin.f32 v51, v47;
	v51 =	vmax.f32 v48, v44  }
0x180: {  	v44 =	vmin.f32 v48, v44;
	v48 =	vmax.f32 v45, v0;
	v0 =	vmin.f32 v45, v0  }
0x181: {  	v45 =	vmax.f32 v46, v42;
	v42 =	vmin.f32 v46, v42;
	v46 =	vmax.f32 v43, v51  }
0x182: {  	v43 =	vmin.f32 v43, v51;
	v51 =	vmax.f32 v47, v44;
	v44 =	vmin.f32 v47, v44  }
0x183: {  	v42 =	vmax.f32 v53, v42;
	v4 =	vmax.f32 v4, v48;
	v47 =	vmax.f32 v46, v0  }
0x184: {  	v1 =	vmin.f32 v46, v0;
	v46 =	vmax.f32 v45, v44;
	v44 =	vmin.f32 v45, v44  }
0x185: {  	v45 =	vmin.f32 v51, v1;
	v0 =	vmax.f32 v46, v43;
	v1 =	vmax.f32 v51, v1  }
0x186: {  	v43 =	vmin.f32 v46, v43;
	v3 =	vmax.f32 v3, v44;
	v56 =	vmax.f32 v56, v47  }
0x187: {  	v51 =	vmax.f32 v0, v45;
	v0 =	vmin.f32 v0, v45;
	v43 =	vmax.f32 v49, v43  }
0x188: {  	v1 =	vmax.f32 v50, v1;
	v0 =	vmax.f32 v54, v0;
	v2 =	vmax.f32 v2, v51  }
0x189: {  	v49 =	vmax.f32 v3, v1;
	v1 =	vmin.f32 v3, v1;
	v3 =	vmax.f32 v43, v56  }
0x18a: {  	v43 =	vmin.f32 v43, v56;
	v48 =	vmax.f32 v42, v2;
	v2 =	vmin.f32 v42, v2  }
0x18b: {  	v46 =	vld [tilespmem:$0x1F950];
	v50 =	vmax.f32 v0, v4;
	v0 =	vmin.f32 v0, v4;
	v4 =	vmax.f32 v48, v3  }
0x18c: {  	v47 =	vld [tilespmem:$0x1F960];
	v3 =	vmin.f32 v48, v3;
	v51 =	vmax.f32 v49, v50;
	v42 =	vmin.f32 v49, v50  }
0x18d: {  	v56 =	vld [tilespmem:$0x1F940];
	v53 =	vmax.f32 v2, v43;
	v2 =	vmin.f32 v2, v43;
	v54 =	vmax.f32 v1, v0  }
0x18e: {  	v0 =	vmin.f32 v1, v0;
	v48 =	vld [tilespmem:$0x1F970];
	v1 =	vmax.f32 v4, v51;
	v4 =	vmin.f32 v4, v51  }
0x18f: {  	v49 =	vld [tilespmem:$0x1F980];
	v45 =	vmax.f32 v3, v42;
	v3 =	vmin.f32 v3, v42;
	v42 =	vmax.f32 v53, v54  }
0x190: {  	v50 =	vld [tilespmem:$0x1F990];
	v43 =	vmin.f32 v53, v54;
	v44 =	vmax.f32 v2, v0;
	v0 =	vmin.f32 v2, v0  }
0x191: {  	v2 =	vld [tilespmem:$0x1F930];
	v0 =	vmax.f32 v10, v0;
	v10 =	vmax.f32 v11, v44;
	v11 =	vmax.f32 v63, v43  }
0x192: {  	v51 =	vld [tilespmem:$0x1F9A0];
	v42 =	vmax.f32 v62, v42;
	v3 =	vmax.f32 v61, v3;
	v43 =	vmax.f32 v60, v45  }
0x193: {  	v53 =	vld [tilespmem:$0x1F9B0];
	v4 =	vmax.f32 v59, v4;
	v1 =	vmax.f32 v58, v1;
	v44 =	vmin.f32 v0, v3  }
0x194: {  	v54 =	vld [tilespmem:$0x1F9C0];
	v45 =	vmin.f32 v10, v43;
	v60 =	vmin.f32 v11, v4;
	v61 =	vmin.f32 v42, v1  }
0x195: {  	v62 =	vmin.f32 v44, v60;
	v63 =	vmin.f32 v45, v61;
	v44 =	vmax.f32 v44, v60  }
0x196: {  	v45 =	vmax.f32 v45, v61;
	v60 =	vmin.f32 v62, v63;
	v61 =	vmax.f32 v62, v63  }
0x197: {  	v2 =	vmax.f32 v2, v36;
	v36 =	vmax.f32 v56, v37;
	v37 =	vmax.f32 v46, v38  }
0x198: {  	v38 =	vmax.f32 v47, v39;
	v39 =	vmax.f32 v48, v40;
	v40 =	vmax.f32 v49, v41  }
0x199: {  	v41 =	vmax.f32 v50, v51;
	v46 =	vmax.f32 v53, v54;
	v47 =	vmax.f32 v2, v39  }
0x19a: {  	v48 =	vmax.f32 v36, v40;
	v56 =	vmax.f32 v37, v41;
	v50 =	vmax.f32 v38, v46  }
0x19b: {  	v54 =	vmax.f32 v47, v56;
	v47 =	vmin.f32 v47, v56;
	v56 =	vmax.f32 v48, v50  }
0x19c: {  	v48 =	vmin.f32 v48, v50;
	v50 =	vmax.f32 v54, v56;
	v49 =	vmin.f32 v54, v56  }
0x19d: {  	v54 =	vmax.f32 v47, v48;
	v47 =	vmin.f32 v47, v48;
	v48 =	vmax.f32 v50, v60  }
0x19e: {  	v62 =	vmin.f32 v44, v45;
	v49 =	vmax.f32 v49, v61;
	(xrf1) =	vsort.ascd.msk.f32 $0xffff, v48, v48  }
0x19f: {  	v44 =	vmax.f32 v44, v45;
	v63 =	vmax.f32 v54, v62;
	(xrf1) =	vsort.ascd.msk.f32 $0xffff, v49, v49  }
0x1a0: {  	v44 =	vmax.f32 v47, v44;
	(xrf1) =	vsort.ascd.msk.f32 $0xffff, v63, v63  }
0x1a1: {  	(xrf1) =	vsort.ascd.msk.f32 $0xffff, v44, v44;
	_ =	sdelay $0x4  }
0x1a2: {  	v0 =	vmax.f32 v0, v3;
	v3 =	vmax.f32 v10, v43;
	v4 =	vmax.f32 v11, v4  }
0x1a3: {  	v1 =	vmax.f32 v42, v1;
	v2 =	vmin.f32 v2, v39;
	v37 =	vmin.f32 v37, v41  }
0x1a4: {  	v36 =	vmin.f32 v36, v40;
	v38 =	vmin.f32 v38, v46;
	v39 =	vmax.f32 v2, v37  }
0x1a5: {  	v40 =	vmax.f32 v36, v38;
	v50 =	vmin.f32 v3, v1;
	v49 =	vmin.f32 v0, v4  }
0x1a6: {  	v46 =	vmax.f32 v39, v40;
	v1 =	vmax.f32 v3, v1;
	v3 =	vmin.f32 v49, v50  }
0x1a7: {  	v11, _, _ =	vpop (xrf1);
	v2 =	vmin.f32 v2, v37;
	v36 =	vmin.f32 v36, v38;
	v3 =	vmax.f32 v46, v3  }
0x1a8: {  	v47 =	vmin.f32 v39, v40;
	v48 =	vmax.f32 v2, v36;
	v0 =	vmax.f32 v0, v4;
	v4, _, _ =	vpop (xrf1)  }
0x1a9: {  	v2 =	vmin.f32 v2, v36;
	v36 =	vmax.f32 v49, v50;
	v51 =	vmax.f32 v0, v1;
	v53, _, _ =	vpop (xrf1)  }
0x1aa: {  	v0 =	vmin.f32 v0, v1;
	v1 =	vmax.f32 v47, v36;
	(xrf1) =	vsort.ascd.msk.f32 $0xffff, v3, v3;
	v3, _, _ =	vpop (xrf1)  }
0x1ab: {  	v0 =	vmax.f32 v48, v0;
	(xrf1) =	vsort.ascd.msk.f32 $0xffff, v1, v1;
	v1 =	vperm.xlane v53, v5;
	v54, _, _ =	vpop (xrf1)  }
0x1ac: {  	v2 =	vmax.f32 v2, v51;
	(xrf1) =	vsort.ascd.msk.f32 $0xffff, v0, v0;
	v0 =	vperm.xlane v54, v5  }
0x1ad: {  	(xrf1) =	vsort.ascd.msk.f32 $0xffff, v2, v2;
	v1 =	vmax.f32 v4, v1  }
0x1ae: {  	v4 =	vld [tilespmem:$0x1F9E0];
	(xrf1) =	vsort.ascd.msk.f32 $0xffff, v1, v1;
	v0 =	vmax.f32 v3, v0  }
0x1af: {  	v3 =	vld [tilespmem:$0x1F9D0];
	(xrf1) =	vsort.ascd.msk.f32 $0xffff, v0, v0;
	_ =	sdelay $0x1  }
0x1b0: {  	v59 =	vld [tilespmem:$0x1FA10]  }
0x1b1: {  	v42 =	vld [tilespmem:$0x1FA50]  }
0x1b2: {  	v56 =	vld [tilespmem:$0x1FA00]  }
0x1b3: {  	v3 =	vadd.f32 v3, v4;
	v4 =	vld [tilespmem:$0x1F9F0]  }
0x1b4: {  	v43 =	vld [tilespmem:$0x1FA60]  }
0x1b5: {  	v45 =	vld [tilespmem:$0x1FA80]  }
0x1b6: {  	v60 =	vld [tilespmem:$0x1FA20]  }
0x1b7: {  	v61 =	vld [tilespmem:$0x1FA30];
	v0, _, _ =	vpop (xrf1)  }
0x1b8: {  	v62 =	vld [tilespmem:$0x1FA40];
	v1, _, _ =	vpop (xrf1);
	v4 =	vadd.f32 v4, v56  }
0x1b9: {  	v49 =	vld [tilespmem:$0x1FAC0];
	v2, _, _ =	vpop (xrf1)  }
0x1ba: {  	v50 =	vld [tilespmem:$0x1FB20];
	v58, _, _ =	vpop (xrf1)  }
0x1bb: {  	v44 =	vld [tilespmem:$0x1FA70];
	v63, _, _ =	vpop (xrf1)  }
0x1bc: {  	v46 =	vld [tilespmem:$0x1FA90];
	v3 =	vadd.f32 v4, v3;
	v4, _, _ =	vpop (xrf1)  }
0x1bd: {  	v47 =	vld [tilespmem:$0x1FAA0];
	v4 =	vperm.xlane v4, v5  }
0x1be: {  	v48 =	vld [tilespmem:$0x1FAB0];
	v36 =	vadd.f32 v59, v60;
	v37 =	vadd.f32 v61, v62;
	v1 =	vperm.xlane v1, v5  }
0x1bf: {  	v51 =	vld [tilespmem:$0x1FB30];
	v10 =	vperm.xlane v58, v5;
	v4 =	vmax.f32 v63, v4  }
0x1c0: {  	v59 =	vld [tilespmem:$0x1FB80];
	v36 =	vadd.f32 v37, v36;
	v0 =	vmax.f32 v0, v1;
	(xrf1) =	vsort.ascd.msk.f32 $0xffff, v4, v4  }
0x1c1: {  	(xrf1) =	vsort.ascd.msk.f32 $0xffff, v0, v0;
	v0 =	vmax.f32 v2, v10;
	v2 =	vld [tilespmem:$0x1FAD0]  }
0x1c2: {  	(xrf1) =	vsort.ascd.msk.f32 $0xffff, v0, v0;
	v0 =	vadd.f32 v36, v3;
	v3 =	vld [tilespmem:$0x1FAE0]  }
0x1c3: {  	v60 =	vld [tilespmem:$0x1FB90]  }
0x1c4: {  	v61 =	vld [tilespmem:$0x1FBA0]  }
0x1c5: {  	v62 =	vld [tilespmem:$0x1FBB0]  }
0x1c6: {  	v4 =	vld [tilespmem:$0x1FB00]  }
0x1c7: {  	v2 =	vadd.f32 v2, v3;
	v3 =	vld [tilespmem:$0x1FAF0]  }
0x1c8: {  	v53 =	vld [tilespmem:$0x1FB40]  }
0x1c9: {  	v54 =	vld [tilespmem:$0x1FB50]  }
0x1ca: {  	v37 =	vadd.f32 v42, v43;
	v56 =	vld [tilespmem:$0x1FB60]  }
0x1cb: {  	v39 =	vadd.f32 v44, v45;
	v40 =	vadd.f32 v46, v47;
	v58 =	vld [tilespmem:$0x1FB70]  }
0x1cc: {  	v41 =	vadd.f32 v48, v49;
	v3 =	vadd.f32 v3, v4;
	v4 =	vld [tilespmem:$0x1FB10]  }
0x1cd: {  	v63 =	vld [tilespmem:$0x1FBC0]  }
0x1ce: {  	v37 =	vadd.f32 v39, v37;
	v1 =	vadd.f32 v41, v40  }
0x1cf: {  	v38 =	vadd.f32 v60, v61  }
0x1d0: {  	v1 =	vadd.f32 v1, v37;
	v37 =	vadd.f32 v58, v59  }
0x1d1: {  	v10 =	vadd.f32 v51, v53;
	v4 =	vadd.f32 v4, v50  }
0x1d2: {  	v36 =	vadd.f32 v54, v56;
	v39 =	vadd.f32 v62, v63  }
0x1d3: {  	v2 =	vadd.f32 v3, v2;
	v3 =	vadd.f32 v10, v4  }
0x1d4: {  	v43 =	vld [tilespmem:$0x1FC00];
	v42 =	vadd.f32 v39, v38;
	v4 =	vadd.f32 v37, v36  }
0x1d5: {  	v0 =	vadd.f32 v1, v0;
	v1 =	vadd.f32 v3, v2;
	v3 =	vld [tilespmem:$0x1FBD0]  }
0x1d6: {  	v2 =	vadd.f32 v42, v4;
	v4 =	vld [tilespmem:$0x1FBE0]  }
0x1d7: {  	v44 =	vld [tilespmem:$0x1FC10]  }
0x1d8: {  	v45 =	vld [tilespmem:$0x1FC20]  }
0x1d9: {  	v46 =	vld [tilespmem:$0x1FC30]  }
0x1da: {  	v47 =	vld [tilespmem:$0x1FC40]  }
0x1db: {  	v3 =	vadd.f32 v3, v4;
	v4 =	vld [tilespmem:$0x1FBF0];
	_ =	sdelay $0x3  }
0x1dc: {  	v39, _, _ =	vpop (xrf1);
	v10 =	vadd.f32 v44, v45  }
0x1dd: {  	v59, _, _ =	vpop (xrf1);
	v36 =	vadd.f32 v46, v47;
	v4 =	vadd.f32 v4, v43  }
0x1de: {  	v48 =	vld [tilespmem:$0x1FC50];
	v60, _, _ =	vpop (xrf1)  }
0x1df: {  	v49 =	vld [tilespmem:$0x1FC60];
	v3 =	vadd.f32 v4, v3;
	v4 =	vadd.f32 v36, v10;
	v10 =	vperm.xlane v60, v5  }
0x1e0: {  	v58 =	vld [tilespmem:$0x1FCC0]  }
0x1e1: {  	v42 =	vmovc v5;
	v1 =	vadd.f32 v2, v1;
	v5 =	vld [tilespmem:$0x1FD20];
	v2 =	vadd.f32 v4, v3;
	v3 =	vmax.f32 v59, v10  }
0x1e2: {  	(xrf1) =	vsort.ascd.msk.f32 $0xffff, v3, v3;
	v3 =	vld [tilespmem:$0x1FD10]  }
0x1e3: {  	v51 =	vld [tilespmem:$0x1FC80]  }
0x1e4: {  	v53 =	vld [tilespmem:$0x1FC90]  }
0x1e5: {  	v54 =	vld [tilespmem:$0x1FCA0]  }
0x1e6: {  	v37 =	vadd.f32 v48, v49;
	v48 =	vld [tilespmem:$0x1FD40]  }
0x1e7: {  	v3 =	vadd.f32 v3, v5;
	v5 =	vld [tilespmem:$0x1FD30]  }
0x1e8: {  	v56 =	vld [tilespmem:$0x1FCB0]  }
0x1e9: {  	v63 =	vld [tilespmem:$0x1FCD0]  }
0x1ea: {  	v50 =	vld [tilespmem:$0x1FC70]  }
0x1eb: {  	v49 =	vld [tilespmem:$0x1FD60]  }
0x1ec: {  	v36 =	vadd.f32 v5, v48;
	v5 =	vld [tilespmem:$0x1FD50]  }
0x1ed: {  	v44 =	vld [tilespmem:$0x1FCE0]  }
0x1ee: {  	v45 =	vld [tilespmem:$0x1FCF0]  }
0x1ef: {  	v46 =	vld [tilespmem:$0x1FD00];
	v38 =	vadd.f32 v50, v51  }
0x1f0: {  	v40 =	vadd.f32 v53, v54;
	v41 =	vadd.f32 v56, v58;
	v50 =	vld [tilespmem:$0x1FD80]  }
0x1f1: {  	v61 =	vadd.f32 v38, v37;
	v37 =	vadd.f32 v5, v49;
	v5 =	vld [tilespmem:$0x1FD70];
	_ =	sdelay $0x1  }
0x1f2: {  	v62 =	vadd.f32 v41, v40  }
0x1f3: {  	v38 =	vadd.f32 v63, v44;
	v40 =	vadd.f32 v45, v46  }
0x1f4: {  	v51 =	vld [tilespmem:$0x1FDA0]  }
0x1f5: {  	v47 =	vadd.f32 v40, v38;
	v38 =	vadd.f32 v5, v50;
	v5 =	vld [tilespmem:$0x1FD90];
	_ =	sdelay $0x3  }
0x1f6: {  	v53 =	vld [tilespmem:$0x1FDC0]  }
0x1f7: {  	v40 =	vadd.f32 v5, v51;
	v5 =	vld [tilespmem:$0x1FDB0];
	_ =	sdelay $0x4  }
0x1f8: {  	v0 =	vadd.f32 $0.0e+00, v0;
	v41 =	vadd.f32 v5, v53  }
0x1f9: {  	v4 =	vadd.f32 v62, v61;
	v3 =	vadd.f32 v36, v3  }
0x1fa: {  	v54 =	vadd.f32 v38, v37;
	v56 =	vadd.f32 v41, v40  }
0x1fb: {  	v0 =	vadd.f32 v1, v0;
	v1 =	vadd.f32 v4, v2  }
0x1fc: {  	v2 =	vadd.f32 v3, v47;
	v3 =	vadd.f32 v56, v54;
	_ =	sdelay $0x1  }
0x1fd: {  	v0 =	vadd.f32 v1, v0;
	v1 =	vadd.f32 v3, v2  }
0x1fe: {  	v2 =	vld [tilespmem:$0x1FDE0]  }
0x1ff: {  	v0 =	vadd.f32 v1, v0;
	v1 =	vld [tilespmem:$0x1FDD0];
	_ =	sdelay $0x3  }
0x200: {  	v3 =	vld [tilespmem:$0x1FE00]  }
0x201: {  	v1 =	vadd.f32 v1, v2;
	v2 =	vld [tilespmem:$0x1FDF0];
	_ =	sdelay $0x3  }
0x202: {  	v4 =	vld [tilespmem:$0x1FE20]  }
0x203: {  	v2 =	vadd.f32 v2, v3;
	v3 =	vld [tilespmem:$0x1FE10];
	_ =	sdelay $0x3  }
0x204: {  	v5 =	vld [tilespmem:$0x1FE40]  }
0x205: {  	v3 =	vadd.f32 v3, v4;
	v4 =	vld [tilespmem:$0x1FE30];
	_ =	sdelay $0x3  }
0x206: {  	v59 =	vld [tilespmem:$0x1FE60]  }
0x207: {  	v4 =	vadd.f32 v4, v5;
	v5 =	vld [tilespmem:$0x1FE50];
	_ =	sdelay $0x3  }
0x208: {  	v11 =	vsel vm0, $0x0, v11;
	v60 =	vld [tilespmem:$0x1FE80]  }
0x209: {  	(xrf2) =	vadd.scan.msk.f32 $0xffff, v11;
	v11 =	vadd.f32 v5, v59;
	v5 =	vld [tilespmem:$0x1FE70];
	_ =	sdelay $0x3  }
0x20a: {  	v62 =	vld [tilespmem:$0x1FEA0]  }
0x20b: {  	v36 =	vadd.f32 v5, v60;
	v5 =	vld [tilespmem:$0x1FE90];
	_ =	sdelay $0x3  }
0x20c: {  	v63 =	vld [tilespmem:$0x1FEC0]  }
0x20d: {  	v38 =	vadd.f32 v5, v62;
	v5 =	vld [tilespmem:$0x1FEB0];
	_ =	sdelay $0x2  }
0x20e: {  	v58, _, _ =	vpop (xrf2)  }
0x20f: {  	v10 =	vperm.xlane v58, v42  }
0x210: {  	v40 =	vadd.f32 v5, v63  }
0x211: {  	v1 =	vadd.f32 v2, v1;
	v2 =	vadd.f32 v4, v3;
	v3 =	vnsel vm1, $0x0, v10  }
0x212: {  	(xrf2) =	vadd.scan.msk.f32 $0xffff, v3;
	v3 =	vadd.f32 v36, v11;
	v4 =	vadd.f32 v40, v38  }
0x213: {  	(xrf2) =	vadd.scan.msk.f32 $0xffff, v0;
	v0 =	vadd.f32 v2, v1;
	v2 =	vld [tilespmem:$0x1FED0]  }
0x214: {  	v1 =	vadd.f32 v4, v3;
	v3 =	vld [tilespmem:$0x1FEE0];
	_ =	sdelay $0x3  }
0x215: {  	v4 =	vld [tilespmem:$0x1FF00]  }
0x216: {  	v2 =	vadd.f32 v2, v3;
	v3 =	vld [tilespmem:$0x1FEF0];
	_ =	sdelay $0x3  }
0x217: {  	v5 =	vld [tilespmem:$0x1FF20]  }
0x218: {  	v3 =	vadd.f32 v3, v4;
	v4 =	vld [tilespmem:$0x1FF10];
	_ =	sdelay $0x3  }
0x219: {  	v43 =	vld [tilespmem:$0x1FF40]  }
0x21a: {  	v4 =	vadd.f32 v4, v5;
	v5 =	vld [tilespmem:$0x1FF30];
	_ =	sdelay $0x3  }
0x21b: {  	v44 =	vld [tilespmem:$0x1FF60]  }
0x21c: {  	v10 =	vadd.f32 v5, v43;
	v5 =	vld [tilespmem:$0x1FF50];
	_ =	sdelay $0x3  }
0x21d: {  	v45 =	vld [tilespmem:$0x1FF80]  }
0x21e: {  	v11 =	vadd.f32 v5, v44;
	v5 =	vld [tilespmem:$0x1FF70];
	_ =	sdelay $0x2  }
0x21f: {  	v61, _, _ =	vpop (xrf1)  }
0x220: {  	v46 =	vld [tilespmem:$0x1FFA0];
	v37 =	vperm.xlane v61, v42  }
0x221: {  	v36 =	vadd.f32 v5, v45;
	v5 =	vld [tilespmem:$0x1FF90]  }
0x222: {  	v41 =	vmax.f32 v39, v37  }
0x223: {  	(xrf1) =	vsort.ascd.msk.f32 $0xffff, v41, v41;
	_ =	sdelay $0x1  }
0x224: {  	v47 =	vld [tilespmem:$0x1FFC0]  }
0x225: {  	v37 =	vadd.f32 v5, v46;
	v5 =	vld [tilespmem:$0x1FFB0];
	_ =	sdelay $0x2  }
0x226: {  	v2 =	vadd.f32 v3, v2;
	v3 =	vadd.f32 v10, v4  }
0x227: {  	v24 =	vadd.f32 v24, v27;
	v20 =	vadd.f32 v20, v21  }
0x228: {  	v22 =	vadd.f32 v22, v25;
	v38 =	vadd.f32 v5, v47  }
0x229: {  	v0 =	vadd.f32 v1, v0;
	v1 =	vadd.f32 v3, v2  }
0x22a: {  	v3, _, _ =	vpop (xrf2);
	v4 =	vadd.f32 v36, v11;
	v48 =	vadd.f32 v38, v37  }
0x22b: {  	v28 =	vadd.f32 v28, v31;
	v20 =	vadd.f32 v20, v22;
	v50, _, _ =	vpop (xrf2)  }
0x22c: {  	v26 =	vadd.f32 v26, v29;
	v11 =	vperm.xlane v50, v42;
	v2 =	vadd.f32 v48, v4;
	v4 =	vld [tilespmem:$0x1FFD0]  }
0x22d: {  	v30 =	vadd.f32 v30, v32;
	v12 =	vadd.f32 v12, v15  }
0x22e: {  	v8 =	vadd.f32 v8, v13;
	v7 =	vadd.f32 v55, v7;
	v53, _, _ =	vpop (xrf1);
	v11 =	vnsel vm1, $0x0, v11  }
0x22f: {  	v14 =	vadd.f32 v14, v16;
	v6 =	vadd.f32 v6, v57;
	v21 =	vsel vm0, $0x0, v53;
	(xrf2) =	vadd.scan.msk.f32 $0xffff, v11  }
0x230: {  	v7 =	vadd.f32 v7, v8;
	v58 =	vadd.f32 v17, v18;
	(xrf2) =	vadd.scan.msk.f32 $0xffff, v21  }
0x231: {  	v49 =	vadd.f32 v33, v34;
	v4 =	vadd.f32 v35, v4  }
0x232: {  	v51 =	vadd.f32 v28, v30;
	v56 =	vadd.f32 v19, v23  }
0x233: {  	v54 =	vadd.f32 v24, v26;
	v4 =	vadd.f32 v49, v4  }
0x234: {  	v59 =	vadd.f32 v58, v56;
	v5 =	vadd.f32 v9, v52  }
0x235: {  	v1 =	vadd.f32 v2, v1;
	v2 =	vadd.f32 v51, v4  }
0x236: {  	v0 =	vadd.f32 $0.0e+00, v0;
	v5 =	vadd.f32 v5, v6  }
0x237: {  	v60 =	vadd.f32 v12, v14;
	v4 =	vadd.f32 v20, v54  }
0x238: {  	v5 =	vadd.f32 v5, v7;
	v0 =	vadd.f32 v1, v0  }
0x239: {  	v1 =	vadd.f32 v4, v2;
	v4 =	vadd.f32 v60, v59;
	v2, _, _ =	vpop (xrf2)  }
0x23a: {  	v61, _, _ =	vpop (xrf2)  }
0x23b: {  	v0 =	vadd.f32 v1, v0;
	v1 =	vadd.f32 v5, v4;
	v4 =	vperm.xlane v61, v42;
	_ =	sdelay $0x1  }
0x23c: {  	v0 =	vadd.f32 v1, v0;
	v1 =	vnsel vm1, $0x0, v4  }
0x23d: {  	(xrf2) =	vadd.scan.msk.f32 $0xffff, v1  }
0x23e: {  	(xrf2) =	vadd.scan.msk.f32 $0xffff, v0;
	_ =	sdelay $0x8  }
0x23f: {  	v0, _, _ =	vpop (xrf2)  }
0x240: {  	v1, _, _ =	vpop (xrf2)  }
0x241: {  	v1 =	vperm.xlane v1, v42;
	_ =	sdelay $0x1  }
0x242: {  	v1 =	vnsel vm1, $0x0, v1  }
0x243: {  	(xrf2) =	vadd.scan.msk.f32 $0xffff, v1;
	_ =	sdelay $0x5  }
0x244: {  	v62 =	vld [tilespmem:$0x1FFE0]  }
0x245: {  	v63 =	vld [tilespmem:$0x1FFF0]  }
0x246: {  	p0 =	sne.s32 s22, $0x6  }
.Ltmp0:
0x247: {  	s23 =	sadd.s32 s22, s17;
	(pc) =	sbr.rel @p0 .LBB2_3-.Ltmp0, $4  }
0x248: {  	v5 =	vlaneseq.u32;
	v1 =	vmul.f32 $9.765625000e-04, v2;
	v2 =	vmov s23;
	s23 =	sadd.s32 $0x1, s23;
	v4, _, _ =	vpop (xrf2)  }
0x249: {  	vm2 =	veq.s32 v2, v5;
	v2 =	vmul.f32 $9.765625000e-04, v4;
	v4 =	vmov s23  }
0x24a: {  	v3 =	vsel vm2, v3, v62;
	v1 =	vsel vm2, v1, v63;
	vm2 =	veq.s32 v4, v5  }
0x24b: {  	s22 =	sadd.s32 $0x2, s22;
	s21 =	sadd.s32 $0x100, s21;
	v3 =	vsel vm2, v0, v3;
	v0 =	vsel vm2, v2, v1  }
0x24c: {  	s21 =	sand.u32 $0x1, s18;
	s17 =	sand.u32 $0xFF, s18  }
0x24d: {  	p0 =	seq.s32 s21, $0x1;
	p1 =	seq.s32 s17, $0x6  }
0x24e: {  	p0 =	por p1, p0  }
0x24f: {  	s18 =	sand.u32 @p0 $0x30, s20  }
0x250: {  	[tilespmem:s18+$0x8000] =	vst @p0 v3  }
0x251: {  	[tilespmem:s18+$0x8400] =	vst @p0 v0;
	p0 =	sne.s32 s17, $0x6  }
0x252: {  	s16 =	smul.u32 @!p0 $0xE000, s16  }
0x253: {  	s17 =	sshll.u32 @!p0 s19, $0xA  }
0x254: {  	s16 =	sadd.s32 @!p0 s17, s16  }
0x255: {  	s16 =	sshrl.u32 @!p0 s16, $0x3  }
0x256: {  	s18 =	simm.s32 @!p0 $0x0;
	s19 =	simm.s32 @!p0 $0x8000;
	s17 =	sadd.s32 @!p0 s5, s16  }
0x257: {  	[hbm4b:s17+s18] =	stream.linear.scatter @!p0 [tilespmem:s19], [sflag:$0x3], $0x400, $0x38;
	[tilespmem:$0x8800] =	vst v63  }
0x258: {  	s17 =	simm.s32 @!p0 $0x3  }
0x259: {  	s15 =	sadd.s32 $0x1, s15;
	_ =	swait.ge @!p0 [sflag:s17], $0x400  }
0x25a: {  	p1 =	sne.s32 s15, $0x31;
	[sflag:s17] =	ssyncset.done @!p0 $0x0  }
0x25b: {  	s16 =	sadd.s32 @!p0 s6, s16;
	[sflag:s17] =	ssyncadd.s32 @!p0 $0xFFFFFC00;
	s17 =	simm.s32 @!p0 $0x8400  }
0x25c: {  	[hbm4b:s16+s18] =	stream.linear.scatter @!p0 [tilespmem:s17], [sflag:$0x2], $0x400, $0x38;
	[tilespmem:$0x8800] =	vst v63  }
.Ltmp1:
0x25d: {  	_ = 	snop;
	(pc) =	sbr.rel @p1 .LBB2_2-.Ltmp1, $4  }
0x25e: {  	s16 =	simm.s32 @!p0 $0x2  }
0x25f: {  	_ =	swait.ge @!p0 [sflag:s16], $0x400  }
0x260: {  	[sflag:s16] =	ssyncset.done @!p0 $0x0  }
0x261: {  	s14 =	sadd.s32 $0x8, s14;
	s13 =	sadd.s32 $0x1, s13;
	[sflag:s16] =	ssyncadd.s32 @!p0 $0xFFFFFC00  }
0x262: {  	s12 =	sadd.s32 $0x1, s12  }
0x263: {  	p0 =	sne.s32 s12, s8  }
.Ltmp2:
0x264: {  	_ = 	snop;
	(pc) =	sbr.rel @p0 .LBB2_1-.Ltmp2, $1  }
0x265: {  	_ =	sdelay $0x3  }
0x266: {  	_ =	sfence.sel $0x180000  }
0x267: {  	[bflag:$0x0] =	sbarrier.arrive $0xFFFF  }
0x268: {  	p0 =	sne.s32 s1, $0x0;
	_ =	strace $0x90000047  }
0x269: {  	s0 =	sadd.s32 @!p0 $0x100000, s0;
	[bflag:$0x2] =	sbarrier.arrive $0xFFFF  }
0x26a: {  	[sflag:s0] =	ssyncadd.tile.s32 @!p0 $0x1;
	_ =	shalt  }
.Lfunc_end2:
_tile_overlayer_lowered:
.L_overlay_start_2:
0x26b: {  	(tag) =	ssettag $0x2  }
0x26c: {  	s0 =	rddreg [dreg:$0x0];
	s2 =	stileid.u32  }
0x26d: {  	s1 =	rddreg [dreg:$0x1];
	p0 =	sne.s32 s2, $0x0  }
0x26e: {  	s3 =	rddreg [dreg:$0x2];
	[bflag:$0x3] =	sbarrier.arrive $0xFFFF;
	s2 =	simm.s32 @!p0 $0x1C02  }
0x26f: {  	[timem:s3], [sflag:s2] =	dma.local @!p0 [hbm:s0], s1  }
0x270: {  	s0 =	simm.s32 @!p0 $0x2  }
0x271: {  	_ =	swait.ge @!p0 [sflag:s0], s1  }
0x272: {  	s1 =	ssub.s32 @!p0 $0x0, s1;
	[sflag:s0] =	ssyncset.done @!p0 $0x0  }
0x273: {  	[sflag:s0] =	ssyncadd.s32 @!p0 s1  }
0x274: {  	[bflag:$0x3] =	sbarrier.arrive $0xFFFF  }
0x275: {  	_ =	shalt  }

</sc_bundles>
